<compile_context>
chip_gen: v7x
topology: tpu7x:2x2x1
jax: 0.10.2.dev20260603
libtpu: 0.0.44.dev20260713+nightly
codegen_flags: <defaults>
</compile_context>

<pallas_src>
import functools

import jax
import jax.numpy as jnp
from jax import lax
from jax.experimental import pallas as pl
from jax.experimental.pallas import tpu as pltpu
from jax.experimental.pallas import tpu_sc as plsc

N_PAD = 10240
D = 128
NC, NS = 2, 16
K1 = 80
K2 = 28
K2C = 2 * K2
DEC_ROWS = NS * K2C * 128
ROWS = N_PAD // NS
TC_NB = 1024

_MESH = plsc.VectorSubcoreMesh(core_axis_name="c", subcore_axis_name="s")



@functools.partial(
    pl.kernel, mesh=_MESH,
    compiler_params=pltpu.CompilerParams(needs_layout_passes=False),
    out_type=jax.ShapeDtypeStruct((NC, N_PAD, 16), jnp.float32),
    scratch_types=[
        pltpu.VMEM((K1, 128), jnp.int32),
        pltpu.VMEM((128, 16), jnp.float32),
        pltpu.VMEM_SHARED((N_PAD, 16), jnp.float32),
    ],
)
def _sc_deg(dst_hbm, zeros_hbm, ones_hbm, out_hbm, idx_v, ones_v, acc_sh):
    c = lax.axis_index("c")
    s = lax.axis_index("s")
    pltpu.sync_copy(dst_hbm.at[c, s], idx_v)
    pltpu.sync_copy(ones_hbm, ones_v)
    pltpu.sync_copy(zeros_hbm.at[pl.ds(s * ROWS, ROWS)],
                    acc_sh.at[pl.ds(s * ROWS, ROWS)])
    plsc.subcore_barrier()

    def body(j, carry):
        pltpu.sync_copy(ones_v, acc_sh.at[idx_v.at[j]], add=True)
        return carry

    lax.fori_loop(0, K1, body, 0)
    plsc.subcore_barrier()
    pltpu.sync_copy(acc_sh.at[pl.ds(s * ROWS, ROWS)],
                    out_hbm.at[c, pl.ds(s * ROWS, ROWS)])


@functools.partial(
    pl.kernel, mesh=_MESH,
    compiler_params=pltpu.CompilerParams(needs_layout_passes=False),
    out_type=jax.ShapeDtypeStruct((NC, N_PAD, D), jnp.float32),
    scratch_types=[
        pltpu.VMEM((K1 // 2, 128), jnp.int32),
        pltpu.VMEM((K1 // 2, 128), jnp.int32),
        pltpu.VMEM((128, D), jnp.float32),
        pltpu.VMEM((128, D), jnp.float32),
        pltpu.VMEM_SHARED((N_PAD, D), jnp.float32),
        pltpu.SemaphoreType.DMA,
        pltpu.SemaphoreType.DMA,
    ],
)
def _sc_gather_scatter(h_hbm, src_hbm, dst_hbm, zeros_hbm, out_hbm,
                       isrc, idst, g0, g1, acc_sh, s0, s1):
    c = lax.axis_index("c")
    s = lax.axis_index("s")
    KH = K1 // 2
    pltpu.sync_copy(zeros_hbm.at[pl.ds(s * ROWS, ROWS)],
                    acc_sh.at[pl.ds(s * ROWS, ROWS)])
    plsc.subcore_barrier()

    for ph in range(2):
        pltpu.sync_copy(src_hbm.at[c, s, pl.ds(ph * KH, KH)], isrc)
        pltpu.sync_copy(dst_hbm.at[c, s, pl.ds(ph * KH, KH)], idst)
        pltpu.async_copy(h_hbm.at[isrc.at[0]], g0, s0)
        pltpu.async_copy(h_hbm.at[isrc.at[1]], g1, s1)

        def body(i, carry):
            j = 2 * i
            pltpu.make_async_copy(h_hbm.at[isrc.at[j]], g0, s0).wait()
            pltpu.sync_copy(g0, acc_sh.at[idst.at[j]], add=True)
            pltpu.async_copy(h_hbm.at[isrc.at[j + 2]], g0, s0)
            pltpu.make_async_copy(h_hbm.at[isrc.at[j + 1]], g1, s1).wait()
            pltpu.sync_copy(g1, acc_sh.at[idst.at[j + 1]], add=True)
            pltpu.async_copy(h_hbm.at[isrc.at[j + 3]], g1, s1)
            return carry

        lax.fori_loop(0, (KH - 2) // 2, body, 0)
        pltpu.make_async_copy(h_hbm.at[isrc.at[KH - 2]], g0, s0).wait()
        pltpu.sync_copy(g0, acc_sh.at[idst.at[KH - 2]], add=True)
        pltpu.make_async_copy(h_hbm.at[isrc.at[KH - 1]], g1, s1).wait()
        pltpu.sync_copy(g1, acc_sh.at[idst.at[KH - 1]], add=True)
    plsc.subcore_barrier()
    pltpu.sync_copy(acc_sh.at[pl.ds(s * ROWS, ROWS)],
                    out_hbm.at[c, pl.ds(s * ROWS, ROWS)])


@functools.partial(
    pl.kernel, mesh=_MESH,
    compiler_params=pltpu.CompilerParams(needs_layout_passes=False),
    out_type=jax.ShapeDtypeStruct((2, NC, NS, K2 * 128, D), jnp.float32),
    scratch_types=[
        pltpu.VMEM((K2C, 128), jnp.int32),
        pltpu.VMEM((128, D), jnp.float32),
        pltpu.VMEM((128, D), jnp.float32),
        pltpu.SemaphoreType.DMA,
        pltpu.SemaphoreType.DMA,
    ],
)
def _sc_dec_gather(z_hbm, idx_hbm, ab_hbm, ci, g0, g1, s0, s1):
    c = lax.axis_index("c")
    s = lax.axis_index("s")
    pltpu.sync_copy(idx_hbm.at[c, s], ci)
    pltpu.async_copy(z_hbm.at[ci.at[0]], g0, s0)
    pltpu.async_copy(z_hbm.at[ci.at[1]], g1, s1)

    def body(i, carry):
        j = 2 * i
        pltpu.make_async_copy(z_hbm.at[ci.at[j]], g0, s0).wait()
        pltpu.sync_copy(g0, ab_hbm.at[0, c, s, pl.ds(i * 128, 128)])
        pltpu.async_copy(z_hbm.at[ci.at[j + 2]], g0, s0)
        pltpu.make_async_copy(z_hbm.at[ci.at[j + 1]], g1, s1).wait()
        pltpu.sync_copy(g1, ab_hbm.at[1, c, s, pl.ds(i * 128, 128)])
        pltpu.async_copy(z_hbm.at[ci.at[j + 3]], g1, s1)
        return carry

    lax.fori_loop(0, K2 - 1, body, 0)
    pltpu.make_async_copy(z_hbm.at[ci.at[K2C - 2]], g0, s0).wait()
    pltpu.sync_copy(g0, ab_hbm.at[0, c, s, pl.ds((K2 - 1) * 128, 128)])
    pltpu.make_async_copy(z_hbm.at[ci.at[K2C - 1]], g1, s1).wait()
    pltpu.sync_copy(g1, ab_hbm.at[1, c, s, pl.ds((K2 - 1) * 128, 128)])



def _dinv(deg_ref):
    deg = deg_ref[0, :, :1] + deg_ref[1, :, :1] + 1.0
    return lax.rsqrt(deg)


def _tc_a_body(x_ref, w_ref, deg_ref, o_ref):
    h = jnp.dot(x_ref[...], w_ref[...], preferred_element_type=jnp.float32)
    o_ref[...] = h * _dinv(deg_ref)


def _tc_b_body(acc_ref, h_ref, b_ref, w_ref, deg_ref, o_ref):
    dinv = _dinv(deg_ref)
    y = jnp.maximum(dinv * (acc_ref[0] + acc_ref[1] + h_ref[...]) + b_ref[...],
                    0.0)
    o_ref[...] = dinv * jnp.dot(y, w_ref[...],
                                preferred_element_type=jnp.float32)


def _tc_c_body(acc_ref, h_ref, b_ref, deg_ref, o_ref):
    dinv = _dinv(deg_ref)
    o_ref[...] = dinv * (acc_ref[0] + acc_ref[1] + h_ref[...]) + b_ref[...]


DOT_NB = 2048


def _tc_dot_body(a_ref, b_ref, o_ref):
    sc = jnp.sum(a_ref[...] * b_ref[...], axis=1)
    o_ref[...] = (1.0 / (1.0 + jnp.exp(-sc))).reshape(DOT_NB // 128, 128)


def _tc_dot(a, b):
    nblk = a.shape[0] // DOT_NB
    spec = pl.BlockSpec((DOT_NB, D), lambda i: (i, 0))
    return pl.pallas_call(
        _tc_dot_body, grid=(nblk,),
        in_specs=[spec, spec],
        out_specs=pl.BlockSpec((DOT_NB // 128, 128), lambda i: (i, 0)),
        out_shape=jax.ShapeDtypeStruct((a.shape[0] // 128, 128), jnp.float32),
    )(a, b)


_ROW_SPEC = pl.BlockSpec((TC_NB, D), lambda i: (i, 0))
_ACC_SPEC = pl.BlockSpec((2, TC_NB, D), lambda i: (0, i, 0))
_DEG_SPEC = pl.BlockSpec((2, TC_NB, 16), lambda i: (0, i, 0))
_W_SPEC = pl.BlockSpec((D, D), lambda i: (0, 0))
_B_SPEC = pl.BlockSpec((1, D), lambda i: (0, 0))
_GRID = (N_PAD // TC_NB,)
_OUT_T = jax.ShapeDtypeStruct((N_PAD, D), jnp.float32)


def _tc_a(xp, W1, deg2):
    return pl.pallas_call(
        _tc_a_body, grid=_GRID,
        in_specs=[_ROW_SPEC, _W_SPEC, _DEG_SPEC],
        out_specs=_ROW_SPEC, out_shape=_OUT_T)(xp, W1, deg2)


def _tc_b(acc1, h1p, b1r, W2, deg2):
    return pl.pallas_call(
        _tc_b_body, grid=_GRID,
        in_specs=[_ACC_SPEC, _ROW_SPEC, _B_SPEC, _W_SPEC, _DEG_SPEC],
        out_specs=_ROW_SPEC, out_shape=_OUT_T)(acc1, h1p, b1r, W2, deg2)


def _tc_c(acc2, h2p, b2r, deg2):
    return pl.pallas_call(
        _tc_c_body, grid=_GRID,
        in_specs=[_ACC_SPEC, _ROW_SPEC, _B_SPEC, _DEG_SPEC],
        out_specs=_ROW_SPEC, out_shape=_OUT_T)(acc2, h2p, b2r, deg2)



def kernel(x, edge_index, pos_edge_index, neg_edge_index, W1, b1, W2, b2):
    n = x.shape[0]
    e = edge_index.shape[1]
    pe = pos_edge_index.shape[1]

    ep = NC * NS * K1 * 128
    srcp = jnp.concatenate(
        [edge_index[0], jnp.zeros((ep - e,), jnp.int32)]).reshape(NC, NS, K1, 128)
    dstp = jnp.concatenate(
        [edge_index[1], jnp.full((ep - e,), n, jnp.int32)]).reshape(NC, NS, K1, 128)

    xp = jnp.pad(x, ((0, N_PAD - n), (0, 0)))
    zeros_nd = jnp.zeros((N_PAD, D), jnp.float32)
    zeros_16 = jnp.zeros((N_PAD, 16), jnp.float32)
    ones_128 = jnp.ones((128, 16), jnp.float32)
    b1r = b1.reshape(1, D)
    b2r = b2.reshape(1, D)

    deg2 = _sc_deg(dstp, zeros_16, ones_128)
    h1p = _tc_a(xp, W1, deg2)
    acc1 = _sc_gather_scatter(h1p, srcp, dstp, zeros_nd)
    h2p = _tc_b(acc1, h1p, b1r, W2, deg2)
    acc2 = _sc_gather_scatter(h2p, srcp, dstp, zeros_nd)
    z = _tc_c(acc2, h2p, b2r, deg2)

    ce = 2 * pe
    ep2 = NC * NS * K2 * 128
    pad2 = jnp.zeros((ep2 - ce,), jnp.int32)
    dsrc = jnp.concatenate(
        [pos_edge_index[0], neg_edge_index[0], pad2]).reshape(NC, NS, K2, 128)
    ddst = jnp.concatenate(
        [pos_edge_index[1], neg_edge_index[1], pad2]).reshape(NC, NS, K2, 128)
    cidx = jnp.stack([dsrc, ddst], axis=3).reshape(NC, NS, K2C, 128)
    zab = _sc_dec_gather(z, cidx)
    scores = _tc_dot(zab[0].reshape(ep2, D), zab[1].reshape(ep2, D)).reshape(-1)
    return scores[:pe], scores[pe:ce]

# --- scband reference (transcript-rebuilt; emitter-appended) ---
"""Pipeline reference for scband-gcnlink-predict-11381663334872 (READ-ONLY COPY).

The authoritative reference and input builder live on the scoring server;
editing this copy changes nothing except your own understanding.
"""

import jax, jax.numpy as jnp
import numpy as np

N = 10000
D = 128
H = 128
E = 320000
PE = 50000


def gcn_conv(x, edge_index, W, b, num_nodes):
    # PyG GCNConv: add self-loops, symmetric normalization D^-1/2 (A+I) D^-1/2
    src = edge_index[0]
    dst = edge_index[1]
    loop = jnp.arange(num_nodes, dtype=src.dtype)
    src = jnp.concatenate([src, loop])
    dst = jnp.concatenate([dst, loop])
    deg = jnp.zeros((num_nodes,), dtype=x.dtype).at[dst].add(1.0)
    deg_inv_sqrt = jnp.where(deg > 0, 1.0 / jnp.sqrt(deg), 0.0)
    norm = deg_inv_sqrt[src] * deg_inv_sqrt[dst]
    h = x @ W  # linear transform first (in -> out)
    msg = h[src] * norm[:, None]  # gather + scale
    out = jnp.zeros((num_nodes, h.shape[1]), dtype=x.dtype).at[dst].add(msg)  # scatter-add
    return out + b


def decode(z, edge_index):
    src = edge_index[0]
    dst = edge_index[1]
    return jax.nn.sigmoid(jnp.sum(z[src] * z[dst], axis=1))


def setup_inputs(seed: int = 0):
    key = jax.random.key(seed)
    ks = jax.random.split(key, 8)
    x = jax.random.normal(ks[0], (N, D), dtype=jnp.float32)
    edge_index = jax.random.randint(ks[1], (2, E), 0, N, dtype=jnp.int32)
    pos_edge_index = jax.random.randint(ks[2], (2, PE), 0, N, dtype=jnp.int32)
    neg_edge_index = jax.random.randint(ks[3], (2, PE), 0, N, dtype=jnp.int32)
    W1 = jax.random.normal(ks[4], (D, H), dtype=jnp.float32) * (1.0 / np.sqrt(D))
    b1 = jnp.zeros((H,), dtype=jnp.float32)
    W2 = jax.random.normal(ks[5], (H, H), dtype=jnp.float32) * (1.0 / np.sqrt(H))
    b2 = jnp.zeros((H,), dtype=jnp.float32)
    return {"x": x, "edge_index": edge_index, "pos_edge_index": pos_edge_index,
            "neg_edge_index": neg_edge_index, "W1": W1, "b1": b1, "W2": W2, "b2": b2}


def reference(x, edge_index, pos_edge_index, neg_edge_index, W1, b1, W2, b2):
    num_nodes = x.shape[0]
    z = jax.nn.relu(gcn_conv(x, edge_index, W1, b1, num_nodes))
    z = gcn_conv(z, edge_index, W2, b2, num_nodes)
    pos_scores = decode(z, pos_edge_index)
    neg_scores = decode(z, neg_edge_index)
    return (pos_scores, neg_scores)

if __name__ == "__main__":
    import jax
    _d = setup_inputs()
    print(jax.jit(kernel)(*tuple(_d.values())))

</pallas_src>

<mosaic_0001>
#map = affine_map<(d0, d1) -> (0, 0)>
#map1 = affine_map<(d0, d1) -> (0, 0, 0, 0)>
#map2 = affine_map<(d0, d1) -> (0, 0, 0)>
module attributes {stable_mosaic.version = 14 : i64} {
  func.func @_sc_gather_scatter(%arg0: i32, %arg1: i32, %arg2: memref<10240x128xf32, #tpu.memory_space<hbm>>, %arg3: memref<2x16x80x128xi32, #tpu.memory_space<hbm>>, %arg4: memref<2x16x80x128xi32, #tpu.memory_space<hbm>>, %arg5: memref<10240x128xf32, #tpu.memory_space<hbm>>, %arg6: memref<2x10240x128xf32, #tpu.memory_space<hbm>>, %arg7: memref<40x128xi32, #tpu.memory_space<vmem>>, %arg8: memref<40x128xi32, #tpu.memory_space<vmem>>, %arg9: memref<128x128xf32, #tpu.memory_space<vmem>>, %arg10: memref<128x128xf32, #tpu.memory_space<vmem>>, %arg11: memref<10240x128xf32, #tpu.memory_space<vmem_shared>>, %arg12: memref<!tpu.dma_semaphore, #tpu.memory_space<semaphore_mem>>, %arg13: memref<!tpu.dma_semaphore, #tpu.memory_space<semaphore_mem>>) attributes {dimension_semantics = [#tpu.dimension_semantics<core_parallel>, #tpu.dimension_semantics<subcore_parallel>], iteration_bounds = array<i64: 2, 16>, scalar_prefetch = 0 : i64, scratch_operands = 7 : i64, tpu.core_type = #tpu.core_type<sc_vector_subcore>, window_params = [{transform_indices = #map}, {transform_indices = #map1}, {transform_indices = #map1}, {transform_indices = #map}, {transform_indices = #map2}]} {
    %mul3A = arith.constant 640 : i32
    %mul3A_0 = arith.muli %arg1, %mul3A : i32
    %mul3A_1 = arith.constant 640 : i32
    %mul3A_2 = arith.muli %arg1, %mul3A_1 : i32
    "tpu.region"() ({
      %run_scoped3A_76 = tpu.sem_alloc : memref<!tpu.dma_semaphore, #tpu.memory_space<semaphore_mem>>
      %dma_start3A_77 = arith.constant 0 : i32
      %dma_start3A_78 = tpu.memref_slice %arg11[%mul3A_2, %dma_start3A_77] : memref<10240x128xf32, #tpu.memory_space<vmem_shared>> -> memref<640x128xf32, #tpu.memory_space<vmem_shared>>
      %dma_start3A_79 = arith.constant 0 : i32
      %dma_start3A_80 = tpu.memref_slice %arg5[%mul3A_0, %dma_start3A_79] : memref<10240x128xf32, #tpu.memory_space<hbm>> -> memref<640x128xf32, #tpu.memory_space<hbm>>
      tpu.enqueue_dma source(%dma_start3A_80 : memref<640x128xf32, #tpu.memory_space<hbm>>) target(%dma_start3A_78 : memref<640x128xf32, #tpu.memory_space<vmem_shared>>) target_semaphore(%run_scoped3A_76 : memref<!tpu.dma_semaphore, #tpu.memory_space<semaphore_mem>>)
      %dma_wait3A_81 = arith.constant 0 : i32
      %dma_wait3A_82 = tpu.memref_slice %arg11[%mul3A_2, %dma_wait3A_81] : memref<10240x128xf32, #tpu.memory_space<vmem_shared>> -> memref<640x128xf32, #tpu.memory_space<vmem_shared>>
      %dma_wait3A_83 = arith.constant 0 : i32
      %dma_wait3A_84 = tpu.memref_slice %arg5[%mul3A_0, %dma_wait3A_83] : memref<10240x128xf32, #tpu.memory_space<hbm>> -> memref<640x128xf32, #tpu.memory_space<hbm>>
      tpu.wait_dma2 semaphore(%run_scoped3A_76 : memref<!tpu.dma_semaphore, #tpu.memory_space<semaphore_mem>>) src(%dma_wait3A_84 : memref<640x128xf32, #tpu.memory_space<hbm>>) dst(%dma_wait3A_82 : memref<640x128xf32, #tpu.memory_space<vmem_shared>>)
      tpu.yield
    }) : () -> ()
    %barrier3A = arith.constant 0 : index
    tpu.barrier barrier_id(%barrier3A)
    "tpu.region"() ({
      %run_scoped3A_76 = tpu.sem_alloc : memref<!tpu.dma_semaphore, #tpu.memory_space<semaphore_mem>>
      %dma_start3A_77 = arith.constant 0 : i32
      %dma_start3A_78 = arith.constant 0 : i32
      %dma_start3A_79 = tpu.memref_slice %arg3[%arg0, %arg1, %dma_start3A_77, %dma_start3A_78] : memref<2x16x80x128xi32, #tpu.memory_space<hbm>> -> memref<1x1x40x128xi32, #tpu.memory_space<hbm>>
      %dma_start3A_80 = tpu.memref_squeeze %dma_start3A_79 : memref<1x1x40x128xi32, #tpu.memory_space<hbm>> -> memref<40x128xi32, #tpu.memory_space<hbm>>
      %dma_start3A_81 = arith.constant 0 : i32
      %dma_start3A_82 = arith.constant 0 : i32
      %dma_start3A_83 = tpu.memref_slice %arg3[%arg0, %arg1, %dma_start3A_81, %dma_start3A_82] : memref<2x16x80x128xi32, #tpu.memory_space<hbm>> -> memref<1x1x40x128xi32, #tpu.memory_space<hbm>>
      %dma_start3A_84 = tpu.memref_squeeze %dma_start3A_83 : memref<1x1x40x128xi32, #tpu.memory_space<hbm>> -> memref<40x128xi32, #tpu.memory_space<hbm>>
      tpu.enqueue_dma source(%dma_start3A_84 : memref<40x128xi32, #tpu.memory_space<hbm>>) target(%arg7 : memref<40x128xi32, #tpu.memory_space<vmem>>) target_semaphore(%run_scoped3A_76 : memref<!tpu.dma_semaphore, #tpu.memory_space<semaphore_mem>>)
      %dma_wait3A_85 = arith.constant 0 : i32
      %dma_wait3A_86 = arith.constant 0 : i32
      %dma_wait3A_87 = tpu.memref_slice %arg3[%arg0, %arg1, %dma_wait3A_85, %dma_wait3A_86] : memref<2x16x80x128xi32, #tpu.memory_space<hbm>> -> memref<1x1x40x128xi32, #tpu.memory_space<hbm>>
      %dma_wait3A_88 = tpu.memref_squeeze %dma_wait3A_87 : memref<1x1x40x128xi32, #tpu.memory_space<hbm>> -> memref<40x128xi32, #tpu.memory_space<hbm>>
      %dma_wait3A_89 = arith.constant 0 : i32
      %dma_wait3A_90 = arith.constant 0 : i32
      %dma_wait3A_91 = tpu.memref_slice %arg3[%arg0, %arg1, %dma_wait3A_89, %dma_wait3A_90] : memref<2x16x80x128xi32, #tpu.memory_space<hbm>> -> memref<1x1x40x128xi32, #tpu.memory_space<hbm>>
      %dma_wait3A_92 = tpu.memref_squeeze %dma_wait3A_91 : memref<1x1x40x128xi32, #tpu.memory_space<hbm>> -> memref<40x128xi32, #tpu.memory_space<hbm>>
      tpu.wait_dma2 semaphore(%run_scoped3A_76 : memref<!tpu.dma_semaphore, #tpu.memory_space<semaphore_mem>>) src(%dma_wait3A_92 : memref<40x128xi32, #tpu.memory_space<hbm>>) dst(%arg7 : memref<40x128xi32, #tpu.memory_space<vmem>>)
      tpu.yield
    }) : () -> ()
    "tpu.region"() ({
      %run_scoped3A_76 = tpu.sem_alloc : memref<!tpu.dma_semaphore, #tpu.memory_space<semaphore_mem>>
      %dma_start3A_77 = arith.constant 0 : i32
      %dma_start3A_78 = arith.constant 0 : i32
      %dma_start3A_79 = tpu.memref_slice %arg4[%arg0, %arg1, %dma_start3A_77, %dma_start3A_78] : memref<2x16x80x128xi32, #tpu.memory_space<hbm>> -> memref<1x1x40x128xi32, #tpu.memory_space<hbm>>
      %dma_start3A_80 = tpu.memref_squeeze %dma_start3A_79 : memref<1x1x40x128xi32, #tpu.memory_space<hbm>> -> memref<40x128xi32, #tpu.memory_space<hbm>>
      %dma_start3A_81 = arith.constant 0 : i32
      %dma_start3A_82 = arith.constant 0 : i32
      %dma_start3A_83 = tpu.memref_slice %arg4[%arg0, %arg1, %dma_start3A_81, %dma_start3A_82] : memref<2x16x80x128xi32, #tpu.memory_space<hbm>> -> memref<1x1x40x128xi32, #tpu.memory_space<hbm>>
      %dma_start3A_84 = tpu.memref_squeeze %dma_start3A_83 : memref<1x1x40x128xi32, #tpu.memory_space<hbm>> -> memref<40x128xi32, #tpu.memory_space<hbm>>
      tpu.enqueue_dma source(%dma_start3A_84 : memref<40x128xi32, #tpu.memory_space<hbm>>) target(%arg8 : memref<40x128xi32, #tpu.memory_space<vmem>>) target_semaphore(%run_scoped3A_76 : memref<!tpu.dma_semaphore, #tpu.memory_space<semaphore_mem>>)
      %dma_wait3A_85 = arith.constant 0 : i32
      %dma_wait3A_86 = arith.constant 0 : i32
      %dma_wait3A_87 = tpu.memref_slice %arg4[%arg0, %arg1, %dma_wait3A_85, %dma_wait3A_86] : memref<2x16x80x128xi32, #tpu.memory_space<hbm>> -> memref<1x1x40x128xi32, #tpu.memory_space<hbm>>
      %dma_wait3A_88 = tpu.memref_squeeze %dma_wait3A_87 : memref<1x1x40x128xi32, #tpu.memory_space<hbm>> -> memref<40x128xi32, #tpu.memory_space<hbm>>
      %dma_wait3A_89 = arith.constant 0 : i32
      %dma_wait3A_90 = arith.constant 0 : i32
      %dma_wait3A_91 = tpu.memref_slice %arg4[%arg0, %arg1, %dma_wait3A_89, %dma_wait3A_90] : memref<2x16x80x128xi32, #tpu.memory_space<hbm>> -> memref<1x1x40x128xi32, #tpu.memory_space<hbm>>
      %dma_wait3A_92 = tpu.memref_squeeze %dma_wait3A_91 : memref<1x1x40x128xi32, #tpu.memory_space<hbm>> -> memref<40x128xi32, #tpu.memory_space<hbm>>
      tpu.wait_dma2 semaphore(%run_scoped3A_76 : memref<!tpu.dma_semaphore, #tpu.memory_space<semaphore_mem>>) src(%dma_wait3A_92 : memref<40x128xi32, #tpu.memory_space<hbm>>) dst(%arg8 : memref<40x128xi32, #tpu.memory_space<vmem>>)
      tpu.yield
    }) : () -> ()
    %dma_start3A = arith.constant 0 : i32
    %dma_start3A_3 = arith.constant 0 : i32
    %dma_start3A_4 = tpu.memref_slice %arg7[%dma_start3A, %dma_start3A_3] : memref<40x128xi32, #tpu.memory_space<vmem>> -> memref<1x128xi32, #tpu.memory_space<vmem>>
    %dma_start3A_5 = tpu.memref_squeeze %dma_start3A_4 : memref<1x128xi32, #tpu.memory_space<vmem>> -> memref<128xi32, #tpu.memory_space<vmem>>
    %dma_start3A_6 = arith.constant 0 : i32
    %dma_start3A_7 = arith.constant 0 : i32
    %dma_start3A_8 = tpu.memref_slice %arg2[%dma_start3A_6, %dma_start3A_7] : memref<10240x128xf32, #tpu.memory_space<hbm>> -> memref<10240x128xf32, #tpu.memory_space<hbm>>
    tpu.enqueue_indirect_dma source(%dma_start3A_8 : memref<10240x128xf32, #tpu.memory_space<hbm>>) target(%arg9 : memref<128x128xf32, #tpu.memory_space<vmem>>) offsets(%dma_start3A_5 : memref<128xi32, #tpu.memory_space<vmem>>) semaphore(%arg12 : memref<!tpu.dma_semaphore, #tpu.memory_space<semaphore_mem>>)
    %dma_start3A_9 = arith.constant 1 : i32
    %dma_start3A_10 = arith.constant 0 : i32
    %dma_start3A_11 = tpu.memref_slice %arg7[%dma_start3A_9, %dma_start3A_10] : memref<40x128xi32, #tpu.memory_space<vmem>> -> memref<1x128xi32, #tpu.memory_space<vmem>>
    %dma_start3A_12 = tpu.memref_squeeze %dma_start3A_11 : memref<1x128xi32, #tpu.memory_space<vmem>> -> memref<128xi32, #tpu.memory_space<vmem>>
    %dma_start3A_13 = arith.constant 0 : i32
    %dma_start3A_14 = arith.constant 0 : i32
    %dma_start3A_15 = tpu.memref_slice %arg2[%dma_start3A_13, %dma_start3A_14] : memref<10240x128xf32, #tpu.memory_space<hbm>> -> memref<10240x128xf32, #tpu.memory_space<hbm>>
    tpu.enqueue_indirect_dma source(%dma_start3A_15 : memref<10240x128xf32, #tpu.memory_space<hbm>>) target(%arg10 : memref<128x128xf32, #tpu.memory_space<vmem>>) offsets(%dma_start3A_12 : memref<128xi32, #tpu.memory_space<vmem>>) semaphore(%arg13 : memref<!tpu.dma_semaphore, #tpu.memory_space<semaphore_mem>>)
    %scan3A = arith.constant 0 : i32
    %scan3A_16 = arith.constant 0 : i32
    %scan3A_17 = arith.constant 19 : i32
    %scan3A_18 = arith.addi %scan3A_16, %scan3A_17 : i32
    %scan3A_19 = arith.constant 1 : i32
    scf.for %scan3A_76 = %scan3A_16 to %scan3A_18 step %scan3A_19  : i32 {
      %mul3A_77 = arith.constant 2 : i32
      %mul3A_78 = arith.muli %mul3A_77, %scan3A_76 : i32
      %dma_wait3A_79 = arith.constant 0 : i32
      %dma_wait3A_80 = tpu.memref_slice %arg7[%mul3A_78, %dma_wait3A_79] : memref<40x128xi32, #tpu.memory_space<vmem>> -> memref<1x128xi32, #tpu.memory_space<vmem>>
      %dma_wait3A_81 = tpu.memref_squeeze %dma_wait3A_80 : memref<1x128xi32, #tpu.memory_space<vmem>> -> memref<128xi32, #tpu.memory_space<vmem>>
      %dma_wait3A_82 = arith.constant 0 : i32
      %dma_wait3A_83 = arith.constant 0 : i32
      %dma_wait3A_84 = tpu.memref_slice %arg2[%dma_wait3A_82, %dma_wait3A_83] : memref<10240x128xf32, #tpu.memory_space<hbm>> -> memref<10240x128xf32, #tpu.memory_space<hbm>>
      tpu.wait_indirect_dma semaphore(%arg12 : memref<!tpu.dma_semaphore, #tpu.memory_space<semaphore_mem>>) src(%dma_wait3A_84 : memref<10240x128xf32, #tpu.memory_space<hbm>>) dst(%arg9 : memref<128x128xf32, #tpu.memory_space<vmem>>)
      "tpu.region"() ({
        %run_scoped3A_110 = tpu.sem_alloc : memref<!tpu.dma_semaphore, #tpu.memory_space<semaphore_mem>>
        %dma_start3A_111 = arith.constant 0 : i32
        %dma_start3A_112 = tpu.memref_slice %arg8[%mul3A_78, %dma_start3A_111] : memref<40x128xi32, #tpu.memory_space<vmem>> -> memref<1x128xi32, #tpu.memory_space<vmem>>
        %dma_start3A_113 = tpu.memref_squeeze %dma_start3A_112 : memref<1x128xi32, #tpu.memory_space<vmem>> -> memref<128xi32, #tpu.memory_space<vmem>>
        %dma_start3A_114 = arith.constant 0 : i32
        %dma_start3A_115 = arith.constant 0 : i32
        %dma_start3A_116 = tpu.memref_slice %arg11[%dma_start3A_114, %dma_start3A_115] : memref<10240x128xf32, #tpu.memory_space<vmem_shared>> -> memref<10240x128xf32, #tpu.memory_space<vmem_shared>>
        tpu.enqueue_indirect_dma source(%arg9 : memref<128x128xf32, #tpu.memory_space<vmem>>) target(%dma_start3A_116 : memref<10240x128xf32, #tpu.memory_space<vmem_shared>>) offsets(%dma_start3A_113 : memref<128xi32, #tpu.memory_space<vmem>>) semaphore(%run_scoped3A_110 : memref<!tpu.dma_semaphore, #tpu.memory_space<semaphore_mem>>) {add = true}
        %dma_wait3A_117 = arith.constant 0 : i32
        %dma_wait3A_118 = tpu.memref_slice %arg8[%mul3A_78, %dma_wait3A_117] : memref<40x128xi32, #tpu.memory_space<vmem>> -> memref<1x128xi32, #tpu.memory_space<vmem>>
        %dma_wait3A_119 = tpu.memref_squeeze %dma_wait3A_118 : memref<1x128xi32, #tpu.memory_space<vmem>> -> memref<128xi32, #tpu.memory_space<vmem>>
        %dma_wait3A_120 = arith.constant 0 : i32
        %dma_wait3A_121 = arith.constant 0 : i32
        %dma_wait3A_122 = tpu.memref_slice %arg11[%dma_wait3A_120, %dma_wait3A_121] : memref<10240x128xf32, #tpu.memory_space<vmem_shared>> -> memref<10240x128xf32, #tpu.memory_space<vmem_shared>>
        tpu.wait_indirect_dma semaphore(%run_scoped3A_110 : memref<!tpu.dma_semaphore, #tpu.memory_space<semaphore_mem>>) src(%arg9 : memref<128x128xf32, #tpu.memory_space<vmem>>) dst(%dma_wait3A_122 : memref<10240x128xf32, #tpu.memory_space<vmem_shared>>)
        tpu.yield
      }) : () -> ()
      %add3A = arith.constant 2 : i32
      %add3A_85 = arith.addi %mul3A_78, %add3A : i32
      %dma_start3A_86 = arith.constant 0 : i32
      %dma_start3A_87 = tpu.memref_slice %arg7[%add3A_85, %dma_start3A_86] : memref<40x128xi32, #tpu.memory_space<vmem>> -> memref<1x128xi32, #tpu.memory_space<vmem>>
      %dma_start3A_88 = tpu.memref_squeeze %dma_start3A_87 : memref<1x128xi32, #tpu.memory_space<vmem>> -> memref<128xi32, #tpu.memory_space<vmem>>
      %dma_start3A_89 = arith.constant 0 : i32
      %dma_start3A_90 = arith.constant 0 : i32
      %dma_start3A_91 = tpu.memref_slice %arg2[%dma_start3A_89, %dma_start3A_90] : memref<10240x128xf32, #tpu.memory_space<hbm>> -> memref<10240x128xf32, #tpu.memory_space<hbm>>
      tpu.enqueue_indirect_dma source(%dma_start3A_91 : memref<10240x128xf32, #tpu.memory_space<hbm>>) target(%arg9 : memref<128x128xf32, #tpu.memory_space<vmem>>) offsets(%dma_start3A_88 : memref<128xi32, #tpu.memory_space<vmem>>) semaphore(%arg12 : memref<!tpu.dma_semaphore, #tpu.memory_space<semaphore_mem>>)
      %add3A_92 = arith.constant 1 : i32
      %add3A_93 = arith.addi %mul3A_78, %add3A_92 : i32
      %dma_wait3A_94 = arith.constant 0 : i32
      %dma_wait3A_95 = tpu.memref_slice %arg7[%add3A_93, %dma_wait3A_94] : memref<40x128xi32, #tpu.memory_space<vmem>> -> memref<1x128xi32, #tpu.memory_space<vmem>>
      %dma_wait3A_96 = tpu.memref_squeeze %dma_wait3A_95 : memref<1x128xi32, #tpu.memory_space<vmem>> -> memref<128xi32, #tpu.memory_space<vmem>>
      %dma_wait3A_97 = arith.constant 0 : i32
      %dma_wait3A_98 = arith.constant 0 : i32
      %dma_wait3A_99 = tpu.memref_slice %arg2[%dma_wait3A_97, %dma_wait3A_98] : memref<10240x128xf32, #tpu.memory_space<hbm>> -> memref<10240x128xf32, #tpu.memory_space<hbm>>
      tpu.wait_indirect_dma semaphore(%arg13 : memref<!tpu.dma_semaphore, #tpu.memory_space<semaphore_mem>>) src(%dma_wait3A_99 : memref<10240x128xf32, #tpu.memory_space<hbm>>) dst(%arg10 : memref<128x128xf32, #tpu.memory_space<vmem>>)
      %add3A_100 = arith.constant 1 : i32
      %add3A_101 = arith.addi %mul3A_78, %add3A_100 : i32
      "tpu.region"() ({
        %run_scoped3A_110 = tpu.sem_alloc : memref<!tpu.dma_semaphore, #tpu.memory_space<semaphore_mem>>
        %dma_start3A_111 = arith.constant 0 : i32
        %dma_start3A_112 = tpu.memref_slice %arg8[%add3A_101, %dma_start3A_111] : memref<40x128xi32, #tpu.memory_space<vmem>> -> memref<1x128xi32, #tpu.memory_space<vmem>>
        %dma_start3A_113 = tpu.memref_squeeze %dma_start3A_112 : memref<1x128xi32, #tpu.memory_space<vmem>> -> memref<128xi32, #tpu.memory_space<vmem>>
        %dma_start3A_114 = arith.constant 0 : i32
        %dma_start3A_115 = arith.constant 0 : i32
        %dma_start3A_116 = tpu.memref_slice %arg11[%dma_start3A_114, %dma_start3A_115] : memref<10240x128xf32, #tpu.memory_space<vmem_shared>> -> memref<10240x128xf32, #tpu.memory_space<vmem_shared>>
        tpu.enqueue_indirect_dma source(%arg10 : memref<128x128xf32, #tpu.memory_space<vmem>>) target(%dma_start3A_116 : memref<10240x128xf32, #tpu.memory_space<vmem_shared>>) offsets(%dma_start3A_113 : memref<128xi32, #tpu.memory_space<vmem>>) semaphore(%run_scoped3A_110 : memref<!tpu.dma_semaphore, #tpu.memory_space<semaphore_mem>>) {add = true}
        %dma_wait3A_117 = arith.constant 0 : i32
        %dma_wait3A_118 = tpu.memref_slice %arg8[%add3A_101, %dma_wait3A_117] : memref<40x128xi32, #tpu.memory_space<vmem>> -> memref<1x128xi32, #tpu.memory_space<vmem>>
        %dma_wait3A_119 = tpu.memref_squeeze %dma_wait3A_118 : memref<1x128xi32, #tpu.memory_space<vmem>> -> memref<128xi32, #tpu.memory_space<vmem>>
        %dma_wait3A_120 = arith.constant 0 : i32
        %dma_wait3A_121 = arith.constant 0 : i32
        %dma_wait3A_122 = tpu.memref_slice %arg11[%dma_wait3A_120, %dma_wait3A_121] : memref<10240x128xf32, #tpu.memory_space<vmem_shared>> -> memref<10240x128xf32, #tpu.memory_space<vmem_shared>>
        tpu.wait_indirect_dma semaphore(%run_scoped3A_110 : memref<!tpu.dma_semaphore, #tpu.memory_space<semaphore_mem>>) src(%arg10 : memref<128x128xf32, #tpu.memory_space<vmem>>) dst(%dma_wait3A_122 : memref<10240x128xf32, #tpu.memory_space<vmem_shared>>)
        tpu.yield
      }) : () -> ()
      %add3A_102 = arith.constant 3 : i32
      %add3A_103 = arith.addi %mul3A_78, %add3A_102 : i32
      %dma_start3A_104 = arith.constant 0 : i32
      %dma_start3A_105 = tpu.memref_slice %arg7[%add3A_103, %dma_start3A_104] : memref<40x128xi32, #tpu.memory_space<vmem>> -> memref<1x128xi32, #tpu.memory_space<vmem>>
      %dma_start3A_106 = tpu.memref_squeeze %dma_start3A_105 : memref<1x128xi32, #tpu.memory_space<vmem>> -> memref<128xi32, #tpu.memory_space<vmem>>
      %dma_start3A_107 = arith.constant 0 : i32
      %dma_start3A_108 = arith.constant 0 : i32
      %dma_start3A_109 = tpu.memref_slice %arg2[%dma_start3A_107, %dma_start3A_108] : memref<10240x128xf32, #tpu.memory_space<hbm>> -> memref<10240x128xf32, #tpu.memory_space<hbm>>
      tpu.enqueue_indirect_dma source(%dma_start3A_109 : memref<10240x128xf32, #tpu.memory_space<hbm>>) target(%arg10 : memref<128x128xf32, #tpu.memory_space<vmem>>) offsets(%dma_start3A_106 : memref<128xi32, #tpu.memory_space<vmem>>) semaphore(%arg13 : memref<!tpu.dma_semaphore, #tpu.memory_space<semaphore_mem>>)
    }
    %scan3A_20 = arith.constant 19 : i32
    %dma_wait3A = arith.constant 38 : i32
    %dma_wait3A_21 = arith.constant 0 : i32
    %dma_wait3A_22 = tpu.memref_slice %arg7[%dma_wait3A, %dma_wait3A_21] : memref<40x128xi32, #tpu.memory_space<vmem>> -> memref<1x128xi32, #tpu.memory_space<vmem>>
    %dma_wait3A_23 = tpu.memref_squeeze %dma_wait3A_22 : memref<1x128xi32, #tpu.memory_space<vmem>> -> memref<128xi32, #tpu.memory_space<vmem>>
    %dma_wait3A_24 = arith.constant 0 : i32
    %dma_wait3A_25 = arith.constant 0 : i32
    %dma_wait3A_26 = tpu.memref_slice %arg2[%dma_wait3A_24, %dma_wait3A_25] : memref<10240x128xf32, #tpu.memory_space<hbm>> -> memref<10240x128xf32, #tpu.memory_space<hbm>>
    tpu.wait_indirect_dma semaphore(%arg12 : memref<!tpu.dma_semaphore, #tpu.memory_space<semaphore_mem>>) src(%dma_wait3A_26 : memref<10240x128xf32, #tpu.memory_space<hbm>>) dst(%arg9 : memref<128x128xf32, #tpu.memory_space<vmem>>)
    %run_scoped3A = arith.constant 38 : i32
    "tpu.region"() ({
      %run_scoped3A_76 = tpu.sem_alloc : memref<!tpu.dma_semaphore, #tpu.memory_space<semaphore_mem>>
      %dma_start3A_77 = arith.constant 0 : i32
      %dma_start3A_78 = tpu.memref_slice %arg8[%run_scoped3A, %dma_start3A_77] : memref<40x128xi32, #tpu.memory_space<vmem>> -> memref<1x128xi32, #tpu.memory_space<vmem>>
      %dma_start3A_79 = tpu.memref_squeeze %dma_start3A_78 : memref<1x128xi32, #tpu.memory_space<vmem>> -> memref<128xi32, #tpu.memory_space<vmem>>
      %dma_start3A_80 = arith.constant 0 : i32
      %dma_start3A_81 = arith.constant 0 : i32
      %dma_start3A_82 = tpu.memref_slice %arg11[%dma_start3A_80, %dma_start3A_81] : memref<10240x128xf32, #tpu.memory_space<vmem_shared>> -> memref<10240x128xf32, #tpu.memory_space<vmem_shared>>
      tpu.enqueue_indirect_dma source(%arg9 : memref<128x128xf32, #tpu.memory_space<vmem>>) target(%dma_start3A_82 : memref<10240x128xf32, #tpu.memory_space<vmem_shared>>) offsets(%dma_start3A_79 : memref<128xi32, #tpu.memory_space<vmem>>) semaphore(%run_scoped3A_76 : memref<!tpu.dma_semaphore, #tpu.memory_space<semaphore_mem>>) {add = true}
      %dma_wait3A_83 = arith.constant 0 : i32
      %dma_wait3A_84 = tpu.memref_slice %arg8[%run_scoped3A, %dma_wait3A_83] : memref<40x128xi32, #tpu.memory_space<vmem>> -> memref<1x128xi32, #tpu.memory_space<vmem>>
      %dma_wait3A_85 = tpu.memref_squeeze %dma_wait3A_84 : memref<1x128xi32, #tpu.memory_space<vmem>> -> memref<128xi32, #tpu.memory_space<vmem>>
      %dma_wait3A_86 = arith.constant 0 : i32
      %dma_wait3A_87 = arith.constant 0 : i32
      %dma_wait3A_88 = tpu.memref_slice %arg11[%dma_wait3A_86, %dma_wait3A_87] : memref<10240x128xf32, #tpu.memory_space<vmem_shared>> -> memref<10240x128xf32, #tpu.memory_space<vmem_shared>>
      tpu.wait_indirect_dma semaphore(%run_scoped3A_76 : memref<!tpu.dma_semaphore, #tpu.memory_space<semaphore_mem>>) src(%arg9 : memref<128x128xf32, #tpu.memory_space<vmem>>) dst(%dma_wait3A_88 : memref<10240x128xf32, #tpu.memory_space<vmem_shared>>)
      tpu.yield
    }) : () -> ()
    %dma_wait3A_27 = arith.constant 39 : i32
    %dma_wait3A_28 = arith.constant 0 : i32
    %dma_wait3A_29 = tpu.memref_slice %arg7[%dma_wait3A_27, %dma_wait3A_28] : memref<40x128xi32, #tpu.memory_space<vmem>> -> memref<1x128xi32, #tpu.memory_space<vmem>>
    %dma_wait3A_30 = tpu.memref_squeeze %dma_wait3A_29 : memref<1x128xi32, #tpu.memory_space<vmem>> -> memref<128xi32, #tpu.memory_space<vmem>>
    %dma_wait3A_31 = arith.constant 0 : i32
    %dma_wait3A_32 = arith.constant 0 : i32
    %dma_wait3A_33 = tpu.memref_slice %arg2[%dma_wait3A_31, %dma_wait3A_32] : memref<10240x128xf32, #tpu.memory_space<hbm>> -> memref<10240x128xf32, #tpu.memory_space<hbm>>
    tpu.wait_indirect_dma semaphore(%arg13 : memref<!tpu.dma_semaphore, #tpu.memory_space<semaphore_mem>>) src(%dma_wait3A_33 : memref<10240x128xf32, #tpu.memory_space<hbm>>) dst(%arg10 : memref<128x128xf32, #tpu.memory_space<vmem>>)
    %run_scoped3A_34 = arith.constant 39 : i32
    "tpu.region"() ({
      %run_scoped3A_76 = tpu.sem_alloc : memref<!tpu.dma_semaphore, #tpu.memory_space<semaphore_mem>>
      %dma_start3A_77 = arith.constant 0 : i32
      %dma_start3A_78 = tpu.memref_slice %arg8[%run_scoped3A_34, %dma_start3A_77] : memref<40x128xi32, #tpu.memory_space<vmem>> -> memref<1x128xi32, #tpu.memory_space<vmem>>
      %dma_start3A_79 = tpu.memref_squeeze %dma_start3A_78 : memref<1x128xi32, #tpu.memory_space<vmem>> -> memref<128xi32, #tpu.memory_space<vmem>>
      %dma_start3A_80 = arith.constant 0 : i32
      %dma_start3A_81 = arith.constant 0 : i32
      %dma_start3A_82 = tpu.memref_slice %arg11[%dma_start3A_80, %dma_start3A_81] : memref<10240x128xf32, #tpu.memory_space<vmem_shared>> -> memref<10240x128xf32, #tpu.memory_space<vmem_shared>>
      tpu.enqueue_indirect_dma source(%arg10 : memref<128x128xf32, #tpu.memory_space<vmem>>) target(%dma_start3A_82 : memref<10240x128xf32, #tpu.memory_space<vmem_shared>>) offsets(%dma_start3A_79 : memref<128xi32, #tpu.memory_space<vmem>>) semaphore(%run_scoped3A_76 : memref<!tpu.dma_semaphore, #tpu.memory_space<semaphore_mem>>) {add = true}
      %dma_wait3A_83 = arith.constant 0 : i32
      %dma_wait3A_84 = tpu.memref_slice %arg8[%run_scoped3A_34, %dma_wait3A_83] : memref<40x128xi32, #tpu.memory_space<vmem>> -> memref<1x128xi32, #tpu.memory_space<vmem>>
      %dma_wait3A_85 = tpu.memref_squeeze %dma_wait3A_84 : memref<1x128xi32, #tpu.memory_space<vmem>> -> memref<128xi32, #tpu.memory_space<vmem>>
      %dma_wait3A_86 = arith.constant 0 : i32
      %dma_wait3A_87 = arith.constant 0 : i32
      %dma_wait3A_88 = tpu.memref_slice %arg11[%dma_wait3A_86, %dma_wait3A_87] : memref<10240x128xf32, #tpu.memory_space<vmem_shared>> -> memref<10240x128xf32, #tpu.memory_space<vmem_shared>>
      tpu.wait_indirect_dma semaphore(%run_scoped3A_76 : memref<!tpu.dma_semaphore, #tpu.memory_space<semaphore_mem>>) src(%arg10 : memref<128x128xf32, #tpu.memory_space<vmem>>) dst(%dma_wait3A_88 : memref<10240x128xf32, #tpu.memory_space<vmem_shared>>)
      tpu.yield
    }) : () -> ()
    "tpu.region"() ({
      %run_scoped3A_76 = tpu.sem_alloc : memref<!tpu.dma_semaphore, #tpu.memory_space<semaphore_mem>>
      %dma_start3A_77 = arith.constant 40 : i32
      %dma_start3A_78 = arith.constant 0 : i32
      %dma_start3A_79 = tpu.memref_slice %arg3[%arg0, %arg1, %dma_start3A_77, %dma_start3A_78] : memref<2x16x80x128xi32, #tpu.memory_space<hbm>> -> memref<1x1x40x128xi32, #tpu.memory_space<hbm>>
      %dma_start3A_80 = tpu.memref_squeeze %dma_start3A_79 : memref<1x1x40x128xi32, #tpu.memory_space<hbm>> -> memref<40x128xi32, #tpu.memory_space<hbm>>
      %dma_start3A_81 = arith.constant 40 : i32
      %dma_start3A_82 = arith.constant 0 : i32
      %dma_start3A_83 = tpu.memref_slice %arg3[%arg0, %arg1, %dma_start3A_81, %dma_start3A_82] : memref<2x16x80x128xi32, #tpu.memory_space<hbm>> -> memref<1x1x40x128xi32, #tpu.memory_space<hbm>>
      %dma_start3A_84 = tpu.memref_squeeze %dma_start3A_83 : memref<1x1x40x128xi32, #tpu.memory_space<hbm>> -> memref<40x128xi32, #tpu.memory_space<hbm>>
      tpu.enqueue_dma source(%dma_start3A_84 : memref<40x128xi32, #tpu.memory_space<hbm>>) target(%arg7 : memref<40x128xi32, #tpu.memory_space<vmem>>) target_semaphore(%run_scoped3A_76 : memref<!tpu.dma_semaphore, #tpu.memory_space<semaphore_mem>>)
      %dma_wait3A_85 = arith.constant 40 : i32
      %dma_wait3A_86 = arith.constant 0 : i32
      %dma_wait3A_87 = tpu.memref_slice %arg3[%arg0, %arg1, %dma_wait3A_85, %dma_wait3A_86] : memref<2x16x80x128xi32, #tpu.memory_space<hbm>> -> memref<1x1x40x128xi32, #tpu.memory_space<hbm>>
      %dma_wait3A_88 = tpu.memref_squeeze %dma_wait3A_87 : memref<1x1x40x128xi32, #tpu.memory_space<hbm>> -> memref<40x128xi32, #tpu.memory_space<hbm>>
      %dma_wait3A_89 = arith.constant 40 : i32
      %dma_wait3A_90 = arith.constant 0 : i32
      %dma_wait3A_91 = tpu.memref_slice %arg3[%arg0, %arg1, %dma_wait3A_89, %dma_wait3A_90] : memref<2x16x80x128xi32, #tpu.memory_space<hbm>> -> memref<1x1x40x128xi32, #tpu.memory_space<hbm>>
      %dma_wait3A_92 = tpu.memref_squeeze %dma_wait3A_91 : memref<1x1x40x128xi32, #tpu.memory_space<hbm>> -> memref<40x128xi32, #tpu.memory_space<hbm>>
      tpu.wait_dma2 semaphore(%run_scoped3A_76 : memref<!tpu.dma_semaphore, #tpu.memory_space<semaphore_mem>>) src(%dma_wait3A_92 : memref<40x128xi32, #tpu.memory_space<hbm>>) dst(%arg7 : memref<40x128xi32, #tpu.memory_space<vmem>>)
      tpu.yield
    }) : () -> ()
    "tpu.region"() ({
      %run_scoped3A_76 = tpu.sem_alloc : memref<!tpu.dma_semaphore, #tpu.memory_space<semaphore_mem>>
      %dma_start3A_77 = arith.constant 40 : i32
      %dma_start3A_78 = arith.constant 0 : i32
      %dma_start3A_79 = tpu.memref_slice %arg4[%arg0, %arg1, %dma_start3A_77, %dma_start3A_78] : memref<2x16x80x128xi32, #tpu.memory_space<hbm>> -> memref<1x1x40x128xi32, #tpu.memory_space<hbm>>
      %dma_start3A_80 = tpu.memref_squeeze %dma_start3A_79 : memref<1x1x40x128xi32, #tpu.memory_space<hbm>> -> memref<40x128xi32, #tpu.memory_space<hbm>>
      %dma_start3A_81 = arith.constant 40 : i32
      %dma_start3A_82 = arith.constant 0 : i32
      %dma_start3A_83 = tpu.memref_slice %arg4[%arg0, %arg1, %dma_start3A_81, %dma_start3A_82] : memref<2x16x80x128xi32, #tpu.memory_space<hbm>> -> memref<1x1x40x128xi32, #tpu.memory_space<hbm>>
      %dma_start3A_84 = tpu.memref_squeeze %dma_start3A_83 : memref<1x1x40x128xi32, #tpu.memory_space<hbm>> -> memref<40x128xi32, #tpu.memory_space<hbm>>
      tpu.enqueue_dma source(%dma_start3A_84 : memref<40x128xi32, #tpu.memory_space<hbm>>) target(%arg8 : memref<40x128xi32, #tpu.memory_space<vmem>>) target_semaphore(%run_scoped3A_76 : memref<!tpu.dma_semaphore, #tpu.memory_space<semaphore_mem>>)
      %dma_wait3A_85 = arith.constant 40 : i32
      %dma_wait3A_86 = arith.constant 0 : i32
      %dma_wait3A_87 = tpu.memref_slice %arg4[%arg0, %arg1, %dma_wait3A_85, %dma_wait3A_86] : memref<2x16x80x128xi32, #tpu.memory_space<hbm>> -> memref<1x1x40x128xi32, #tpu.memory_space<hbm>>
      %dma_wait3A_88 = tpu.memref_squeeze %dma_wait3A_87 : memref<1x1x40x128xi32, #tpu.memory_space<hbm>> -> memref<40x128xi32, #tpu.memory_space<hbm>>
      %dma_wait3A_89 = arith.constant 40 : i32
      %dma_wait3A_90 = arith.constant 0 : i32
      %dma_wait3A_91 = tpu.memref_slice %arg4[%arg0, %arg1, %dma_wait3A_89, %dma_wait3A_90] : memref<2x16x80x128xi32, #tpu.memory_space<hbm>> -> memref<1x1x40x128xi32, #tpu.memory_space<hbm>>
      %dma_wait3A_92 = tpu.memref_squeeze %dma_wait3A_91 : memref<1x1x40x128xi32, #tpu.memory_space<hbm>> -> memref<40x128xi32, #tpu.memory_space<hbm>>
      tpu.wait_dma2 semaphore(%run_scoped3A_76 : memref<!tpu.dma_semaphore, #tpu.memory_space<semaphore_mem>>) src(%dma_wait3A_92 : memref<40x128xi32, #tpu.memory_space<hbm>>) dst(%arg8 : memref<40x128xi32, #tpu.memory_space<vmem>>)
      tpu.yield
    }) : () -> ()
    %dma_start3A_35 = arith.constant 0 : i32
    %dma_start3A_36 = arith.constant 0 : i32
    %dma_start3A_37 = tpu.memref_slice %arg7[%dma_start3A_35, %dma_start3A_36] : memref<40x128xi32, #tpu.memory_space<vmem>> -> memref<1x128xi32, #tpu.memory_space<vmem>>
    %dma_start3A_38 = tpu.memref_squeeze %dma_start3A_37 : memref<1x128xi32, #tpu.memory_space<vmem>> -> memref<128xi32, #tpu.memory_space<vmem>>
    %dma_start3A_39 = arith.constant 0 : i32
    %dma_start3A_40 = arith.constant 0 : i32
    %dma_start3A_41 = tpu.memref_slice %arg2[%dma_start3A_39, %dma_start3A_40] : memref<10240x128xf32, #tpu.memory_space<hbm>> -> memref<10240x128xf32, #tpu.memory_space<hbm>>
    tpu.enqueue_indirect_dma source(%dma_start3A_41 : memref<10240x128xf32, #tpu.memory_space<hbm>>) target(%arg9 : memref<128x128xf32, #tpu.memory_space<vmem>>) offsets(%dma_start3A_38 : memref<128xi32, #tpu.memory_space<vmem>>) semaphore(%arg12 : memref<!tpu.dma_semaphore, #tpu.memory_space<semaphore_mem>>)
    %dma_start3A_42 = arith.constant 1 : i32
    %dma_start3A_43 = arith.constant 0 : i32
    %dma_start3A_44 = tpu.memref_slice %arg7[%dma_start3A_42, %dma_start3A_43] : memref<40x128xi32, #tpu.memory_space<vmem>> -> memref<1x128xi32, #tpu.memory_space<vmem>>
    %dma_start3A_45 = tpu.memref_squeeze %dma_start3A_44 : memref<1x128xi32, #tpu.memory_space<vmem>> -> memref<128xi32, #tpu.memory_space<vmem>>
    %dma_start3A_46 = arith.constant 0 : i32
    %dma_start3A_47 = arith.constant 0 : i32
    %dma_start3A_48 = tpu.memref_slice %arg2[%dma_start3A_46, %dma_start3A_47] : memref<10240x128xf32, #tpu.memory_space<hbm>> -> memref<10240x128xf32, #tpu.memory_space<hbm>>
    tpu.enqueue_indirect_dma source(%dma_start3A_48 : memref<10240x128xf32, #tpu.memory_space<hbm>>) target(%arg10 : memref<128x128xf32, #tpu.memory_space<vmem>>) offsets(%dma_start3A_45 : memref<128xi32, #tpu.memory_space<vmem>>) semaphore(%arg13 : memref<!tpu.dma_semaphore, #tpu.memory_space<semaphore_mem>>)
    %scan3A_49 = arith.constant 0 : i32
    %scan3A_50 = arith.constant 0 : i32
    %scan3A_51 = arith.constant 19 : i32
    %scan3A_52 = arith.addi %scan3A_50, %scan3A_51 : i32
    %scan3A_53 = arith.constant 1 : i32
    scf.for %scan3A_76 = %scan3A_50 to %scan3A_52 step %scan3A_53  : i32 {
      %mul3A_77 = arith.constant 2 : i32
      %mul3A_78 = arith.muli %mul3A_77, %scan3A_76 : i32
      %dma_wait3A_79 = arith.constant 0 : i32
      %dma_wait3A_80 = tpu.memref_slice %arg7[%mul3A_78, %dma_wait3A_79] : memref<40x128xi32, #tpu.memory_space<vmem>> -> memref<1x128xi32, #tpu.memory_space<vmem>>
      %dma_wait3A_81 = tpu.memref_squeeze %dma_wait3A_80 : memref<1x128xi32, #tpu.memory_space<vmem>> -> memref<128xi32, #tpu.memory_space<vmem>>
      %dma_wait3A_82 = arith.constant 0 : i32
      %dma_wait3A_83 = arith.constant 0 : i32
      %dma_wait3A_84 = tpu.memref_slice %arg2[%dma_wait3A_82, %dma_wait3A_83] : memref<10240x128xf32, #tpu.memory_space<hbm>> -> memref<10240x128xf32, #tpu.memory_space<hbm>>
      tpu.wait_indirect_dma semaphore(%arg12 : memref<!tpu.dma_semaphore, #tpu.memory_space<semaphore_mem>>) src(%dma_wait3A_84 : memref<10240x128xf32, #tpu.memory_space<hbm>>) dst(%arg9 : memref<128x128xf32, #tpu.memory_space<vmem>>)
      "tpu.region"() ({
        %run_scoped3A_110 = tpu.sem_alloc : memref<!tpu.dma_semaphore, #tpu.memory_space<semaphore_mem>>
        %dma_start3A_111 = arith.constant 0 : i32
        %dma_start3A_112 = tpu.memref_slice %arg8[%mul3A_78, %dma_start3A_111] : memref<40x128xi32, #tpu.memory_space<vmem>> -> memref<1x128xi32, #tpu.memory_space<vmem>>
        %dma_start3A_113 = tpu.memref_squeeze %dma_start3A_112 : memref<1x128xi32, #tpu.memory_space<vmem>> -> memref<128xi32, #tpu.memory_space<vmem>>
        %dma_start3A_114 = arith.constant 0 : i32
        %dma_start3A_115 = arith.constant 0 : i32
        %dma_start3A_116 = tpu.memref_slice %arg11[%dma_start3A_114, %dma_start3A_115] : memref<10240x128xf32, #tpu.memory_space<vmem_shared>> -> memref<10240x128xf32, #tpu.memory_space<vmem_shared>>
        tpu.enqueue_indirect_dma source(%arg9 : memref<128x128xf32, #tpu.memory_space<vmem>>) target(%dma_start3A_116 : memref<10240x128xf32, #tpu.memory_space<vmem_shared>>) offsets(%dma_start3A_113 : memref<128xi32, #tpu.memory_space<vmem>>) semaphore(%run_scoped3A_110 : memref<!tpu.dma_semaphore, #tpu.memory_space<semaphore_mem>>) {add = true}
        %dma_wait3A_117 = arith.constant 0 : i32
        %dma_wait3A_118 = tpu.memref_slice %arg8[%mul3A_78, %dma_wait3A_117] : memref<40x128xi32, #tpu.memory_space<vmem>> -> memref<1x128xi32, #tpu.memory_space<vmem>>
        %dma_wait3A_119 = tpu.memref_squeeze %dma_wait3A_118 : memref<1x128xi32, #tpu.memory_space<vmem>> -> memref<128xi32, #tpu.memory_space<vmem>>
        %dma_wait3A_120 = arith.constant 0 : i32
        %dma_wait3A_121 = arith.constant 0 : i32
        %dma_wait3A_122 = tpu.memref_slice %arg11[%dma_wait3A_120, %dma_wait3A_121] : memref<10240x128xf32, #tpu.memory_space<vmem_shared>> -> memref<10240x128xf32, #tpu.memory_space<vmem_shared>>
        tpu.wait_indirect_dma semaphore(%run_scoped3A_110 : memref<!tpu.dma_semaphore, #tpu.memory_space<semaphore_mem>>) src(%arg9 : memref<128x128xf32, #tpu.memory_space<vmem>>) dst(%dma_wait3A_122 : memref<10240x128xf32, #tpu.memory_space<vmem_shared>>)
        tpu.yield
      }) : () -> ()
      %add3A = arith.constant 2 : i32
      %add3A_85 = arith.addi %mul3A_78, %add3A : i32
      %dma_start3A_86 = arith.constant 0 : i32
      %dma_start3A_87 = tpu.memref_slice %arg7[%add3A_85, %dma_start3A_86] : memref<40x128xi32, #tpu.memory_space<vmem>> -> memref<1x128xi32, #tpu.memory_space<vmem>>
      %dma_start3A_88 = tpu.memref_squeeze %dma_start3A_87 : memref<1x128xi32, #tpu.memory_space<vmem>> -> memref<128xi32, #tpu.memory_space<vmem>>
      %dma_start3A_89 = arith.constant 0 : i32
      %dma_start3A_90 = arith.constant 0 : i32
      %dma_start3A_91 = tpu.memref_slice %arg2[%dma_start3A_89, %dma_start3A_90] : memref<10240x128xf32, #tpu.memory_space<hbm>> -> memref<10240x128xf32, #tpu.memory_space<hbm>>
      tpu.enqueue_indirect_dma source(%dma_start3A_91 : memref<10240x128xf32, #tpu.memory_space<hbm>>) target(%arg9 : memref<128x128xf32, #tpu.memory_space<vmem>>) offsets(%dma_start3A_88 : memref<128xi32, #tpu.memory_space<vmem>>) semaphore(%arg12 : memref<!tpu.dma_semaphore, #tpu.memory_space<semaphore_mem>>)
      %add3A_92 = arith.constant 1 : i32
      %add3A_93 = arith.addi %mul3A_78, %add3A_92 : i32
      %dma_wait3A_94 = arith.constant 0 : i32
      %dma_wait3A_95 = tpu.memref_slice %arg7[%add3A_93, %dma_wait3A_94] : memref<40x128xi32, #tpu.memory_space<vmem>> -> memref<1x128xi32, #tpu.memory_space<vmem>>
      %dma_wait3A_96 = tpu.memref_squeeze %dma_wait3A_95 : memref<1x128xi32, #tpu.memory_space<vmem>> -> memref<128xi32, #tpu.memory_space<vmem>>
      %dma_wait3A_97 = arith.constant 0 : i32
      %dma_wait3A_98 = arith.constant 0 : i32
      %dma_wait3A_99 = tpu.memref_slice %arg2[%dma_wait3A_97, %dma_wait3A_98] : memref<10240x128xf32, #tpu.memory_space<hbm>> -> memref<10240x128xf32, #tpu.memory_space<hbm>>
      tpu.wait_indirect_dma semaphore(%arg13 : memref<!tpu.dma_semaphore, #tpu.memory_space<semaphore_mem>>) src(%dma_wait3A_99 : memref<10240x128xf32, #tpu.memory_space<hbm>>) dst(%arg10 : memref<128x128xf32, #tpu.memory_space<vmem>>)
      %add3A_100 = arith.constant 1 : i32
      %add3A_101 = arith.addi %mul3A_78, %add3A_100 : i32
      "tpu.region"() ({
        %run_scoped3A_110 = tpu.sem_alloc : memref<!tpu.dma_semaphore, #tpu.memory_space<semaphore_mem>>
        %dma_start3A_111 = arith.constant 0 : i32
        %dma_start3A_112 = tpu.memref_slice %arg8[%add3A_101, %dma_start3A_111] : memref<40x128xi32, #tpu.memory_space<vmem>> -> memref<1x128xi32, #tpu.memory_space<vmem>>
        %dma_start3A_113 = tpu.memref_squeeze %dma_start3A_112 : memref<1x128xi32, #tpu.memory_space<vmem>> -> memref<128xi32, #tpu.memory_space<vmem>>
        %dma_start3A_114 = arith.constant 0 : i32
        %dma_start3A_115 = arith.constant 0 : i32
        %dma_start3A_116 = tpu.memref_slice %arg11[%dma_start3A_114, %dma_start3A_115] : memref<10240x128xf32, #tpu.memory_space<vmem_shared>> -> memref<10240x128xf32, #tpu.memory_space<vmem_shared>>
        tpu.enqueue_indirect_dma source(%arg10 : memref<128x128xf32, #tpu.memory_space<vmem>>) target(%dma_start3A_116 : memref<10240x128xf32, #tpu.memory_space<vmem_shared>>) offsets(%dma_start3A_113 : memref<128xi32, #tpu.memory_space<vmem>>) semaphore(%run_scoped3A_110 : memref<!tpu.dma_semaphore, #tpu.memory_space<semaphore_mem>>) {add = true}
        %dma_wait3A_117 = arith.constant 0 : i32
        %dma_wait3A_118 = tpu.memref_slice %arg8[%add3A_101, %dma_wait3A_117] : memref<40x128xi32, #tpu.memory_space<vmem>> -> memref<1x128xi32, #tpu.memory_space<vmem>>
        %dma_wait3A_119 = tpu.memref_squeeze %dma_wait3A_118 : memref<1x128xi32, #tpu.memory_space<vmem>> -> memref<128xi32, #tpu.memory_space<vmem>>
        %dma_wait3A_120 = arith.constant 0 : i32
        %dma_wait3A_121 = arith.constant 0 : i32
        %dma_wait3A_122 = tpu.memref_slice %arg11[%dma_wait3A_120, %dma_wait3A_121] : memref<10240x128xf32, #tpu.memory_space<vmem_shared>> -> memref<10240x128xf32, #tpu.memory_space<vmem_shared>>
        tpu.wait_indirect_dma semaphore(%run_scoped3A_110 : memref<!tpu.dma_semaphore, #tpu.memory_space<semaphore_mem>>) src(%arg10 : memref<128x128xf32, #tpu.memory_space<vmem>>) dst(%dma_wait3A_122 : memref<10240x128xf32, #tpu.memory_space<vmem_shared>>)
        tpu.yield
      }) : () -> ()
      %add3A_102 = arith.constant 3 : i32
      %add3A_103 = arith.addi %mul3A_78, %add3A_102 : i32
      %dma_start3A_104 = arith.constant 0 : i32
      %dma_start3A_105 = tpu.memref_slice %arg7[%add3A_103, %dma_start3A_104] : memref<40x128xi32, #tpu.memory_space<vmem>> -> memref<1x128xi32, #tpu.memory_space<vmem>>
      %dma_start3A_106 = tpu.memref_squeeze %dma_start3A_105 : memref<1x128xi32, #tpu.memory_space<vmem>> -> memref<128xi32, #tpu.memory_space<vmem>>
      %dma_start3A_107 = arith.constant 0 : i32
      %dma_start3A_108 = arith.constant 0 : i32
      %dma_start3A_109 = tpu.memref_slice %arg2[%dma_start3A_107, %dma_start3A_108] : memref<10240x128xf32, #tpu.memory_space<hbm>> -> memref<10240x128xf32, #tpu.memory_space<hbm>>
      tpu.enqueue_indirect_dma source(%dma_start3A_109 : memref<10240x128xf32, #tpu.memory_space<hbm>>) target(%arg10 : memref<128x128xf32, #tpu.memory_space<vmem>>) offsets(%dma_start3A_106 : memref<128xi32, #tpu.memory_space<vmem>>) semaphore(%arg13 : memref<!tpu.dma_semaphore, #tpu.memory_space<semaphore_mem>>)
    }
    %scan3A_54 = arith.constant 19 : i32
    %dma_wait3A_55 = arith.constant 38 : i32
    %dma_wait3A_56 = arith.constant 0 : i32
    %dma_wait3A_57 = tpu.memref_slice %arg7[%dma_wait3A_55, %dma_wait3A_56] : memref<40x128xi32, #tpu.memory_space<vmem>> -> memref<1x128xi32, #tpu.memory_space<vmem>>
    %dma_wait3A_58 = tpu.memref_squeeze %dma_wait3A_57 : memref<1x128xi32, #tpu.memory_space<vmem>> -> memref<128xi32, #tpu.memory_space<vmem>>
    %dma_wait3A_59 = arith.constant 0 : i32
    %dma_wait3A_60 = arith.constant 0 : i32
    %dma_wait3A_61 = tpu.memref_slice %arg2[%dma_wait3A_59, %dma_wait3A_60] : memref<10240x128xf32, #tpu.memory_space<hbm>> -> memref<10240x128xf32, #tpu.memory_space<hbm>>
    tpu.wait_indirect_dma semaphore(%arg12 : memref<!tpu.dma_semaphore, #tpu.memory_space<semaphore_mem>>) src(%dma_wait3A_61 : memref<10240x128xf32, #tpu.memory_space<hbm>>) dst(%arg9 : memref<128x128xf32, #tpu.memory_space<vmem>>)
    %run_scoped3A_62 = arith.constant 38 : i32
    "tpu.region"() ({
      %run_scoped3A_76 = tpu.sem_alloc : memref<!tpu.dma_semaphore, #tpu.memory_space<semaphore_mem>>
      %dma_start3A_77 = arith.constant 0 : i32
      %dma_start3A_78 = tpu.memref_slice %arg8[%run_scoped3A_62, %dma_start3A_77] : memref<40x128xi32, #tpu.memory_space<vmem>> -> memref<1x128xi32, #tpu.memory_space<vmem>>
      %dma_start3A_79 = tpu.memref_squeeze %dma_start3A_78 : memref<1x128xi32, #tpu.memory_space<vmem>> -> memref<128xi32, #tpu.memory_space<vmem>>
      %dma_start3A_80 = arith.constant 0 : i32
      %dma_start3A_81 = arith.constant 0 : i32
      %dma_start3A_82 = tpu.memref_slice %arg11[%dma_start3A_80, %dma_start3A_81] : memref<10240x128xf32, #tpu.memory_space<vmem_shared>> -> memref<10240x128xf32, #tpu.memory_space<vmem_shared>>
      tpu.enqueue_indirect_dma source(%arg9 : memref<128x128xf32, #tpu.memory_space<vmem>>) target(%dma_start3A_82 : memref<10240x128xf32, #tpu.memory_space<vmem_shared>>) offsets(%dma_start3A_79 : memref<128xi32, #tpu.memory_space<vmem>>) semaphore(%run_scoped3A_76 : memref<!tpu.dma_semaphore, #tpu.memory_space<semaphore_mem>>) {add = true}
      %dma_wait3A_83 = arith.constant 0 : i32
      %dma_wait3A_84 = tpu.memref_slice %arg8[%run_scoped3A_62, %dma_wait3A_83] : memref<40x128xi32, #tpu.memory_space<vmem>> -> memref<1x128xi32, #tpu.memory_space<vmem>>
      %dma_wait3A_85 = tpu.memref_squeeze %dma_wait3A_84 : memref<1x128xi32, #tpu.memory_space<vmem>> -> memref<128xi32, #tpu.memory_space<vmem>>
      %dma_wait3A_86 = arith.constant 0 : i32
      %dma_wait3A_87 = arith.constant 0 : i32
      %dma_wait3A_88 = tpu.memref_slice %arg11[%dma_wait3A_86, %dma_wait3A_87] : memref<10240x128xf32, #tpu.memory_space<vmem_shared>> -> memref<10240x128xf32, #tpu.memory_space<vmem_shared>>
      tpu.wait_indirect_dma semaphore(%run_scoped3A_76 : memref<!tpu.dma_semaphore, #tpu.memory_space<semaphore_mem>>) src(%arg9 : memref<128x128xf32, #tpu.memory_space<vmem>>) dst(%dma_wait3A_88 : memref<10240x128xf32, #tpu.memory_space<vmem_shared>>)
      tpu.yield
    }) : () -> ()
    %dma_wait3A_63 = arith.constant 39 : i32
    %dma_wait3A_64 = arith.constant 0 : i32
    %dma_wait3A_65 = tpu.memref_slice %arg7[%dma_wait3A_63, %dma_wait3A_64] : memref<40x128xi32, #tpu.memory_space<vmem>> -> memref<1x128xi32, #tpu.memory_space<vmem>>
    %dma_wait3A_66 = tpu.memref_squeeze %dma_wait3A_65 : memref<1x128xi32, #tpu.memory_space<vmem>> -> memref<128xi32, #tpu.memory_space<vmem>>
    %dma_wait3A_67 = arith.constant 0 : i32
    %dma_wait3A_68 = arith.constant 0 : i32
    %dma_wait3A_69 = tpu.memref_slice %arg2[%dma_wait3A_67, %dma_wait3A_68] : memref<10240x128xf32, #tpu.memory_space<hbm>> -> memref<10240x128xf32, #tpu.memory_space<hbm>>
    tpu.wait_indirect_dma semaphore(%arg13 : memref<!tpu.dma_semaphore, #tpu.memory_space<semaphore_mem>>) src(%dma_wait3A_69 : memref<10240x128xf32, #tpu.memory_space<hbm>>) dst(%arg10 : memref<128x128xf32, #tpu.memory_space<vmem>>)
    %run_scoped3A_70 = arith.constant 39 : i32
    "tpu.region"() ({
      %run_scoped3A_76 = tpu.sem_alloc : memref<!tpu.dma_semaphore, #tpu.memory_space<semaphore_mem>>
      %dma_start3A_77 = arith.constant 0 : i32
      %dma_start3A_78 = tpu.memref_slice %arg8[%run_scoped3A_70, %dma_start3A_77] : memref<40x128xi32, #tpu.memory_space<vmem>> -> memref<1x128xi32, #tpu.memory_space<vmem>>
      %dma_start3A_79 = tpu.memref_squeeze %dma_start3A_78 : memref<1x128xi32, #tpu.memory_space<vmem>> -> memref<128xi32, #tpu.memory_space<vmem>>
      %dma_start3A_80 = arith.constant 0 : i32
      %dma_start3A_81 = arith.constant 0 : i32
      %dma_start3A_82 = tpu.memref_slice %arg11[%dma_start3A_80, %dma_start3A_81] : memref<10240x128xf32, #tpu.memory_space<vmem_shared>> -> memref<10240x128xf32, #tpu.memory_space<vmem_shared>>
      tpu.enqueue_indirect_dma source(%arg10 : memref<128x128xf32, #tpu.memory_space<vmem>>) target(%dma_start3A_82 : memref<10240x128xf32, #tpu.memory_space<vmem_shared>>) offsets(%dma_start3A_79 : memref<128xi32, #tpu.memory_space<vmem>>) semaphore(%run_scoped3A_76 : memref<!tpu.dma_semaphore, #tpu.memory_space<semaphore_mem>>) {add = true}
      %dma_wait3A_83 = arith.constant 0 : i32
      %dma_wait3A_84 = tpu.memref_slice %arg8[%run_scoped3A_70, %dma_wait3A_83] : memref<40x128xi32, #tpu.memory_space<vmem>> -> memref<1x128xi32, #tpu.memory_space<vmem>>
      %dma_wait3A_85 = tpu.memref_squeeze %dma_wait3A_84 : memref<1x128xi32, #tpu.memory_space<vmem>> -> memref<128xi32, #tpu.memory_space<vmem>>
      %dma_wait3A_86 = arith.constant 0 : i32
      %dma_wait3A_87 = arith.constant 0 : i32
      %dma_wait3A_88 = tpu.memref_slice %arg11[%dma_wait3A_86, %dma_wait3A_87] : memref<10240x128xf32, #tpu.memory_space<vmem_shared>> -> memref<10240x128xf32, #tpu.memory_space<vmem_shared>>
      tpu.wait_indirect_dma semaphore(%run_scoped3A_76 : memref<!tpu.dma_semaphore, #tpu.memory_space<semaphore_mem>>) src(%arg10 : memref<128x128xf32, #tpu.memory_space<vmem>>) dst(%dma_wait3A_88 : memref<10240x128xf32, #tpu.memory_space<vmem_shared>>)
      tpu.yield
    }) : () -> ()
    %barrier3A_71 = arith.constant 0 : index
    tpu.barrier barrier_id(%barrier3A_71)
    %mul3A_72 = arith.constant 640 : i32
    %mul3A_73 = arith.muli %arg1, %mul3A_72 : i32
    %mul3A_74 = arith.constant 640 : i32
    %mul3A_75 = arith.muli %arg1, %mul3A_74 : i32
    "tpu.region"() ({
      %run_scoped3A_76 = tpu.sem_alloc : memref<!tpu.dma_semaphore, #tpu.memory_space<semaphore_mem>>
      %dma_start3A_77 = arith.constant 0 : i32
      %dma_start3A_78 = tpu.memref_slice %arg6[%arg0, %mul3A_75, %dma_start3A_77] : memref<2x10240x128xf32, #tpu.memory_space<hbm>> -> memref<1x640x128xf32, #tpu.memory_space<hbm>>
      %dma_start3A_79 = tpu.memref_squeeze %dma_start3A_78 : memref<1x640x128xf32, #tpu.memory_space<hbm>> -> memref<640x128xf32, #tpu.memory_space<hbm>>
      %dma_start3A_80 = arith.constant 0 : i32
      %dma_start3A_81 = tpu.memref_slice %arg11[%mul3A_73, %dma_start3A_80] : memref<10240x128xf32, #tpu.memory_space<vmem_shared>> -> memref<640x128xf32, #tpu.memory_space<vmem_shared>>
      tpu.enqueue_dma source(%dma_start3A_81 : memref<640x128xf32, #tpu.memory_space<vmem_shared>>) target(%dma_start3A_79 : memref<640x128xf32, #tpu.memory_space<hbm>>) target_semaphore(%run_scoped3A_76 : memref<!tpu.dma_semaphore, #tpu.memory_space<semaphore_mem>>)
      %dma_wait3A_82 = arith.constant 0 : i32
      %dma_wait3A_83 = tpu.memref_slice %arg6[%arg0, %mul3A_75, %dma_wait3A_82] : memref<2x10240x128xf32, #tpu.memory_space<hbm>> -> memref<1x640x128xf32, #tpu.memory_space<hbm>>
      %dma_wait3A_84 = tpu.memref_squeeze %dma_wait3A_83 : memref<1x640x128xf32, #tpu.memory_space<hbm>> -> memref<640x128xf32, #tpu.memory_space<hbm>>
      %dma_wait3A_85 = arith.constant 0 : i32
      %dma_wait3A_86 = tpu.memref_slice %arg11[%mul3A_73, %dma_wait3A_85] : memref<10240x128xf32, #tpu.memory_space<vmem_shared>> -> memref<640x128xf32, #tpu.memory_space<vmem_shared>>
      tpu.wait_dma2 semaphore(%run_scoped3A_76 : memref<!tpu.dma_semaphore, #tpu.memory_space<semaphore_mem>>) src(%dma_wait3A_86 : memref<640x128xf32, #tpu.memory_space<vmem_shared>>) dst(%dma_wait3A_84 : memref<640x128xf32, #tpu.memory_space<hbm>>)
      tpu.yield
    }) : () -> ()
    return
  }
}

#map = affine_map<(d0, d1) -> (0, 0)>
#map1 = affine_map<(d0, d1) -> (0, 0, 0, 0)>
#map2 = affine_map<(d0, d1) -> (0, 0, 0, 0, 0)>
module attributes {stable_mosaic.version = 14 : i64} {
  func.func @_sc_dec_gather(%arg0: i32, %arg1: i32, %arg2: memref<10240x128xf32, #tpu.memory_space<hbm>>, %arg3: memref<2x16x56x128xi32, #tpu.memory_space<hbm>>, %arg4: memref<2x2x16x3584x128xf32, #tpu.memory_space<hbm>>, %arg5: memref<56x128xi32, #tpu.memory_space<vmem>>, %arg6: memref<128x128xf32, #tpu.memory_space<vmem>>, %arg7: memref<128x128xf32, #tpu.memory_space<vmem>>, %arg8: memref<!tpu.dma_semaphore, #tpu.memory_space<semaphore_mem>>, %arg9: memref<!tpu.dma_semaphore, #tpu.memory_space<semaphore_mem>>) attributes {dimension_semantics = [#tpu.dimension_semantics<core_parallel>, #tpu.dimension_semantics<subcore_parallel>], iteration_bounds = array<i64: 2, 16>, scalar_prefetch = 0 : i64, scratch_operands = 5 : i64, tpu.core_type = #tpu.core_type<sc_vector_subcore>, window_params = [{transform_indices = #map}, {transform_indices = #map1}, {transform_indices = #map2}]} {
    "tpu.region"() ({
      %run_scoped3A_32 = tpu.sem_alloc : memref<!tpu.dma_semaphore, #tpu.memory_space<semaphore_mem>>
      %dma_start3A_33 = arith.constant 0 : i32
      %dma_start3A_34 = arith.constant 0 : i32
      %dma_start3A_35 = tpu.memref_slice %arg3[%arg0, %arg1, %dma_start3A_33, %dma_start3A_34] : memref<2x16x56x128xi32, #tpu.memory_space<hbm>> -> memref<1x1x56x128xi32, #tpu.memory_space<hbm>>
      %dma_start3A_36 = tpu.memref_squeeze %dma_start3A_35 : memref<1x1x56x128xi32, #tpu.memory_space<hbm>> -> memref<56x128xi32, #tpu.memory_space<hbm>>
      %dma_start3A_37 = arith.constant 0 : i32
      %dma_start3A_38 = arith.constant 0 : i32
      %dma_start3A_39 = tpu.memref_slice %arg3[%arg0, %arg1, %dma_start3A_37, %dma_start3A_38] : memref<2x16x56x128xi32, #tpu.memory_space<hbm>> -> memref<1x1x56x128xi32, #tpu.memory_space<hbm>>
      %dma_start3A_40 = tpu.memref_squeeze %dma_start3A_39 : memref<1x1x56x128xi32, #tpu.memory_space<hbm>> -> memref<56x128xi32, #tpu.memory_space<hbm>>
      tpu.enqueue_dma source(%dma_start3A_40 : memref<56x128xi32, #tpu.memory_space<hbm>>) target(%arg5 : memref<56x128xi32, #tpu.memory_space<vmem>>) target_semaphore(%run_scoped3A_32 : memref<!tpu.dma_semaphore, #tpu.memory_space<semaphore_mem>>)
      %dma_wait3A_41 = arith.constant 0 : i32
      %dma_wait3A_42 = arith.constant 0 : i32
      %dma_wait3A_43 = tpu.memref_slice %arg3[%arg0, %arg1, %dma_wait3A_41, %dma_wait3A_42] : memref<2x16x56x128xi32, #tpu.memory_space<hbm>> -> memref<1x1x56x128xi32, #tpu.memory_space<hbm>>
      %dma_wait3A_44 = tpu.memref_squeeze %dma_wait3A_43 : memref<1x1x56x128xi32, #tpu.memory_space<hbm>> -> memref<56x128xi32, #tpu.memory_space<hbm>>
      %dma_wait3A_45 = arith.constant 0 : i32
      %dma_wait3A_46 = arith.constant 0 : i32
      %dma_wait3A_47 = tpu.memref_slice %arg3[%arg0, %arg1, %dma_wait3A_45, %dma_wait3A_46] : memref<2x16x56x128xi32, #tpu.memory_space<hbm>> -> memref<1x1x56x128xi32, #tpu.memory_space<hbm>>
      %dma_wait3A_48 = tpu.memref_squeeze %dma_wait3A_47 : memref<1x1x56x128xi32, #tpu.memory_space<hbm>> -> memref<56x128xi32, #tpu.memory_space<hbm>>
      tpu.wait_dma2 semaphore(%run_scoped3A_32 : memref<!tpu.dma_semaphore, #tpu.memory_space<semaphore_mem>>) src(%dma_wait3A_48 : memref<56x128xi32, #tpu.memory_space<hbm>>) dst(%arg5 : memref<56x128xi32, #tpu.memory_space<vmem>>)
      tpu.yield
    }) : () -> ()
    %dma_start3A = arith.constant 0 : i32
    %dma_start3A_0 = arith.constant 0 : i32
    %dma_start3A_1 = tpu.memref_slice %arg5[%dma_start3A, %dma_start3A_0] : memref<56x128xi32, #tpu.memory_space<vmem>> -> memref<1x128xi32, #tpu.memory_space<vmem>>
    %dma_start3A_2 = tpu.memref_squeeze %dma_start3A_1 : memref<1x128xi32, #tpu.memory_space<vmem>> -> memref<128xi32, #tpu.memory_space<vmem>>
    %dma_start3A_3 = arith.constant 0 : i32
    %dma_start3A_4 = arith.constant 0 : i32
    %dma_start3A_5 = tpu.memref_slice %arg2[%dma_start3A_3, %dma_start3A_4] : memref<10240x128xf32, #tpu.memory_space<hbm>> -> memref<10240x128xf32, #tpu.memory_space<hbm>>
    tpu.enqueue_indirect_dma source(%dma_start3A_5 : memref<10240x128xf32, #tpu.memory_space<hbm>>) target(%arg6 : memref<128x128xf32, #tpu.memory_space<vmem>>) offsets(%dma_start3A_2 : memref<128xi32, #tpu.memory_space<vmem>>) semaphore(%arg8 : memref<!tpu.dma_semaphore, #tpu.memory_space<semaphore_mem>>)
    %dma_start3A_6 = arith.constant 1 : i32
    %dma_start3A_7 = arith.constant 0 : i32
    %dma_start3A_8 = tpu.memref_slice %arg5[%dma_start3A_6, %dma_start3A_7] : memref<56x128xi32, #tpu.memory_space<vmem>> -> memref<1x128xi32, #tpu.memory_space<vmem>>
    %dma_start3A_9 = tpu.memref_squeeze %dma_start3A_8 : memref<1x128xi32, #tpu.memory_space<vmem>> -> memref<128xi32, #tpu.memory_space<vmem>>
    %dma_start3A_10 = arith.constant 0 : i32
    %dma_start3A_11 = arith.constant 0 : i32
    %dma_start3A_12 = tpu.memref_slice %arg2[%dma_start3A_10, %dma_start3A_11] : memref<10240x128xf32, #tpu.memory_space<hbm>> -> memref<10240x128xf32, #tpu.memory_space<hbm>>
    tpu.enqueue_indirect_dma source(%dma_start3A_12 : memref<10240x128xf32, #tpu.memory_space<hbm>>) target(%arg7 : memref<128x128xf32, #tpu.memory_space<vmem>>) offsets(%dma_start3A_9 : memref<128xi32, #tpu.memory_space<vmem>>) semaphore(%arg9 : memref<!tpu.dma_semaphore, #tpu.memory_space<semaphore_mem>>)
    %scan3A = arith.constant 0 : i32
    %scan3A_13 = arith.constant 0 : i32
    %scan3A_14 = arith.constant 27 : i32
    %scan3A_15 = arith.addi %scan3A_13, %scan3A_14 : i32
    %scan3A_16 = arith.constant 1 : i32
    scf.for %scan3A_32 = %scan3A_13 to %scan3A_15 step %scan3A_16  : i32 {
      %mul3A = arith.constant 2 : i32
      %mul3A_33 = arith.muli %mul3A, %scan3A_32 : i32
      %dma_wait3A_34 = arith.constant 0 : i32
      %dma_wait3A_35 = tpu.memref_slice %arg5[%mul3A_33, %dma_wait3A_34] : memref<56x128xi32, #tpu.memory_space<vmem>> -> memref<1x128xi32, #tpu.memory_space<vmem>>
      %dma_wait3A_36 = tpu.memref_squeeze %dma_wait3A_35 : memref<1x128xi32, #tpu.memory_space<vmem>> -> memref<128xi32, #tpu.memory_space<vmem>>
      %dma_wait3A_37 = arith.constant 0 : i32
      %dma_wait3A_38 = arith.constant 0 : i32
      %dma_wait3A_39 = tpu.memref_slice %arg2[%dma_wait3A_37, %dma_wait3A_38] : memref<10240x128xf32, #tpu.memory_space<hbm>> -> memref<10240x128xf32, #tpu.memory_space<hbm>>
      tpu.wait_indirect_dma semaphore(%arg8 : memref<!tpu.dma_semaphore, #tpu.memory_space<semaphore_mem>>) src(%dma_wait3A_39 : memref<10240x128xf32, #tpu.memory_space<hbm>>) dst(%arg6 : memref<128x128xf32, #tpu.memory_space<vmem>>)
      %mul3A_40 = arith.constant 128 : i32
      %mul3A_41 = arith.muli %scan3A_32, %mul3A_40 : i32
      %run_scoped3A_42 = arith.constant 0 : i32
      "tpu.region"() ({
        %run_scoped3A_69 = tpu.sem_alloc : memref<!tpu.dma_semaphore, #tpu.memory_space<semaphore_mem>>
        %dma_start3A_70 = arith.constant 0 : i32
        %dma_start3A_71 = tpu.memref_slice %arg4[%run_scoped3A_42, %arg0, %arg1, %mul3A_41, %dma_start3A_70] : memref<2x2x16x3584x128xf32, #tpu.memory_space<hbm>> -> memref<1x1x1x128x128xf32, #tpu.memory_space<hbm>>
        %dma_start3A_72 = tpu.memref_squeeze %dma_start3A_71 : memref<1x1x1x128x128xf32, #tpu.memory_space<hbm>> -> memref<128x128xf32, #tpu.memory_space<hbm>>
        %dma_start3A_73 = arith.constant 0 : i32
        %dma_start3A_74 = tpu.memref_slice %arg4[%run_scoped3A_42, %arg0, %arg1, %mul3A_41, %dma_start3A_73] : memref<2x2x16x3584x128xf32, #tpu.memory_space<hbm>> -> memref<1x1x1x128x128xf32, #tpu.memory_space<hbm>>
        %dma_start3A_75 = tpu.memref_squeeze %dma_start3A_74 : memref<1x1x1x128x128xf32, #tpu.memory_space<hbm>> -> memref<128x128xf32, #tpu.memory_space<hbm>>
        tpu.enqueue_dma source(%arg6 : memref<128x128xf32, #tpu.memory_space<vmem>>) target(%dma_start3A_75 : memref<128x128xf32, #tpu.memory_space<hbm>>) target_semaphore(%run_scoped3A_69 : memref<!tpu.dma_semaphore, #tpu.memory_space<semaphore_mem>>)
        %dma_wait3A_76 = arith.constant 0 : i32
        %dma_wait3A_77 = tpu.memref_slice %arg4[%run_scoped3A_42, %arg0, %arg1, %mul3A_41, %dma_wait3A_76] : memref<2x2x16x3584x128xf32, #tpu.memory_space<hbm>> -> memref<1x1x1x128x128xf32, #tpu.memory_space<hbm>>
        %dma_wait3A_78 = tpu.memref_squeeze %dma_wait3A_77 : memref<1x1x1x128x128xf32, #tpu.memory_space<hbm>> -> memref<128x128xf32, #tpu.memory_space<hbm>>
        %dma_wait3A_79 = arith.constant 0 : i32
        %dma_wait3A_80 = tpu.memref_slice %arg4[%run_scoped3A_42, %arg0, %arg1, %mul3A_41, %dma_wait3A_79] : memref<2x2x16x3584x128xf32, #tpu.memory_space<hbm>> -> memref<1x1x1x128x128xf32, #tpu.memory_space<hbm>>
        %dma_wait3A_81 = tpu.memref_squeeze %dma_wait3A_80 : memref<1x1x1x128x128xf32, #tpu.memory_space<hbm>> -> memref<128x128xf32, #tpu.memory_space<hbm>>
        tpu.wait_dma2 semaphore(%run_scoped3A_69 : memref<!tpu.dma_semaphore, #tpu.memory_space<semaphore_mem>>) src(%arg6 : memref<128x128xf32, #tpu.memory_space<vmem>>) dst(%dma_wait3A_81 : memref<128x128xf32, #tpu.memory_space<hbm>>)
        tpu.yield
      }) : () -> ()
      %add3A = arith.constant 2 : i32
      %add3A_43 = arith.addi %mul3A_33, %add3A : i32
      %dma_start3A_44 = arith.constant 0 : i32
      %dma_start3A_45 = tpu.memref_slice %arg5[%add3A_43, %dma_start3A_44] : memref<56x128xi32, #tpu.memory_space<vmem>> -> memref<1x128xi32, #tpu.memory_space<vmem>>
      %dma_start3A_46 = tpu.memref_squeeze %dma_start3A_45 : memref<1x128xi32, #tpu.memory_space<vmem>> -> memref<128xi32, #tpu.memory_space<vmem>>
      %dma_start3A_47 = arith.constant 0 : i32
      %dma_start3A_48 = arith.constant 0 : i32
      %dma_start3A_49 = tpu.memref_slice %arg2[%dma_start3A_47, %dma_start3A_48] : memref<10240x128xf32, #tpu.memory_space<hbm>> -> memref<10240x128xf32, #tpu.memory_space<hbm>>
      tpu.enqueue_indirect_dma source(%dma_start3A_49 : memref<10240x128xf32, #tpu.memory_space<hbm>>) target(%arg6 : memref<128x128xf32, #tpu.memory_space<vmem>>) offsets(%dma_start3A_46 : memref<128xi32, #tpu.memory_space<vmem>>) semaphore(%arg8 : memref<!tpu.dma_semaphore, #tpu.memory_space<semaphore_mem>>)
      %add3A_50 = arith.constant 1 : i32
      %add3A_51 = arith.addi %mul3A_33, %add3A_50 : i32
      %dma_wait3A_52 = arith.constant 0 : i32
      %dma_wait3A_53 = tpu.memref_slice %arg5[%add3A_51, %dma_wait3A_52] : memref<56x128xi32, #tpu.memory_space<vmem>> -> memref<1x128xi32, #tpu.memory_space<vmem>>
      %dma_wait3A_54 = tpu.memref_squeeze %dma_wait3A_53 : memref<1x128xi32, #tpu.memory_space<vmem>> -> memref<128xi32, #tpu.memory_space<vmem>>
      %dma_wait3A_55 = arith.constant 0 : i32
      %dma_wait3A_56 = arith.constant 0 : i32
      %dma_wait3A_57 = tpu.memref_slice %arg2[%dma_wait3A_55, %dma_wait3A_56] : memref<10240x128xf32, #tpu.memory_space<hbm>> -> memref<10240x128xf32, #tpu.memory_space<hbm>>
      tpu.wait_indirect_dma semaphore(%arg9 : memref<!tpu.dma_semaphore, #tpu.memory_space<semaphore_mem>>) src(%dma_wait3A_57 : memref<10240x128xf32, #tpu.memory_space<hbm>>) dst(%arg7 : memref<128x128xf32, #tpu.memory_space<vmem>>)
      %mul3A_58 = arith.constant 128 : i32
      %mul3A_59 = arith.muli %scan3A_32, %mul3A_58 : i32
      %run_scoped3A_60 = arith.constant 1 : i32
      "tpu.region"() ({
        %run_scoped3A_69 = tpu.sem_alloc : memref<!tpu.dma_semaphore, #tpu.memory_space<semaphore_mem>>
        %dma_start3A_70 = arith.constant 0 : i32
        %dma_start3A_71 = tpu.memref_slice %arg4[%run_scoped3A_60, %arg0, %arg1, %mul3A_59, %dma_start3A_70] : memref<2x2x16x3584x128xf32, #tpu.memory_space<hbm>> -> memref<1x1x1x128x128xf32, #tpu.memory_space<hbm>>
        %dma_start3A_72 = tpu.memref_squeeze %dma_start3A_71 : memref<1x1x1x128x128xf32, #tpu.memory_space<hbm>> -> memref<128x128xf32, #tpu.memory_space<hbm>>
        %dma_start3A_73 = arith.constant 0 : i32
        %dma_start3A_74 = tpu.memref_slice %arg4[%run_scoped3A_60, %arg0, %arg1, %mul3A_59, %dma_start3A_73] : memref<2x2x16x3584x128xf32, #tpu.memory_space<hbm>> -> memref<1x1x1x128x128xf32, #tpu.memory_space<hbm>>
        %dma_start3A_75 = tpu.memref_squeeze %dma_start3A_74 : memref<1x1x1x128x128xf32, #tpu.memory_space<hbm>> -> memref<128x128xf32, #tpu.memory_space<hbm>>
        tpu.enqueue_dma source(%arg7 : memref<128x128xf32, #tpu.memory_space<vmem>>) target(%dma_start3A_75 : memref<128x128xf32, #tpu.memory_space<hbm>>) target_semaphore(%run_scoped3A_69 : memref<!tpu.dma_semaphore, #tpu.memory_space<semaphore_mem>>)
        %dma_wait3A_76 = arith.constant 0 : i32
        %dma_wait3A_77 = tpu.memref_slice %arg4[%run_scoped3A_60, %arg0, %arg1, %mul3A_59, %dma_wait3A_76] : memref<2x2x16x3584x128xf32, #tpu.memory_space<hbm>> -> memref<1x1x1x128x128xf32, #tpu.memory_space<hbm>>
        %dma_wait3A_78 = tpu.memref_squeeze %dma_wait3A_77 : memref<1x1x1x128x128xf32, #tpu.memory_space<hbm>> -> memref<128x128xf32, #tpu.memory_space<hbm>>
        %dma_wait3A_79 = arith.constant 0 : i32
        %dma_wait3A_80 = tpu.memref_slice %arg4[%run_scoped3A_60, %arg0, %arg1, %mul3A_59, %dma_wait3A_79] : memref<2x2x16x3584x128xf32, #tpu.memory_space<hbm>> -> memref<1x1x1x128x128xf32, #tpu.memory_space<hbm>>
        %dma_wait3A_81 = tpu.memref_squeeze %dma_wait3A_80 : memref<1x1x1x128x128xf32, #tpu.memory_space<hbm>> -> memref<128x128xf32, #tpu.memory_space<hbm>>
        tpu.wait_dma2 semaphore(%run_scoped3A_69 : memref<!tpu.dma_semaphore, #tpu.memory_space<semaphore_mem>>) src(%arg7 : memref<128x128xf32, #tpu.memory_space<vmem>>) dst(%dma_wait3A_81 : memref<128x128xf32, #tpu.memory_space<hbm>>)
        tpu.yield
      }) : () -> ()
      %add3A_61 = arith.constant 3 : i32
      %add3A_62 = arith.addi %mul3A_33, %add3A_61 : i32
      %dma_start3A_63 = arith.constant 0 : i32
      %dma_start3A_64 = tpu.memref_slice %arg5[%add3A_62, %dma_start3A_63] : memref<56x128xi32, #tpu.memory_space<vmem>> -> memref<1x128xi32, #tpu.memory_space<vmem>>
      %dma_start3A_65 = tpu.memref_squeeze %dma_start3A_64 : memref<1x128xi32, #tpu.memory_space<vmem>> -> memref<128xi32, #tpu.memory_space<vmem>>
      %dma_start3A_66 = arith.constant 0 : i32
      %dma_start3A_67 = arith.constant 0 : i32
      %dma_start3A_68 = tpu.memref_slice %arg2[%dma_start3A_66, %dma_start3A_67] : memref<10240x128xf32, #tpu.memory_space<hbm>> -> memref<10240x128xf32, #tpu.memory_space<hbm>>
      tpu.enqueue_indirect_dma source(%dma_start3A_68 : memref<10240x128xf32, #tpu.memory_space<hbm>>) target(%arg7 : memref<128x128xf32, #tpu.memory_space<vmem>>) offsets(%dma_start3A_65 : memref<128xi32, #tpu.memory_space<vmem>>) semaphore(%arg9 : memref<!tpu.dma_semaphore, #tpu.memory_space<semaphore_mem>>)
    }
    %scan3A_17 = arith.constant 27 : i32
    %dma_wait3A = arith.constant 54 : i32
    %dma_wait3A_18 = arith.constant 0 : i32
    %dma_wait3A_19 = tpu.memref_slice %arg5[%dma_wait3A, %dma_wait3A_18] : memref<56x128xi32, #tpu.memory_space<vmem>> -> memref<1x128xi32, #tpu.memory_space<vmem>>
    %dma_wait3A_20 = tpu.memref_squeeze %dma_wait3A_19 : memref<1x128xi32, #tpu.memory_space<vmem>> -> memref<128xi32, #tpu.memory_space<vmem>>
    %dma_wait3A_21 = arith.constant 0 : i32
    %dma_wait3A_22 = arith.constant 0 : i32
    %dma_wait3A_23 = tpu.memref_slice %arg2[%dma_wait3A_21, %dma_wait3A_22] : memref<10240x128xf32, #tpu.memory_space<hbm>> -> memref<10240x128xf32, #tpu.memory_space<hbm>>
    tpu.wait_indirect_dma semaphore(%arg8 : memref<!tpu.dma_semaphore, #tpu.memory_space<semaphore_mem>>) src(%dma_wait3A_23 : memref<10240x128xf32, #tpu.memory_space<hbm>>) dst(%arg6 : memref<128x128xf32, #tpu.memory_space<vmem>>)
    %run_scoped3A = arith.constant 0 : i32
    "tpu.region"() ({
      %run_scoped3A_32 = tpu.sem_alloc : memref<!tpu.dma_semaphore, #tpu.memory_space<semaphore_mem>>
      %dma_start3A_33 = arith.constant 3456 : i32
      %dma_start3A_34 = arith.constant 0 : i32
      %dma_start3A_35 = tpu.memref_slice %arg4[%run_scoped3A, %arg0, %arg1, %dma_start3A_33, %dma_start3A_34] : memref<2x2x16x3584x128xf32, #tpu.memory_space<hbm>> -> memref<1x1x1x128x128xf32, #tpu.memory_space<hbm>>
      %dma_start3A_36 = tpu.memref_squeeze %dma_start3A_35 : memref<1x1x1x128x128xf32, #tpu.memory_space<hbm>> -> memref<128x128xf32, #tpu.memory_space<hbm>>
      %dma_start3A_37 = arith.constant 3456 : i32
      %dma_start3A_38 = arith.constant 0 : i32
      %dma_start3A_39 = tpu.memref_slice %arg4[%run_scoped3A, %arg0, %arg1, %dma_start3A_37, %dma_start3A_38] : memref<2x2x16x3584x128xf32, #tpu.memory_space<hbm>> -> memref<1x1x1x128x128xf32, #tpu.memory_space<hbm>>
      %dma_start3A_40 = tpu.memref_squeeze %dma_start3A_39 : memref<1x1x1x128x128xf32, #tpu.memory_space<hbm>> -> memref<128x128xf32, #tpu.memory_space<hbm>>
      tpu.enqueue_dma source(%arg6 : memref<128x128xf32, #tpu.memory_space<vmem>>) target(%dma_start3A_40 : memref<128x128xf32, #tpu.memory_space<hbm>>) target_semaphore(%run_scoped3A_32 : memref<!tpu.dma_semaphore, #tpu.memory_space<semaphore_mem>>)
      %dma_wait3A_41 = arith.constant 3456 : i32
      %dma_wait3A_42 = arith.constant 0 : i32
      %dma_wait3A_43 = tpu.memref_slice %arg4[%run_scoped3A, %arg0, %arg1, %dma_wait3A_41, %dma_wait3A_42] : memref<2x2x16x3584x128xf32, #tpu.memory_space<hbm>> -> memref<1x1x1x128x128xf32, #tpu.memory_space<hbm>>
      %dma_wait3A_44 = tpu.memref_squeeze %dma_wait3A_43 : memref<1x1x1x128x128xf32, #tpu.memory_space<hbm>> -> memref<128x128xf32, #tpu.memory_space<hbm>>
      %dma_wait3A_45 = arith.constant 3456 : i32
      %dma_wait3A_46 = arith.constant 0 : i32
      %dma_wait3A_47 = tpu.memref_slice %arg4[%run_scoped3A, %arg0, %arg1, %dma_wait3A_45, %dma_wait3A_46] : memref<2x2x16x3584x128xf32, #tpu.memory_space<hbm>> -> memref<1x1x1x128x128xf32, #tpu.memory_space<hbm>>
      %dma_wait3A_48 = tpu.memref_squeeze %dma_wait3A_47 : memref<1x1x1x128x128xf32, #tpu.memory_space<hbm>> -> memref<128x128xf32, #tpu.memory_space<hbm>>
      tpu.wait_dma2 semaphore(%run_scoped3A_32 : memref<!tpu.dma_semaphore, #tpu.memory_space<semaphore_mem>>) src(%arg6 : memref<128x128xf32, #tpu.memory_space<vmem>>) dst(%dma_wait3A_48 : memref<128x128xf32, #tpu.memory_space<hbm>>)
      tpu.yield
    }) : () -> ()
    %dma_wait3A_24 = arith.constant 55 : i32
    %dma_wait3A_25 = arith.constant 0 : i32
    %dma_wait3A_26 = tpu.memref_slice %arg5[%dma_wait3A_24, %dma_wait3A_25] : memref<56x128xi32, #tpu.memory_space<vmem>> -> memref<1x128xi32, #tpu.memory_space<vmem>>
    %dma_wait3A_27 = tpu.memref_squeeze %dma_wait3A_26 : memref<1x128xi32, #tpu.memory_space<vmem>> -> memref<128xi32, #tpu.memory_space<vmem>>
    %dma_wait3A_28 = arith.constant 0 : i32
    %dma_wait3A_29 = arith.constant 0 : i32
    %dma_wait3A_30 = tpu.memref_slice %arg2[%dma_wait3A_28, %dma_wait3A_29] : memref<10240x128xf32, #tpu.memory_space<hbm>> -> memref<10240x128xf32, #tpu.memory_space<hbm>>
    tpu.wait_indirect_dma semaphore(%arg9 : memref<!tpu.dma_semaphore, #tpu.memory_space<semaphore_mem>>) src(%dma_wait3A_30 : memref<10240x128xf32, #tpu.memory_space<hbm>>) dst(%arg7 : memref<128x128xf32, #tpu.memory_space<vmem>>)
    %run_scoped3A_31 = arith.constant 1 : i32
    "tpu.region"() ({
      %run_scoped3A_32 = tpu.sem_alloc : memref<!tpu.dma_semaphore, #tpu.memory_space<semaphore_mem>>
      %dma_start3A_33 = arith.constant 3456 : i32
      %dma_start3A_34 = arith.constant 0 : i32
      %dma_start3A_35 = tpu.memref_slice %arg4[%run_scoped3A_31, %arg0, %arg1, %dma_start3A_33, %dma_start3A_34] : memref<2x2x16x3584x128xf32, #tpu.memory_space<hbm>> -> memref<1x1x1x128x128xf32, #tpu.memory_space<hbm>>
      %dma_start3A_36 = tpu.memref_squeeze %dma_start3A_35 : memref<1x1x1x128x128xf32, #tpu.memory_space<hbm>> -> memref<128x128xf32, #tpu.memory_space<hbm>>
      %dma_start3A_37 = arith.constant 3456 : i32
      %dma_start3A_38 = arith.constant 0 : i32
      %dma_start3A_39 = tpu.memref_slice %arg4[%run_scoped3A_31, %arg0, %arg1, %dma_start3A_37, %dma_start3A_38] : memref<2x2x16x3584x128xf32, #tpu.memory_space<hbm>> -> memref<1x1x1x128x128xf32, #tpu.memory_space<hbm>>
      %dma_start3A_40 = tpu.memref_squeeze %dma_start3A_39 : memref<1x1x1x128x128xf32, #tpu.memory_space<hbm>> -> memref<128x128xf32, #tpu.memory_space<hbm>>
      tpu.enqueue_dma source(%arg7 : memref<128x128xf32, #tpu.memory_space<vmem>>) target(%dma_start3A_40 : memref<128x128xf32, #tpu.memory_space<hbm>>) target_semaphore(%run_scoped3A_32 : memref<!tpu.dma_semaphore, #tpu.memory_space<semaphore_mem>>)
      %dma_wait3A_41 = arith.constant 3456 : i32
      %dma_wait3A_42 = arith.constant 0 : i32
      %dma_wait3A_43 = tpu.memref_slice %arg4[%run_scoped3A_31, %arg0, %arg1, %dma_wait3A_41, %dma_wait3A_42] : memref<2x2x16x3584x128xf32, #tpu.memory_space<hbm>> -> memref<1x1x1x128x128xf32, #tpu.memory_space<hbm>>
      %dma_wait3A_44 = tpu.memref_squeeze %dma_wait3A_43 : memref<1x1x1x128x128xf32, #tpu.memory_space<hbm>> -> memref<128x128xf32, #tpu.memory_space<hbm>>
      %dma_wait3A_45 = arith.constant 3456 : i32
      %dma_wait3A_46 = arith.constant 0 : i32
      %dma_wait3A_47 = tpu.memref_slice %arg4[%run_scoped3A_31, %arg0, %arg1, %dma_wait3A_45, %dma_wait3A_46] : memref<2x2x16x3584x128xf32, #tpu.memory_space<hbm>> -> memref<1x1x1x128x128xf32, #tpu.memory_space<hbm>>
      %dma_wait3A_48 = tpu.memref_squeeze %dma_wait3A_47 : memref<1x1x1x128x128xf32, #tpu.memory_space<hbm>> -> memref<128x128xf32, #tpu.memory_space<hbm>>
      tpu.wait_dma2 semaphore(%run_scoped3A_32 : memref<!tpu.dma_semaphore, #tpu.memory_space<semaphore_mem>>) src(%arg7 : memref<128x128xf32, #tpu.memory_space<vmem>>) dst(%dma_wait3A_48 : memref<128x128xf32, #tpu.memory_space<hbm>>)
      tpu.yield
    }) : () -> ()
    return
  }
}

#map = affine_map<(d0, d1) -> (0, 0, 0, 0)>
#map1 = affine_map<(d0, d1) -> (0, 0)>
#map2 = affine_map<(d0, d1) -> (0, 0, 0)>
module attributes {stable_mosaic.version = 14 : i64} {
  func.func @_sc_deg(%arg0: i32, %arg1: i32, %arg2: memref<2x16x80x128xi32, #tpu.memory_space<hbm>>, %arg3: memref<10240x16xf32, #tpu.memory_space<hbm>>, %arg4: memref<128x16xf32, #tpu.memory_space<hbm>>, %arg5: memref<2x10240x16xf32, #tpu.memory_space<hbm>>, %arg6: memref<80x128xi32, #tpu.memory_space<vmem>>, %arg7: memref<128x16xf32, #tpu.memory_space<vmem>>, %arg8: memref<10240x16xf32, #tpu.memory_space<vmem_shared>>) attributes {dimension_semantics = [#tpu.dimension_semantics<core_parallel>, #tpu.dimension_semantics<subcore_parallel>], iteration_bounds = array<i64: 2, 16>, scalar_prefetch = 0 : i64, scratch_operands = 3 : i64, tpu.core_type = #tpu.core_type<sc_vector_subcore>, window_params = [{transform_indices = #map}, {transform_indices = #map1}, {transform_indices = #map1}, {transform_indices = #map2}]} {
    "tpu.region"() ({
      %run_scoped3A = tpu.sem_alloc : memref<!tpu.dma_semaphore, #tpu.memory_space<semaphore_mem>>
      %dma_start3A = arith.constant 0 : i32
      %dma_start3A_13 = arith.constant 0 : i32
      %dma_start3A_14 = tpu.memref_slice %arg2[%arg0, %arg1, %dma_start3A, %dma_start3A_13] : memref<2x16x80x128xi32, #tpu.memory_space<hbm>> -> memref<1x1x80x128xi32, #tpu.memory_space<hbm>>
      %dma_start3A_15 = tpu.memref_squeeze %dma_start3A_14 : memref<1x1x80x128xi32, #tpu.memory_space<hbm>> -> memref<80x128xi32, #tpu.memory_space<hbm>>
      %dma_start3A_16 = arith.constant 0 : i32
      %dma_start3A_17 = arith.constant 0 : i32
      %dma_start3A_18 = tpu.memref_slice %arg2[%arg0, %arg1, %dma_start3A_16, %dma_start3A_17] : memref<2x16x80x128xi32, #tpu.memory_space<hbm>> -> memref<1x1x80x128xi32, #tpu.memory_space<hbm>>
      %dma_start3A_19 = tpu.memref_squeeze %dma_start3A_18 : memref<1x1x80x128xi32, #tpu.memory_space<hbm>> -> memref<80x128xi32, #tpu.memory_space<hbm>>
      tpu.enqueue_dma source(%dma_start3A_19 : memref<80x128xi32, #tpu.memory_space<hbm>>) target(%arg6 : memref<80x128xi32, #tpu.memory_space<vmem>>) target_semaphore(%run_scoped3A : memref<!tpu.dma_semaphore, #tpu.memory_space<semaphore_mem>>)
      %dma_wait3A = arith.constant 0 : i32
      %dma_wait3A_20 = arith.constant 0 : i32
      %dma_wait3A_21 = tpu.memref_slice %arg2[%arg0, %arg1, %dma_wait3A, %dma_wait3A_20] : memref<2x16x80x128xi32, #tpu.memory_space<hbm>> -> memref<1x1x80x128xi32, #tpu.memory_space<hbm>>
      %dma_wait3A_22 = tpu.memref_squeeze %dma_wait3A_21 : memref<1x1x80x128xi32, #tpu.memory_space<hbm>> -> memref<80x128xi32, #tpu.memory_space<hbm>>
      %dma_wait3A_23 = arith.constant 0 : i32
      %dma_wait3A_24 = arith.constant 0 : i32
      %dma_wait3A_25 = tpu.memref_slice %arg2[%arg0, %arg1, %dma_wait3A_23, %dma_wait3A_24] : memref<2x16x80x128xi32, #tpu.memory_space<hbm>> -> memref<1x1x80x128xi32, #tpu.memory_space<hbm>>
      %dma_wait3A_26 = tpu.memref_squeeze %dma_wait3A_25 : memref<1x1x80x128xi32, #tpu.memory_space<hbm>> -> memref<80x128xi32, #tpu.memory_space<hbm>>
      tpu.wait_dma2 semaphore(%run_scoped3A : memref<!tpu.dma_semaphore, #tpu.memory_space<semaphore_mem>>) src(%dma_wait3A_26 : memref<80x128xi32, #tpu.memory_space<hbm>>) dst(%arg6 : memref<80x128xi32, #tpu.memory_space<vmem>>)
      tpu.yield
    }) : () -> ()
    "tpu.region"() ({
      %run_scoped3A = tpu.sem_alloc : memref<!tpu.dma_semaphore, #tpu.memory_space<semaphore_mem>>
      tpu.enqueue_dma source(%arg4 : memref<128x16xf32, #tpu.memory_space<hbm>>) target(%arg7 : memref<128x16xf32, #tpu.memory_space<vmem>>) target_semaphore(%run_scoped3A : memref<!tpu.dma_semaphore, #tpu.memory_space<semaphore_mem>>)
      tpu.wait_dma2 semaphore(%run_scoped3A : memref<!tpu.dma_semaphore, #tpu.memory_space<semaphore_mem>>) src(%arg4 : memref<128x16xf32, #tpu.memory_space<hbm>>) dst(%arg7 : memref<128x16xf32, #tpu.memory_space<vmem>>)
      tpu.yield
    }) : () -> ()
    %mul3A = arith.constant 640 : i32
    %mul3A_0 = arith.muli %arg1, %mul3A : i32
    %mul3A_1 = arith.constant 640 : i32
    %mul3A_2 = arith.muli %arg1, %mul3A_1 : i32
    "tpu.region"() ({
      %run_scoped3A = tpu.sem_alloc : memref<!tpu.dma_semaphore, #tpu.memory_space<semaphore_mem>>
      %dma_start3A = arith.constant 0 : i32
      %dma_start3A_13 = tpu.memref_slice %arg8[%mul3A_2, %dma_start3A] : memref<10240x16xf32, #tpu.memory_space<vmem_shared>> -> memref<640x16xf32, #tpu.memory_space<vmem_shared>>
      %dma_start3A_14 = arith.constant 0 : i32
      %dma_start3A_15 = tpu.memref_slice %arg3[%mul3A_0, %dma_start3A_14] : memref<10240x16xf32, #tpu.memory_space<hbm>> -> memref<640x16xf32, #tpu.memory_space<hbm>>
      tpu.enqueue_dma source(%dma_start3A_15 : memref<640x16xf32, #tpu.memory_space<hbm>>) target(%dma_start3A_13 : memref<640x16xf32, #tpu.memory_space<vmem_shared>>) target_semaphore(%run_scoped3A : memref<!tpu.dma_semaphore, #tpu.memory_space<semaphore_mem>>)
      %dma_wait3A = arith.constant 0 : i32
      %dma_wait3A_16 = tpu.memref_slice %arg8[%mul3A_2, %dma_wait3A] : memref<10240x16xf32, #tpu.memory_space<vmem_shared>> -> memref<640x16xf32, #tpu.memory_space<vmem_shared>>
      %dma_wait3A_17 = arith.constant 0 : i32
      %dma_wait3A_18 = tpu.memref_slice %arg3[%mul3A_0, %dma_wait3A_17] : memref<10240x16xf32, #tpu.memory_space<hbm>> -> memref<640x16xf32, #tpu.memory_space<hbm>>
      tpu.wait_dma2 semaphore(%run_scoped3A : memref<!tpu.dma_semaphore, #tpu.memory_space<semaphore_mem>>) src(%dma_wait3A_18 : memref<640x16xf32, #tpu.memory_space<hbm>>) dst(%dma_wait3A_16 : memref<640x16xf32, #tpu.memory_space<vmem_shared>>)
      tpu.yield
    }) : () -> ()
    %barrier3A = arith.constant 0 : index
    tpu.barrier barrier_id(%barrier3A)
    %scan3A = arith.constant 0 : i32
    %scan3A_3 = arith.constant 0 : i32
    %scan3A_4 = arith.constant 80 : i32
    %scan3A_5 = arith.addi %scan3A_3, %scan3A_4 : i32
    %scan3A_6 = arith.constant 1 : i32
    scf.for %scan3A_13 = %scan3A_3 to %scan3A_5 step %scan3A_6  : i32 {
      "tpu.region"() ({
        %run_scoped3A = tpu.sem_alloc : memref<!tpu.dma_semaphore, #tpu.memory_space<semaphore_mem>>
        %dma_start3A = arith.constant 0 : i32
        %dma_start3A_14 = tpu.memref_slice %arg6[%scan3A_13, %dma_start3A] : memref<80x128xi32, #tpu.memory_space<vmem>> -> memref<1x128xi32, #tpu.memory_space<vmem>>
        %dma_start3A_15 = tpu.memref_squeeze %dma_start3A_14 : memref<1x128xi32, #tpu.memory_space<vmem>> -> memref<128xi32, #tpu.memory_space<vmem>>
        %dma_start3A_16 = arith.constant 0 : i32
        %dma_start3A_17 = arith.constant 0 : i32
        %dma_start3A_18 = tpu.memref_slice %arg8[%dma_start3A_16, %dma_start3A_17] : memref<10240x16xf32, #tpu.memory_space<vmem_shared>> -> memref<10240x16xf32, #tpu.memory_space<vmem_shared>>
        tpu.enqueue_indirect_dma source(%arg7 : memref<128x16xf32, #tpu.memory_space<vmem>>) target(%dma_start3A_18 : memref<10240x16xf32, #tpu.memory_space<vmem_shared>>) offsets(%dma_start3A_15 : memref<128xi32, #tpu.memory_space<vmem>>) semaphore(%run_scoped3A : memref<!tpu.dma_semaphore, #tpu.memory_space<semaphore_mem>>) {add = true}
        %dma_wait3A = arith.constant 0 : i32
        %dma_wait3A_19 = tpu.memref_slice %arg6[%scan3A_13, %dma_wait3A] : memref<80x128xi32, #tpu.memory_space<vmem>> -> memref<1x128xi32, #tpu.memory_space<vmem>>
        %dma_wait3A_20 = tpu.memref_squeeze %dma_wait3A_19 : memref<1x128xi32, #tpu.memory_space<vmem>> -> memref<128xi32, #tpu.memory_space<vmem>>
        %dma_wait3A_21 = arith.constant 0 : i32
        %dma_wait3A_22 = arith.constant 0 : i32
        %dma_wait3A_23 = tpu.memref_slice %arg8[%dma_wait3A_21, %dma_wait3A_22] : memref<10240x16xf32, #tpu.memory_space<vmem_shared>> -> memref<10240x16xf32, #tpu.memory_space<vmem_shared>>
        tpu.wait_indirect_dma semaphore(%run_scoped3A : memref<!tpu.dma_semaphore, #tpu.memory_space<semaphore_mem>>) src(%arg7 : memref<128x16xf32, #tpu.memory_space<vmem>>) dst(%dma_wait3A_23 : memref<10240x16xf32, #tpu.memory_space<vmem_shared>>)
        tpu.yield
      }) : () -> ()
    }
    %scan3A_7 = arith.constant 80 : i32
    %barrier3A_8 = arith.constant 0 : index
    tpu.barrier barrier_id(%barrier3A_8)
    %mul3A_9 = arith.constant 640 : i32
    %mul3A_10 = arith.muli %arg1, %mul3A_9 : i32
    %mul3A_11 = arith.constant 640 : i32
    %mul3A_12 = arith.muli %arg1, %mul3A_11 : i32
    "tpu.region"() ({
      %run_scoped3A = tpu.sem_alloc : memref<!tpu.dma_semaphore, #tpu.memory_space<semaphore_mem>>
      %dma_start3A = arith.constant 0 : i32
      %dma_start3A_13 = tpu.memref_slice %arg5[%arg0, %mul3A_12, %dma_start3A] : memref<2x10240x16xf32, #tpu.memory_space<hbm>> -> memref<1x640x16xf32, #tpu.memory_space<hbm>>
      %dma_start3A_14 = tpu.memref_squeeze %dma_start3A_13 : memref<1x640x16xf32, #tpu.memory_space<hbm>> -> memref<640x16xf32, #tpu.memory_space<hbm>>
      %dma_start3A_15 = arith.constant 0 : i32
      %dma_start3A_16 = tpu.memref_slice %arg8[%mul3A_10, %dma_start3A_15] : memref<10240x16xf32, #tpu.memory_space<vmem_shared>> -> memref<640x16xf32, #tpu.memory_space<vmem_shared>>
      tpu.enqueue_dma source(%dma_start3A_16 : memref<640x16xf32, #tpu.memory_space<vmem_shared>>) target(%dma_start3A_14 : memref<640x16xf32, #tpu.memory_space<hbm>>) target_semaphore(%run_scoped3A : memref<!tpu.dma_semaphore, #tpu.memory_space<semaphore_mem>>)
      %dma_wait3A = arith.constant 0 : i32
      %dma_wait3A_17 = tpu.memref_slice %arg5[%arg0, %mul3A_12, %dma_wait3A] : memref<2x10240x16xf32, #tpu.memory_space<hbm>> -> memref<1x640x16xf32, #tpu.memory_space<hbm>>
      %dma_wait3A_18 = tpu.memref_squeeze %dma_wait3A_17 : memref<1x640x16xf32, #tpu.memory_space<hbm>> -> memref<640x16xf32, #tpu.memory_space<hbm>>
      %dma_wait3A_19 = arith.constant 0 : i32
      %dma_wait3A_20 = tpu.memref_slice %arg8[%mul3A_10, %dma_wait3A_19] : memref<10240x16xf32, #tpu.memory_space<vmem_shared>> -> memref<640x16xf32, #tpu.memory_space<vmem_shared>>
      tpu.wait_dma2 semaphore(%run_scoped3A : memref<!tpu.dma_semaphore, #tpu.memory_space<semaphore_mem>>) src(%dma_wait3A_20 : memref<640x16xf32, #tpu.memory_space<vmem_shared>>) dst(%dma_wait3A_18 : memref<640x16xf32, #tpu.memory_space<hbm>>)
      tpu.yield
    }) : () -> ()
    return
  }
}

#map = affine_map<(d0, d1) -> (0, 0)>
#map1 = affine_map<(d0, d1) -> (0, 0, 0, 0)>
#map2 = affine_map<(d0, d1) -> (0, 0, 0)>
module attributes {stable_mosaic.version = 14 : i64} {
  func.func @_sc_gather_scatter(%arg0: i32, %arg1: i32, %arg2: memref<10240x128xf32, #tpu.memory_space<hbm>>, %arg3: memref<2x16x80x128xi32, #tpu.memory_space<hbm>>, %arg4: memref<2x16x80x128xi32, #tpu.memory_space<hbm>>, %arg5: memref<10240x128xf32, #tpu.memory_space<hbm>>, %arg6: memref<2x10240x128xf32, #tpu.memory_space<hbm>>, %arg7: memref<40x128xi32, #tpu.memory_space<vmem>>, %arg8: memref<40x128xi32, #tpu.memory_space<vmem>>, %arg9: memref<128x128xf32, #tpu.memory_space<vmem>>, %arg10: memref<128x128xf32, #tpu.memory_space<vmem>>, %arg11: memref<10240x128xf32, #tpu.memory_space<vmem_shared>>, %arg12: memref<!tpu.dma_semaphore, #tpu.memory_space<semaphore_mem>>, %arg13: memref<!tpu.dma_semaphore, #tpu.memory_space<semaphore_mem>>) attributes {dimension_semantics = [#tpu.dimension_semantics<core_parallel>, #tpu.dimension_semantics<subcore_parallel>], iteration_bounds = array<i64: 2, 16>, scalar_prefetch = 0 : i64, scratch_operands = 7 : i64, tpu.core_type = #tpu.core_type<sc_vector_subcore>, window_params = [{transform_indices = #map}, {transform_indices = #map1}, {transform_indices = #map1}, {transform_indices = #map}, {transform_indices = #map2}]} {
    %mul3A = arith.constant 640 : i32
    %mul3A_0 = arith.muli %arg1, %mul3A : i32
    %mul3A_1 = arith.constant 640 : i32
    %mul3A_2 = arith.muli %arg1, %mul3A_1 : i32
    "tpu.region"() ({
      %run_scoped3A_76 = tpu.sem_alloc : memref<!tpu.dma_semaphore, #tpu.memory_space<semaphore_mem>>
      %dma_start3A_77 = arith.constant 0 : i32
      %dma_start3A_78 = tpu.memref_slice %arg11[%mul3A_2, %dma_start3A_77] : memref<10240x128xf32, #tpu.memory_space<vmem_shared>> -> memref<640x128xf32, #tpu.memory_space<vmem_shared>>
      %dma_start3A_79 = arith.constant 0 : i32
      %dma_start3A_80 = tpu.memref_slice %arg5[%mul3A_0, %dma_start3A_79] : memref<10240x128xf32, #tpu.memory_space<hbm>> -> memref<640x128xf32, #tpu.memory_space<hbm>>
      tpu.enqueue_dma source(%dma_start3A_80 : memref<640x128xf32, #tpu.memory_space<hbm>>) target(%dma_start3A_78 : memref<640x128xf32, #tpu.memory_space<vmem_shared>>) target_semaphore(%run_scoped3A_76 : memref<!tpu.dma_semaphore, #tpu.memory_space<semaphore_mem>>)
      %dma_wait3A_81 = arith.constant 0 : i32
      %dma_wait3A_82 = tpu.memref_slice %arg11[%mul3A_2, %dma_wait3A_81] : memref<10240x128xf32, #tpu.memory_space<vmem_shared>> -> memref<640x128xf32, #tpu.memory_space<vmem_shared>>
      %dma_wait3A_83 = arith.constant 0 : i32
      %dma_wait3A_84 = tpu.memref_slice %arg5[%mul3A_0, %dma_wait3A_83] : memref<10240x128xf32, #tpu.memory_space<hbm>> -> memref<640x128xf32, #tpu.memory_space<hbm>>
      tpu.wait_dma2 semaphore(%run_scoped3A_76 : memref<!tpu.dma_semaphore, #tpu.memory_space<semaphore_mem>>) src(%dma_wait3A_84 : memref<640x128xf32, #tpu.memory_space<hbm>>) dst(%dma_wait3A_82 : memref<640x128xf32, #tpu.memory_space<vmem_shared>>)
      tpu.yield
    }) : () -> ()
    %barrier3A = arith.constant 0 : index
    tpu.barrier barrier_id(%barrier3A)
    "tpu.region"() ({
      %run_scoped3A_76 = tpu.sem_alloc : memref<!tpu.dma_semaphore, #tpu.memory_space<semaphore_mem>>
      %dma_start3A_77 = arith.constant 0 : i32
      %dma_start3A_78 = arith.constant 0 : i32
      %dma_start3A_79 = tpu.memref_slice %arg3[%arg0, %arg1, %dma_start3A_77, %dma_start3A_78] : memref<2x16x80x128xi32, #tpu.memory_space<hbm>> -> memref<1x1x40x128xi32, #tpu.memory_space<hbm>>
      %dma_start3A_80 = tpu.memref_squeeze %dma_start3A_79 : memref<1x1x40x128xi32, #tpu.memory_space<hbm>> -> memref<40x128xi32, #tpu.memory_space<hbm>>
      %dma_start3A_81 = arith.constant 0 : i32
      %dma_start3A_82 = arith.constant 0 : i32
      %dma_start3A_83 = tpu.memref_slice %arg3[%arg0, %arg1, %dma_start3A_81, %dma_start3A_82] : memref<2x16x80x128xi32, #tpu.memory_space<hbm>> -> memref<1x1x40x128xi32, #tpu.memory_space<hbm>>
      %dma_start3A_84 = tpu.memref_squeeze %dma_start3A_83 : memref<1x1x40x128xi32, #tpu.memory_space<hbm>> -> memref<40x128xi32, #tpu.memory_space<hbm>>
      tpu.enqueue_dma source(%dma_start3A_84 : memref<40x128xi32, #tpu.memory_space<hbm>>) target(%arg7 : memref<40x128xi32, #tpu.memory_space<vmem>>) target_semaphore(%run_scoped3A_76 : memref<!tpu.dma_semaphore, #tpu.memory_space<semaphore_mem>>)
      %dma_wait3A_85 = arith.constant 0 : i32
      %dma_wait3A_86 = arith.constant 0 : i32
      %dma_wait3A_87 = tpu.memref_slice %arg3[%arg0, %arg1, %dma_wait3A_85, %dma_wait3A_86] : memref<2x16x80x128xi32, #tpu.memory_space<hbm>> -> memref<1x1x40x128xi32, #tpu.memory_space<hbm>>
      %dma_wait3A_88 = tpu.memref_squeeze %dma_wait3A_87 : memref<1x1x40x128xi32, #tpu.memory_space<hbm>> -> memref<40x128xi32, #tpu.memory_space<hbm>>
      %dma_wait3A_89 = arith.constant 0 : i32
      %dma_wait3A_90 = arith.constant 0 : i32
      %dma_wait3A_91 = tpu.memref_slice %arg3[%arg0, %arg1, %dma_wait3A_89, %dma_wait3A_90] : memref<2x16x80x128xi32, #tpu.memory_space<hbm>> -> memref<1x1x40x128xi32, #tpu.memory_space<hbm>>
      %dma_wait3A_92 = tpu.memref_squeeze %dma_wait3A_91 : memref<1x1x40x128xi32, #tpu.memory_space<hbm>> -> memref<40x128xi32, #tpu.memory_space<hbm>>
      tpu.wait_dma2 semaphore(%run_scoped3A_76 : memref<!tpu.dma_semaphore, #tpu.memory_space<semaphore_mem>>) src(%dma_wait3A_92 : memref<40x128xi32, #tpu.memory_space<hbm>>) dst(%arg7 : memref<40x128xi32, #tpu.memory_space<vmem>>)
      tpu.yield
    }) : () -> ()
    "tpu.region"() ({
      %run_scoped3A_76 = tpu.sem_alloc : memref<!tpu.dma_semaphore, #tpu.memory_space<semaphore_mem>>
      %dma_start3A_77 = arith.constant 0 : i32
      %dma_start3A_78 = arith.constant 0 : i32
      %dma_start3A_79 = tpu.memref_slice %arg4[%arg0, %arg1, %dma_start3A_77, %dma_start3A_78] : memref<2x16x80x128xi32, #tpu.memory_space<hbm>> -> memref<1x1x40x128xi32, #tpu.memory_space<hbm>>
      %dma_start3A_80 = tpu.memref_squeeze %dma_start3A_79 : memref<1x1x40x128xi32, #tpu.memory_space<hbm>> -> memref<40x128xi32, #tpu.memory_space<hbm>>
      %dma_start3A_81 = arith.constant 0 : i32
      %dma_start3A_82 = arith.constant 0 : i32
      %dma_start3A_83 = tpu.memref_slice %arg4[%arg0, %arg1, %dma_start3A_81, %dma_start3A_82] : memref<2x16x80x128xi32, #tpu.memory_space<hbm>> -> memref<1x1x40x128xi32, #tpu.memory_space<hbm>>
      %dma_start3A_84 = tpu.memref_squeeze %dma_start3A_83 : memref<1x1x40x128xi32, #tpu.memory_space<hbm>> -> memref<40x128xi32, #tpu.memory_space<hbm>>
      tpu.enqueue_dma source(%dma_start3A_84 : memref<40x128xi32, #tpu.memory_space<hbm>>) target(%arg8 : memref<40x128xi32, #tpu.memory_space<vmem>>) target_semaphore(%run_scoped3A_76 : memref<!tpu.dma_semaphore, #tpu.memory_space<semaphore_mem>>)
      %dma_wait3A_85 = arith.constant 0 : i32
      %dma_wait3A_86 = arith.constant 0 : i32
      %dma_wait3A_87 = tpu.memref_slice %arg4[%arg0, %arg1, %dma_wait3A_85, %dma_wait3A_86] : memref<2x16x80x128xi32, #tpu.memory_space<hbm>> -> memref<1x1x40x128xi32, #tpu.memory_space<hbm>>
      %dma_wait3A_88 = tpu.memref_squeeze %dma_wait3A_87 : memref<1x1x40x128xi32, #tpu.memory_space<hbm>> -> memref<40x128xi32, #tpu.memory_space<hbm>>
      %dma_wait3A_89 = arith.constant 0 : i32
      %dma_wait3A_90 = arith.constant 0 : i32
      %dma_wait3A_91 = tpu.memref_slice %arg4[%arg0, %arg1, %dma_wait3A_89, %dma_wait3A_90] : memref<2x16x80x128xi32, #tpu.memory_space<hbm>> -> memref<1x1x40x128xi32, #tpu.memory_space<hbm>>
      %dma_wait3A_92 = tpu.memref_squeeze %dma_wait3A_91 : memref<1x1x40x128xi32, #tpu.memory_space<hbm>> -> memref<40x128xi32, #tpu.memory_space<hbm>>
      tpu.wait_dma2 semaphore(%run_scoped3A_76 : memref<!tpu.dma_semaphore, #tpu.memory_space<semaphore_mem>>) src(%dma_wait3A_92 : memref<40x128xi32, #tpu.memory_space<hbm>>) dst(%arg8 : memref<40x128xi32, #tpu.memory_space<vmem>>)
      tpu.yield
    }) : () -> ()
    %dma_start3A = arith.constant 0 : i32
    %dma_start3A_3 = arith.constant 0 : i32
    %dma_start3A_4 = tpu.memref_slice %arg7[%dma_start3A, %dma_start3A_3] : memref<40x128xi32, #tpu.memory_space<vmem>> -> memref<1x128xi32, #tpu.memory_space<vmem>>
    %dma_start3A_5 = tpu.memref_squeeze %dma_start3A_4 : memref<1x128xi32, #tpu.memory_space<vmem>> -> memref<128xi32, #tpu.memory_space<vmem>>
    %dma_start3A_6 = arith.constant 0 : i32
    %dma_start3A_7 = arith.constant 0 : i32
    %dma_start3A_8 = tpu.memref_slice %arg2[%dma_start3A_6, %dma_start3A_7] : memref<10240x128xf32, #tpu.memory_space<hbm>> -> memref<10240x128xf32, #tpu.memory_space<hbm>>
    tpu.enqueue_indirect_dma source(%dma_start3A_8 : memref<10240x128xf32, #tpu.memory_space<hbm>>) target(%arg9 : memref<128x128xf32, #tpu.memory_space<vmem>>) offsets(%dma_start3A_5 : memref<128xi32, #tpu.memory_space<vmem>>) semaphore(%arg12 : memref<!tpu.dma_semaphore, #tpu.memory_space<semaphore_mem>>)
    %dma_start3A_9 = arith.constant 1 : i32
    %dma_start3A_10 = arith.constant 0 : i32
    %dma_start3A_11 = tpu.memref_slice %arg7[%dma_start3A_9, %dma_start3A_10] : memref<40x128xi32, #tpu.memory_space<vmem>> -> memref<1x128xi32, #tpu.memory_space<vmem>>
    %dma_start3A_12 = tpu.memref_squeeze %dma_start3A_11 : memref<1x128xi32, #tpu.memory_space<vmem>> -> memref<128xi32, #tpu.memory_space<vmem>>
    %dma_start3A_13 = arith.constant 0 : i32
    %dma_start3A_14 = arith.constant 0 : i32
    %dma_start3A_15 = tpu.memref_slice %arg2[%dma_start3A_13, %dma_start3A_14] : memref<10240x128xf32, #tpu.memory_space<hbm>> -> memref<10240x128xf32, #tpu.memory_space<hbm>>
    tpu.enqueue_indirect_dma source(%dma_start3A_15 : memref<10240x128xf32, #tpu.memory_space<hbm>>) target(%arg10 : memref<128x128xf32, #tpu.memory_space<vmem>>) offsets(%dma_start3A_12 : memref<128xi32, #tpu.memory_space<vmem>>) semaphore(%arg13 : memref<!tpu.dma_semaphore, #tpu.memory_space<semaphore_mem>>)
    %scan3A = arith.constant 0 : i32
    %scan3A_16 = arith.constant 0 : i32
    %scan3A_17 = arith.constant 19 : i32
    %scan3A_18 = arith.addi %scan3A_16, %scan3A_17 : i32
    %scan3A_19 = arith.constant 1 : i32
    scf.for %scan3A_76 = %scan3A_16 to %scan3A_18 step %scan3A_19  : i32 {
      %mul3A_77 = arith.constant 2 : i32
      %mul3A_78 = arith.muli %mul3A_77, %scan3A_76 : i32
      %dma_wait3A_79 = arith.constant 0 : i32
      %dma_wait3A_80 = tpu.memref_slice %arg7[%mul3A_78, %dma_wait3A_79] : memref<40x128xi32, #tpu.memory_space<vmem>> -> memref<1x128xi32, #tpu.memory_space<vmem>>
      %dma_wait3A_81 = tpu.memref_squeeze %dma_wait3A_80 : memref<1x128xi32, #tpu.memory_space<vmem>> -> memref<128xi32, #tpu.memory_space<vmem>>
      %dma_wait3A_82 = arith.constant 0 : i32
      %dma_wait3A_83 = arith.constant 0 : i32
      %dma_wait3A_84 = tpu.memref_slice %arg2[%dma_wait3A_82, %dma_wait3A_83] : memref<10240x128xf32, #tpu.memory_space<hbm>> -> memref<10240x128xf32, #tpu.memory_space<hbm>>
      tpu.wait_indirect_dma semaphore(%arg12 : memref<!tpu.dma_semaphore, #tpu.memory_space<semaphore_mem>>) src(%dma_wait3A_84 : memref<10240x128xf32, #tpu.memory_space<hbm>>) dst(%arg9 : memref<128x128xf32, #tpu.memory_space<vmem>>)
      "tpu.region"() ({
        %run_scoped3A_110 = tpu.sem_alloc : memref<!tpu.dma_semaphore, #tpu.memory_space<semaphore_mem>>
        %dma_start3A_111 = arith.constant 0 : i32
        %dma_start3A_112 = tpu.memref_slice %arg8[%mul3A_78, %dma_start3A_111] : memref<40x128xi32, #tpu.memory_space<vmem>> -> memref<1x128xi32, #tpu.memory_space<vmem>>
        %dma_start3A_113 = tpu.memref_squeeze %dma_start3A_112 : memref<1x128xi32, #tpu.memory_space<vmem>> -> memref<128xi32, #tpu.memory_space<vmem>>
        %dma_start3A_114 = arith.constant 0 : i32
        %dma_start3A_115 = arith.constant 0 : i32
        %dma_start3A_116 = tpu.memref_slice %arg11[%dma_start3A_114, %dma_start3A_115] : memref<10240x128xf32, #tpu.memory_space<vmem_shared>> -> memref<10240x128xf32, #tpu.memory_space<vmem_shared>>
        tpu.enqueue_indirect_dma source(%arg9 : memref<128x128xf32, #tpu.memory_space<vmem>>) target(%dma_start3A_116 : memref<10240x128xf32, #tpu.memory_space<vmem_shared>>) offsets(%dma_start3A_113 : memref<128xi32, #tpu.memory_space<vmem>>) semaphore(%run_scoped3A_110 : memref<!tpu.dma_semaphore, #tpu.memory_space<semaphore_mem>>) {add = true}
        %dma_wait3A_117 = arith.constant 0 : i32
        %dma_wait3A_118 = tpu.memref_slice %arg8[%mul3A_78, %dma_wait3A_117] : memref<40x128xi32, #tpu.memory_space<vmem>> -> memref<1x128xi32, #tpu.memory_space<vmem>>
        %dma_wait3A_119 = tpu.memref_squeeze %dma_wait3A_118 : memref<1x128xi32, #tpu.memory_space<vmem>> -> memref<128xi32, #tpu.memory_space<vmem>>
        %dma_wait3A_120 = arith.constant 0 : i32
        %dma_wait3A_121 = arith.constant 0 : i32
        %dma_wait3A_122 = tpu.memref_slice %arg11[%dma_wait3A_120, %dma_wait3A_121] : memref<10240x128xf32, #tpu.memory_space<vmem_shared>> -> memref<10240x128xf32, #tpu.memory_space<vmem_shared>>
        tpu.wait_indirect_dma semaphore(%run_scoped3A_110 : memref<!tpu.dma_semaphore, #tpu.memory_space<semaphore_mem>>) src(%arg9 : memref<128x128xf32, #tpu.memory_space<vmem>>) dst(%dma_wait3A_122 : memref<10240x128xf32, #tpu.memory_space<vmem_shared>>)
        tpu.yield
      }) : () -> ()
      %add3A = arith.constant 2 : i32
      %add3A_85 = arith.addi %mul3A_78, %add3A : i32
      %dma_start3A_86 = arith.constant 0 : i32
      %dma_start3A_87 = tpu.memref_slice %arg7[%add3A_85, %dma_start3A_86] : memref<40x128xi32, #tpu.memory_space<vmem>> -> memref<1x128xi32, #tpu.memory_space<vmem>>
      %dma_start3A_88 = tpu.memref_squeeze %dma_start3A_87 : memref<1x128xi32, #tpu.memory_space<vmem>> -> memref<128xi32, #tpu.memory_space<vmem>>
      %dma_start3A_89 = arith.constant 0 : i32
      %dma_start3A_90 = arith.constant 0 : i32
      %dma_start3A_91 = tpu.memref_slice %arg2[%dma_start3A_89, %dma_start3A_90] : memref<10240x128xf32, #tpu.memory_space<hbm>> -> memref<10240x128xf32, #tpu.memory_space<hbm>>
      tpu.enqueue_indirect_dma source(%dma_start3A_91 : memref<10240x128xf32, #tpu.memory_space<hbm>>) target(%arg9 : memref<128x128xf32, #tpu.memory_space<vmem>>) offsets(%dma_start3A_88 : memref<128xi32, #tpu.memory_space<vmem>>) semaphore(%arg12 : memref<!tpu.dma_semaphore, #tpu.memory_space<semaphore_mem>>)
      %add3A_92 = arith.constant 1 : i32
      %add3A_93 = arith.addi %mul3A_78, %add3A_92 : i32
      %dma_wait3A_94 = arith.constant 0 : i32
      %dma_wait3A_95 = tpu.memref_slice %arg7[%add3A_93, %dma_wait3A_94] : memref<40x128xi32, #tpu.memory_space<vmem>> -> memref<1x128xi32, #tpu.memory_space<vmem>>
      %dma_wait3A_96 = tpu.memref_squeeze %dma_wait3A_95 : memref<1x128xi32, #tpu.memory_space<vmem>> -> memref<128xi32, #tpu.memory_space<vmem>>
      %dma_wait3A_97 = arith.constant 0 : i32
      %dma_wait3A_98 = arith.constant 0 : i32
      %dma_wait3A_99 = tpu.memref_slice %arg2[%dma_wait3A_97, %dma_wait3A_98] : memref<10240x128xf32, #tpu.memory_space<hbm>> -> memref<10240x128xf32, #tpu.memory_space<hbm>>
      tpu.wait_indirect_dma semaphore(%arg13 : memref<!tpu.dma_semaphore, #tpu.memory_space<semaphore_mem>>) src(%dma_wait3A_99 : memref<10240x128xf32, #tpu.memory_space<hbm>>) dst(%arg10 : memref<128x128xf32, #tpu.memory_space<vmem>>)
      %add3A_100 = arith.constant 1 : i32
      %add3A_101 = arith.addi %mul3A_78, %add3A_100 : i32
      "tpu.region"() ({
        %run_scoped3A_110 = tpu.sem_alloc : memref<!tpu.dma_semaphore, #tpu.memory_space<semaphore_mem>>
        %dma_start3A_111 = arith.constant 0 : i32
        %dma_start3A_112 = tpu.memref_slice %arg8[%add3A_101, %dma_start3A_111] : memref<40x128xi32, #tpu.memory_space<vmem>> -> memref<1x128xi32, #tpu.memory_space<vmem>>
        %dma_start3A_113 = tpu.memref_squeeze %dma_start3A_112 : memref<1x128xi32, #tpu.memory_space<vmem>> -> memref<128xi32, #tpu.memory_space<vmem>>
        %dma_start3A_114 = arith.constant 0 : i32
        %dma_start3A_115 = arith.constant 0 : i32
        %dma_start3A_116 = tpu.memref_slice %arg11[%dma_start3A_114, %dma_start3A_115] : memref<10240x128xf32, #tpu.memory_space<vmem_shared>> -> memref<10240x128xf32, #tpu.memory_space<vmem_shared>>
        tpu.enqueue_indirect_dma source(%arg10 : memref<128x128xf32, #tpu.memory_space<vmem>>) target(%dma_start3A_116 : memref<10240x128xf32, #tpu.memory_space<vmem_shared>>) offsets(%dma_start3A_113 : memref<128xi32, #tpu.memory_space<vmem>>) semaphore(%run_scoped3A_110 : memref<!tpu.dma_semaphore, #tpu.memory_space<semaphore_mem>>) {add = true}
        %dma_wait3A_117 = arith.constant 0 : i32
        %dma_wait3A_118 = tpu.memref_slice %arg8[%add3A_101, %dma_wait3A_117] : memref<40x128xi32, #tpu.memory_space<vmem>> -> memref<1x128xi32, #tpu.memory_space<vmem>>
        %dma_wait3A_119 = tpu.memref_squeeze %dma_wait3A_118 : memref<1x128xi32, #tpu.memory_space<vmem>> -> memref<128xi32, #tpu.memory_space<vmem>>
        %dma_wait3A_120 = arith.constant 0 : i32
        %dma_wait3A_121 = arith.constant 0 : i32
        %dma_wait3A_122 = tpu.memref_slice %arg11[%dma_wait3A_120, %dma_wait3A_121] : memref<10240x128xf32, #tpu.memory_space<vmem_shared>> -> memref<10240x128xf32, #tpu.memory_space<vmem_shared>>
        tpu.wait_indirect_dma semaphore(%run_scoped3A_110 : memref<!tpu.dma_semaphore, #tpu.memory_space<semaphore_mem>>) src(%arg10 : memref<128x128xf32, #tpu.memory_space<vmem>>) dst(%dma_wait3A_122 : memref<10240x128xf32, #tpu.memory_space<vmem_shared>>)
        tpu.yield
      }) : () -> ()
      %add3A_102 = arith.constant 3 : i32
      %add3A_103 = arith.addi %mul3A_78, %add3A_102 : i32
      %dma_start3A_104 = arith.constant 0 : i32
      %dma_start3A_105 = tpu.memref_slice %arg7[%add3A_103, %dma_start3A_104] : memref<40x128xi32, #tpu.memory_space<vmem>> -> memref<1x128xi32, #tpu.memory_space<vmem>>
      %dma_start3A_106 = tpu.memref_squeeze %dma_start3A_105 : memref<1x128xi32, #tpu.memory_space<vmem>> -> memref<128xi32, #tpu.memory_space<vmem>>
      %dma_start3A_107 = arith.constant 0 : i32
      %dma_start3A_108 = arith.constant 0 : i32
      %dma_start3A_109 = tpu.memref_slice %arg2[%dma_start3A_107, %dma_start3A_108] : memref<10240x128xf32, #tpu.memory_space<hbm>> -> memref<10240x128xf32, #tpu.memory_space<hbm>>
      tpu.enqueue_indirect_dma source(%dma_start3A_109 : memref<10240x128xf32, #tpu.memory_space<hbm>>) target(%arg10 : memref<128x128xf32, #tpu.memory_space<vmem>>) offsets(%dma_start3A_106 : memref<128xi32, #tpu.memory_space<vmem>>) semaphore(%arg13 : memref<!tpu.dma_semaphore, #tpu.memory_space<semaphore_mem>>)
    }
    %scan3A_20 = arith.constant 19 : i32
    %dma_wait3A = arith.constant 38 : i32
    %dma_wait3A_21 = arith.constant 0 : i32
    %dma_wait3A_22 = tpu.memref_slice %arg7[%dma_wait3A, %dma_wait3A_21] : memref<40x128xi32, #tpu.memory_space<vmem>> -> memref<1x128xi32, #tpu.memory_space<vmem>>
    %dma_wait3A_23 = tpu.memref_squeeze %dma_wait3A_22 : memref<1x128xi32, #tpu.memory_space<vmem>> -> memref<128xi32, #tpu.memory_space<vmem>>
    %dma_wait3A_24 = arith.constant 0 : i32
    %dma_wait3A_25 = arith.constant 0 : i32
    %dma_wait3A_26 = tpu.memref_slice %arg2[%dma_wait3A_24, %dma_wait3A_25] : memref<10240x128xf32, #tpu.memory_space<hbm>> -> memref<10240x128xf32, #tpu.memory_space<hbm>>
    tpu.wait_indirect_dma semaphore(%arg12 : memref<!tpu.dma_semaphore, #tpu.memory_space<semaphore_mem>>) src(%dma_wait3A_26 : memref<10240x128xf32, #tpu.memory_space<hbm>>) dst(%arg9 : memref<128x128xf32, #tpu.memory_space<vmem>>)
    %run_scoped3A = arith.constant 38 : i32
    "tpu.region"() ({
      %run_scoped3A_76 = tpu.sem_alloc : memref<!tpu.dma_semaphore, #tpu.memory_space<semaphore_mem>>
      %dma_start3A_77 = arith.constant 0 : i32
      %dma_start3A_78 = tpu.memref_slice %arg8[%run_scoped3A, %dma_start3A_77] : memref<40x128xi32, #tpu.memory_space<vmem>> -> memref<1x128xi32, #tpu.memory_space<vmem>>
      %dma_start3A_79 = tpu.memref_squeeze %dma_start3A_78 : memref<1x128xi32, #tpu.memory_space<vmem>> -> memref<128xi32, #tpu.memory_space<vmem>>
      %dma_start3A_80 = arith.constant 0 : i32
      %dma_start3A_81 = arith.constant 0 : i32
      %dma_start3A_82 = tpu.memref_slice %arg11[%dma_start3A_80, %dma_start3A_81] : memref<10240x128xf32, #tpu.memory_space<vmem_shared>> -> memref<10240x128xf32, #tpu.memory_space<vmem_shared>>
      tpu.enqueue_indirect_dma source(%arg9 : memref<128x128xf32, #tpu.memory_space<vmem>>) target(%dma_start3A_82 : memref<10240x128xf32, #tpu.memory_space<vmem_shared>>) offsets(%dma_start3A_79 : memref<128xi32, #tpu.memory_space<vmem>>) semaphore(%run_scoped3A_76 : memref<!tpu.dma_semaphore, #tpu.memory_space<semaphore_mem>>) {add = true}
      %dma_wait3A_83 = arith.constant 0 : i32
      %dma_wait3A_84 = tpu.memref_slice %arg8[%run_scoped3A, %dma_wait3A_83] : memref<40x128xi32, #tpu.memory_space<vmem>> -> memref<1x128xi32, #tpu.memory_space<vmem>>
      %dma_wait3A_85 = tpu.memref_squeeze %dma_wait3A_84 : memref<1x128xi32, #tpu.memory_space<vmem>> -> memref<128xi32, #tpu.memory_space<vmem>>
      %dma_wait3A_86 = arith.constant 0 : i32
      %dma_wait3A_87 = arith.constant 0 : i32
      %dma_wait3A_88 = tpu.memref_slice %arg11[%dma_wait3A_86, %dma_wait3A_87] : memref<10240x128xf32, #tpu.memory_space<vmem_shared>> -> memref<10240x128xf32, #tpu.memory_space<vmem_shared>>
      tpu.wait_indirect_dma semaphore(%run_scoped3A_76 : memref<!tpu.dma_semaphore, #tpu.memory_space<semaphore_mem>>) src(%arg9 : memref<128x128xf32, #tpu.memory_space<vmem>>) dst(%dma_wait3A_88 : memref<10240x128xf32, #tpu.memory_space<vmem_shared>>)
      tpu.yield
    }) : () -> ()
    %dma_wait3A_27 = arith.constant 39 : i32
    %dma_wait3A_28 = arith.constant 0 : i32
    %dma_wait3A_29 = tpu.memref_slice %arg7[%dma_wait3A_27, %dma_wait3A_28] : memref<40x128xi32, #tpu.memory_space<vmem>> -> memref<1x128xi32, #tpu.memory_space<vmem>>
    %dma_wait3A_30 = tpu.memref_squeeze %dma_wait3A_29 : memref<1x128xi32, #tpu.memory_space<vmem>> -> memref<128xi32, #tpu.memory_space<vmem>>
    %dma_wait3A_31 = arith.constant 0 : i32
    %dma_wait3A_32 = arith.constant 0 : i32
    %dma_wait3A_33 = tpu.memref_slice %arg2[%dma_wait3A_31, %dma_wait3A_32] : memref<10240x128xf32, #tpu.memory_space<hbm>> -> memref<10240x128xf32, #tpu.memory_space<hbm>>
    tpu.wait_indirect_dma semaphore(%arg13 : memref<!tpu.dma_semaphore, #tpu.memory_space<semaphore_mem>>) src(%dma_wait3A_33 : memref<10240x128xf32, #tpu.memory_space<hbm>>) dst(%arg10 : memref<128x128xf32, #tpu.memory_space<vmem>>)
    %run_scoped3A_34 = arith.constant 39 : i32
    "tpu.region"() ({
      %run_scoped3A_76 = tpu.sem_alloc : memref<!tpu.dma_semaphore, #tpu.memory_space<semaphore_mem>>
      %dma_start3A_77 = arith.constant 0 : i32
      %dma_start3A_78 = tpu.memref_slice %arg8[%run_scoped3A_34, %dma_start3A_77] : memref<40x128xi32, #tpu.memory_space<vmem>> -> memref<1x128xi32, #tpu.memory_space<vmem>>
      %dma_start3A_79 = tpu.memref_squeeze %dma_start3A_78 : memref<1x128xi32, #tpu.memory_space<vmem>> -> memref<128xi32, #tpu.memory_space<vmem>>
      %dma_start3A_80 = arith.constant 0 : i32
      %dma_start3A_81 = arith.constant 0 : i32
      %dma_start3A_82 = tpu.memref_slice %arg11[%dma_start3A_80, %dma_start3A_81] : memref<10240x128xf32, #tpu.memory_space<vmem_shared>> -> memref<10240x128xf32, #tpu.memory_space<vmem_shared>>
      tpu.enqueue_indirect_dma source(%arg10 : memref<128x128xf32, #tpu.memory_space<vmem>>) target(%dma_start3A_82 : memref<10240x128xf32, #tpu.memory_space<vmem_shared>>) offsets(%dma_start3A_79 : memref<128xi32, #tpu.memory_space<vmem>>) semaphore(%run_scoped3A_76 : memref<!tpu.dma_semaphore, #tpu.memory_space<semaphore_mem>>) {add = true}
      %dma_wait3A_83 = arith.constant 0 : i32
      %dma_wait3A_84 = tpu.memref_slice %arg8[%run_scoped3A_34, %dma_wait3A_83] : memref<40x128xi32, #tpu.memory_space<vmem>> -> memref<1x128xi32, #tpu.memory_space<vmem>>
      %dma_wait3A_85 = tpu.memref_squeeze %dma_wait3A_84 : memref<1x128xi32, #tpu.memory_space<vmem>> -> memref<128xi32, #tpu.memory_space<vmem>>
      %dma_wait3A_86 = arith.constant 0 : i32
      %dma_wait3A_87 = arith.constant 0 : i32
      %dma_wait3A_88 = tpu.memref_slice %arg11[%dma_wait3A_86, %dma_wait3A_87] : memref<10240x128xf32, #tpu.memory_space<vmem_shared>> -> memref<10240x128xf32, #tpu.memory_space<vmem_shared>>
      tpu.wait_indirect_dma semaphore(%run_scoped3A_76 : memref<!tpu.dma_semaphore, #tpu.memory_space<semaphore_mem>>) src(%arg10 : memref<128x128xf32, #tpu.memory_space<vmem>>) dst(%dma_wait3A_88 : memref<10240x128xf32, #tpu.memory_space<vmem_shared>>)
      tpu.yield
    }) : () -> ()
    "tpu.region"() ({
      %run_scoped3A_76 = tpu.sem_alloc : memref<!tpu.dma_semaphore, #tpu.memory_space<semaphore_mem>>
      %dma_start3A_77 = arith.constant 40 : i32
      %dma_start3A_78 = arith.constant 0 : i32
      %dma_start3A_79 = tpu.memref_slice %arg3[%arg0, %arg1, %dma_start3A_77, %dma_start3A_78] : memref<2x16x80x128xi32, #tpu.memory_space<hbm>> -> memref<1x1x40x128xi32, #tpu.memory_space<hbm>>
      %dma_start3A_80 = tpu.memref_squeeze %dma_start3A_79 : memref<1x1x40x128xi32, #tpu.memory_space<hbm>> -> memref<40x128xi32, #tpu.memory_space<hbm>>
      %dma_start3A_81 = arith.constant 40 : i32
      %dma_start3A_82 = arith.constant 0 : i32
      %dma_start3A_83 = tpu.memref_slice %arg3[%arg0, %arg1, %dma_start3A_81, %dma_start3A_82] : memref<2x16x80x128xi32, #tpu.memory_space<hbm>> -> memref<1x1x40x128xi32, #tpu.memory_space<hbm>>
      %dma_start3A_84 = tpu.memref_squeeze %dma_start3A_83 : memref<1x1x40x128xi32, #tpu.memory_space<hbm>> -> memref<40x128xi32, #tpu.memory_space<hbm>>
      tpu.enqueue_dma source(%dma_start3A_84 : memref<40x128xi32, #tpu.memory_space<hbm>>) target(%arg7 : memref<40x128xi32, #tpu.memory_space<vmem>>) target_semaphore(%run_scoped3A_76 : memref<!tpu.dma_semaphore, #tpu.memory_space<semaphore_mem>>)
      %dma_wait3A_85 = arith.constant 40 : i32
      %dma_wait3A_86 = arith.constant 0 : i32
      %dma_wait3A_87 = tpu.memref_slice %arg3[%arg0, %arg1, %dma_wait3A_85, %dma_wait3A_86] : memref<2x16x80x128xi32, #tpu.memory_space<hbm>> -> memref<1x1x40x128xi32, #tpu.memory_space<hbm>>
      %dma_wait3A_88 = tpu.memref_squeeze %dma_wait3A_87 : memref<1x1x40x128xi32, #tpu.memory_space<hbm>> -> memref<40x128xi32, #tpu.memory_space<hbm>>
      %dma_wait3A_89 = arith.constant 40 : i32
      %dma_wait3A_90 = arith.constant 0 : i32
      %dma_wait3A_91 = tpu.memref_slice %arg3[%arg0, %arg1, %dma_wait3A_89, %dma_wait3A_90] : memref<2x16x80x128xi32, #tpu.memory_space<hbm>> -> memref<1x1x40x128xi32, #tpu.memory_space<hbm>>
      %dma_wait3A_92 = tpu.memref_squeeze %dma_wait3A_91 : memref<1x1x40x128xi32, #tpu.memory_space<hbm>> -> memref<40x128xi32, #tpu.memory_space<hbm>>
      tpu.wait_dma2 semaphore(%run_scoped3A_76 : memref<!tpu.dma_semaphore, #tpu.memory_space<semaphore_mem>>) src(%dma_wait3A_92 : memref<40x128xi32, #tpu.memory_space<hbm>>) dst(%arg7 : memref<40x128xi32, #tpu.memory_space<vmem>>)
      tpu.yield
    }) : () -> ()
    "tpu.region"() ({
      %run_scoped3A_76 = tpu.sem_alloc : memref<!tpu.dma_semaphore, #tpu.memory_space<semaphore_mem>>
      %dma_start3A_77 = arith.constant 40 : i32
      %dma_start3A_78 = arith.constant 0 : i32
      %dma_start3A_79 = tpu.memref_slice %arg4[%arg0, %arg1, %dma_start3A_77, %dma_start3A_78] : memref<2x16x80x128xi32, #tpu.memory_space<hbm>> -> memref<1x1x40x128xi32, #tpu.memory_space<hbm>>
      %dma_start3A_80 = tpu.memref_squeeze %dma_start3A_79 : memref<1x1x40x128xi32, #tpu.memory_space<hbm>> -> memref<40x128xi32, #tpu.memory_space<hbm>>
      %dma_start3A_81 = arith.constant 40 : i32
      %dma_start3A_82 = arith.constant 0 : i32
      %dma_start3A_83 = tpu.memref_slice %arg4[%arg0, %arg1, %dma_start3A_81, %dma_start3A_82] : memref<2x16x80x128xi32, #tpu.memory_space<hbm>> -> memref<1x1x40x128xi32, #tpu.memory_space<hbm>>
      %dma_start3A_84 = tpu.memref_squeeze %dma_start3A_83 : memref<1x1x40x128xi32, #tpu.memory_space<hbm>> -> memref<40x128xi32, #tpu.memory_space<hbm>>
      tpu.enqueue_dma source(%dma_start3A_84 : memref<40x128xi32, #tpu.memory_space<hbm>>) target(%arg8 : memref<40x128xi32, #tpu.memory_space<vmem>>) target_semaphore(%run_scoped3A_76 : memref<!tpu.dma_semaphore, #tpu.memory_space<semaphore_mem>>)
      %dma_wait3A_85 = arith.constant 40 : i32
      %dma_wait3A_86 = arith.constant 0 : i32
      %dma_wait3A_87 = tpu.memref_slice %arg4[%arg0, %arg1, %dma_wait3A_85, %dma_wait3A_86] : memref<2x16x80x128xi32, #tpu.memory_space<hbm>> -> memref<1x1x40x128xi32, #tpu.memory_space<hbm>>
      %dma_wait3A_88 = tpu.memref_squeeze %dma_wait3A_87 : memref<1x1x40x128xi32, #tpu.memory_space<hbm>> -> memref<40x128xi32, #tpu.memory_space<hbm>>
      %dma_wait3A_89 = arith.constant 40 : i32
      %dma_wait3A_90 = arith.constant 0 : i32
      %dma_wait3A_91 = tpu.memref_slice %arg4[%arg0, %arg1, %dma_wait3A_89, %dma_wait3A_90] : memref<2x16x80x128xi32, #tpu.memory_space<hbm>> -> memref<1x1x40x128xi32, #tpu.memory_space<hbm>>
      %dma_wait3A_92 = tpu.memref_squeeze %dma_wait3A_91 : memref<1x1x40x128xi32, #tpu.memory_space<hbm>> -> memref<40x128xi32, #tpu.memory_space<hbm>>
      tpu.wait_dma2 semaphore(%run_scoped3A_76 : memref<!tpu.dma_semaphore, #tpu.memory_space<semaphore_mem>>) src(%dma_wait3A_92 : memref<40x128xi32, #tpu.memory_space<hbm>>) dst(%arg8 : memref<40x128xi32, #tpu.memory_space<vmem>>)
      tpu.yield
    }) : () -> ()
    %dma_start3A_35 = arith.constant 0 : i32
    %dma_start3A_36 = arith.constant 0 : i32
    %dma_start3A_37 = tpu.memref_slice %arg7[%dma_start3A_35, %dma_start3A_36] : memref<40x128xi32, #tpu.memory_space<vmem>> -> memref<1x128xi32, #tpu.memory_space<vmem>>
    %dma_start3A_38 = tpu.memref_squeeze %dma_start3A_37 : memref<1x128xi32, #tpu.memory_space<vmem>> -> memref<128xi32, #tpu.memory_space<vmem>>
    %dma_start3A_39 = arith.constant 0 : i32
    %dma_start3A_40 = arith.constant 0 : i32
    %dma_start3A_41 = tpu.memref_slice %arg2[%dma_start3A_39, %dma_start3A_40] : memref<10240x128xf32, #tpu.memory_space<hbm>> -> memref<10240x128xf32, #tpu.memory_space<hbm>>
    tpu.enqueue_indirect_dma source(%dma_start3A_41 : memref<10240x128xf32, #tpu.memory_space<hbm>>) target(%arg9 : memref<128x128xf32, #tpu.memory_space<vmem>>) offsets(%dma_start3A_38 : memref<128xi32, #tpu.memory_space<vmem>>) semaphore(%arg12 : memref<!tpu.dma_semaphore, #tpu.memory_space<semaphore_mem>>)
    %dma_start3A_42 = arith.constant 1 : i32
    %dma_start3A_43 = arith.constant 0 : i32
    %dma_start3A_44 = tpu.memref_slice %arg7[%dma_start3A_42, %dma_start3A_43] : memref<40x128xi32, #tpu.memory_space<vmem>> -> memref<1x128xi32, #tpu.memory_space<vmem>>
    %dma_start3A_45 = tpu.memref_squeeze %dma_start3A_44 : memref<1x128xi32, #tpu.memory_space<vmem>> -> memref<128xi32, #tpu.memory_space<vmem>>
    %dma_start3A_46 = arith.constant 0 : i32
    %dma_start3A_47 = arith.constant 0 : i32
    %dma_start3A_48 = tpu.memref_slice %arg2[%dma_start3A_46, %dma_start3A_47] : memref<10240x128xf32, #tpu.memory_space<hbm>> -> memref<10240x128xf32, #tpu.memory_space<hbm>>
    tpu.enqueue_indirect_dma source(%dma_start3A_48 : memref<10240x128xf32, #tpu.memory_space<hbm>>) target(%arg10 : memref<128x128xf32, #tpu.memory_space<vmem>>) offsets(%dma_start3A_45 : memref<128xi32, #tpu.memory_space<vmem>>) semaphore(%arg13 : memref<!tpu.dma_semaphore, #tpu.memory_space<semaphore_mem>>)
    %scan3A_49 = arith.constant 0 : i32
    %scan3A_50 = arith.constant 0 : i32
    %scan3A_51 = arith.constant 19 : i32
    %scan3A_52 = arith.addi %scan3A_50, %scan3A_51 : i32
    %scan3A_53 = arith.constant 1 : i32
    scf.for %scan3A_76 = %scan3A_50 to %scan3A_52 step %scan3A_53  : i32 {
      %mul3A_77 = arith.constant 2 : i32
      %mul3A_78 = arith.muli %mul3A_77, %scan3A_76 : i32
      %dma_wait3A_79 = arith.constant 0 : i32
      %dma_wait3A_80 = tpu.memref_slice %arg7[%mul3A_78, %dma_wait3A_79] : memref<40x128xi32, #tpu.memory_space<vmem>> -> memref<1x128xi32, #tpu.memory_space<vmem>>
      %dma_wait3A_81 = tpu.memref_squeeze %dma_wait3A_80 : memref<1x128xi32, #tpu.memory_space<vmem>> -> memref<128xi32, #tpu.memory_space<vmem>>
      %dma_wait3A_82 = arith.constant 0 : i32
      %dma_wait3A_83 = arith.constant 0 : i32
      %dma_wait3A_84 = tpu.memref_slice %arg2[%dma_wait3A_82, %dma_wait3A_83] : memref<10240x128xf32, #tpu.memory_space<hbm>> -> memref<10240x128xf32, #tpu.memory_space<hbm>>
      tpu.wait_indirect_dma semaphore(%arg12 : memref<!tpu.dma_semaphore, #tpu.memory_space<semaphore_mem>>) src(%dma_wait3A_84 : memref<10240x128xf32, #tpu.memory_space<hbm>>) dst(%arg9 : memref<128x128xf32, #tpu.memory_space<vmem>>)
      "tpu.region"() ({
        %run_scoped3A_110 = tpu.sem_alloc : memref<!tpu.dma_semaphore, #tpu.memory_space<semaphore_mem>>
        %dma_start3A_111 = arith.constant 0 : i32
        %dma_start3A_112 = tpu.memref_slice %arg8[%mul3A_78, %dma_start3A_111] : memref<40x128xi32, #tpu.memory_space<vmem>> -> memref<1x128xi32, #tpu.memory_space<vmem>>
        %dma_start3A_113 = tpu.memref_squeeze %dma_start3A_112 : memref<1x128xi32, #tpu.memory_space<vmem>> -> memref<128xi32, #tpu.memory_space<vmem>>
        %dma_start3A_114 = arith.constant 0 : i32
        %dma_start3A_115 = arith.constant 0 : i32
        %dma_start3A_116 = tpu.memref_slice %arg11[%dma_start3A_114, %dma_start3A_115] : memref<10240x128xf32, #tpu.memory_space<vmem_shared>> -> memref<10240x128xf32, #tpu.memory_space<vmem_shared>>
        tpu.enqueue_indirect_dma source(%arg9 : memref<128x128xf32, #tpu.memory_space<vmem>>) target(%dma_start3A_116 : memref<10240x128xf32, #tpu.memory_space<vmem_shared>>) offsets(%dma_start3A_113 : memref<128xi32, #tpu.memory_space<vmem>>) semaphore(%run_scoped3A_110 : memref<!tpu.dma_semaphore, #tpu.memory_space<semaphore_mem>>) {add = true}
        %dma_wait3A_117 = arith.constant 0 : i32
        %dma_wait3A_118 = tpu.memref_slice %arg8[%mul3A_78, %dma_wait3A_117] : memref<40x128xi32, #tpu.memory_space<vmem>> -> memref<1x128xi32, #tpu.memory_space<vmem>>
        %dma_wait3A_119 = tpu.memref_squeeze %dma_wait3A_118 : memref<1x128xi32, #tpu.memory_space<vmem>> -> memref<128xi32, #tpu.memory_space<vmem>>
        %dma_wait3A_120 = arith.constant 0 : i32
        %dma_wait3A_121 = arith.constant 0 : i32
        %dma_wait3A_122 = tpu.memref_slice %arg11[%dma_wait3A_120, %dma_wait3A_121] : memref<10240x128xf32, #tpu.memory_space<vmem_shared>> -> memref<10240x128xf32, #tpu.memory_space<vmem_shared>>
        tpu.wait_indirect_dma semaphore(%run_scoped3A_110 : memref<!tpu.dma_semaphore, #tpu.memory_space<semaphore_mem>>) src(%arg9 : memref<128x128xf32, #tpu.memory_space<vmem>>) dst(%dma_wait3A_122 : memref<10240x128xf32, #tpu.memory_space<vmem_shared>>)
        tpu.yield
      }) : () -> ()
      %add3A = arith.constant 2 : i32
      %add3A_85 = arith.addi %mul3A_78, %add3A : i32
      %dma_start3A_86 = arith.constant 0 : i32
      %dma_start3A_87 = tpu.memref_slice %arg7[%add3A_85, %dma_start3A_86] : memref<40x128xi32, #tpu.memory_space<vmem>> -> memref<1x128xi32, #tpu.memory_space<vmem>>
      %dma_start3A_88 = tpu.memref_squeeze %dma_start3A_87 : memref<1x128xi32, #tpu.memory_space<vmem>> -> memref<128xi32, #tpu.memory_space<vmem>>
      %dma_start3A_89 = arith.constant 0 : i32
      %dma_start3A_90 = arith.constant 0 : i32
      %dma_start3A_91 = tpu.memref_slice %arg2[%dma_start3A_89, %dma_start3A_90] : memref<10240x128xf32, #tpu.memory_space<hbm>> -> memref<10240x128xf32, #tpu.memory_space<hbm>>
      tpu.enqueue_indirect_dma source(%dma_start3A_91 : memref<10240x128xf32, #tpu.memory_space<hbm>>) target(%arg9 : memref<128x128xf32, #tpu.memory_space<vmem>>) offsets(%dma_start3A_88 : memref<128xi32, #tpu.memory_space<vmem>>) semaphore(%arg12 : memref<!tpu.dma_semaphore, #tpu.memory_space<semaphore_mem>>)
      %add3A_92 = arith.constant 1 : i32
      %add3A_93 = arith.addi %mul3A_78, %add3A_92 : i32
      %dma_wait3A_94 = arith.constant 0 : i32
      %dma_wait3A_95 = tpu.memref_slice %arg7[%add3A_93, %dma_wait3A_94] : memref<40x128xi32, #tpu.memory_space<vmem>> -> memref<1x128xi32, #tpu.memory_space<vmem>>
      %dma_wait3A_96 = tpu.memref_squeeze %dma_wait3A_95 : memref<1x128xi32, #tpu.memory_space<vmem>> -> memref<128xi32, #tpu.memory_space<vmem>>
      %dma_wait3A_97 = arith.constant 0 : i32
      %dma_wait3A_98 = arith.constant 0 : i32
      %dma_wait3A_99 = tpu.memref_slice %arg2[%dma_wait3A_97, %dma_wait3A_98] : memref<10240x128xf32, #tpu.memory_space<hbm>> -> memref<10240x128xf32, #tpu.memory_space<hbm>>
      tpu.wait_indirect_dma semaphore(%arg13 : memref<!tpu.dma_semaphore, #tpu.memory_space<semaphore_mem>>) src(%dma_wait3A_99 : memref<10240x128xf32, #tpu.memory_space<hbm>>) dst(%arg10 : memref<128x128xf32, #tpu.memory_space<vmem>>)
      %add3A_100 = arith.constant 1 : i32
      %add3A_101 = arith.addi %mul3A_78, %add3A_100 : i32
      "tpu.region"() ({
        %run_scoped3A_110 = tpu.sem_alloc : memref<!tpu.dma_semaphore, #tpu.memory_space<semaphore_mem>>
        %dma_start3A_111 = arith.constant 0 : i32
        %dma_start3A_112 = tpu.memref_slice %arg8[%add3A_101, %dma_start3A_111] : memref<40x128xi32, #tpu.memory_space<vmem>> -> memref<1x128xi32, #tpu.memory_space<vmem>>
        %dma_start3A_113 = tpu.memref_squeeze %dma_start3A_112 : memref<1x128xi32, #tpu.memory_space<vmem>> -> memref<128xi32, #tpu.memory_space<vmem>>
        %dma_start3A_114 = arith.constant 0 : i32
        %dma_start3A_115 = arith.constant 0 : i32
        %dma_start3A_116 = tpu.memref_slice %arg11[%dma_start3A_114, %dma_start3A_115] : memref<10240x128xf32, #tpu.memory_space<vmem_shared>> -> memref<10240x128xf32, #tpu.memory_space<vmem_shared>>
        tpu.enqueue_indirect_dma source(%arg10 : memref<128x128xf32, #tpu.memory_space<vmem>>) target(%dma_start3A_116 : memref<10240x128xf32, #tpu.memory_space<vmem_shared>>) offsets(%dma_start3A_113 : memref<128xi32, #tpu.memory_space<vmem>>) semaphore(%run_scoped3A_110 : memref<!tpu.dma_semaphore, #tpu.memory_space<semaphore_mem>>) {add = true}
        %dma_wait3A_117 = arith.constant 0 : i32
        %dma_wait3A_118 = tpu.memref_slice %arg8[%add3A_101, %dma_wait3A_117] : memref<40x128xi32, #tpu.memory_space<vmem>> -> memref<1x128xi32, #tpu.memory_space<vmem>>
        %dma_wait3A_119 = tpu.memref_squeeze %dma_wait3A_118 : memref<1x128xi32, #tpu.memory_space<vmem>> -> memref<128xi32, #tpu.memory_space<vmem>>
        %dma_wait3A_120 = arith.constant 0 : i32
        %dma_wait3A_121 = arith.constant 0 : i32
        %dma_wait3A_122 = tpu.memref_slice %arg11[%dma_wait3A_120, %dma_wait3A_121] : memref<10240x128xf32, #tpu.memory_space<vmem_shared>> -> memref<10240x128xf32, #tpu.memory_space<vmem_shared>>
        tpu.wait_indirect_dma semaphore(%run_scoped3A_110 : memref<!tpu.dma_semaphore, #tpu.memory_space<semaphore_mem>>) src(%arg10 : memref<128x128xf32, #tpu.memory_space<vmem>>) dst(%dma_wait3A_122 : memref<10240x128xf32, #tpu.memory_space<vmem_shared>>)
        tpu.yield
      }) : () -> ()
      %add3A_102 = arith.constant 3 : i32
      %add3A_103 = arith.addi %mul3A_78, %add3A_102 : i32
      %dma_start3A_104 = arith.constant 0 : i32
      %dma_start3A_105 = tpu.memref_slice %arg7[%add3A_103, %dma_start3A_104] : memref<40x128xi32, #tpu.memory_space<vmem>> -> memref<1x128xi32, #tpu.memory_space<vmem>>
      %dma_start3A_106 = tpu.memref_squeeze %dma_start3A_105 : memref<1x128xi32, #tpu.memory_space<vmem>> -> memref<128xi32, #tpu.memory_space<vmem>>
      %dma_start3A_107 = arith.constant 0 : i32
      %dma_start3A_108 = arith.constant 0 : i32
      %dma_start3A_109 = tpu.memref_slice %arg2[%dma_start3A_107, %dma_start3A_108] : memref<10240x128xf32, #tpu.memory_space<hbm>> -> memref<10240x128xf32, #tpu.memory_space<hbm>>
      tpu.enqueue_indirect_dma source(%dma_start3A_109 : memref<10240x128xf32, #tpu.memory_space<hbm>>) target(%arg10 : memref<128x128xf32, #tpu.memory_space<vmem>>) offsets(%dma_start3A_106 : memref<128xi32, #tpu.memory_space<vmem>>) semaphore(%arg13 : memref<!tpu.dma_semaphore, #tpu.memory_space<semaphore_mem>>)
    }
    %scan3A_54 = arith.constant 19 : i32
    %dma_wait3A_55 = arith.constant 38 : i32
    %dma_wait3A_56 = arith.constant 0 : i32
    %dma_wait3A_57 = tpu.memref_slice %arg7[%dma_wait3A_55, %dma_wait3A_56] : memref<40x128xi32, #tpu.memory_space<vmem>> -> memref<1x128xi32, #tpu.memory_space<vmem>>
    %dma_wait3A_58 = tpu.memref_squeeze %dma_wait3A_57 : memref<1x128xi32, #tpu.memory_space<vmem>> -> memref<128xi32, #tpu.memory_space<vmem>>
    %dma_wait3A_59 = arith.constant 0 : i32
    %dma_wait3A_60 = arith.constant 0 : i32
    %dma_wait3A_61 = tpu.memref_slice %arg2[%dma_wait3A_59, %dma_wait3A_60] : memref<10240x128xf32, #tpu.memory_space<hbm>> -> memref<10240x128xf32, #tpu.memory_space<hbm>>
    tpu.wait_indirect_dma semaphore(%arg12 : memref<!tpu.dma_semaphore, #tpu.memory_space<semaphore_mem>>) src(%dma_wait3A_61 : memref<10240x128xf32, #tpu.memory_space<hbm>>) dst(%arg9 : memref<128x128xf32, #tpu.memory_space<vmem>>)
    %run_scoped3A_62 = arith.constant 38 : i32
    "tpu.region"() ({
      %run_scoped3A_76 = tpu.sem_alloc : memref<!tpu.dma_semaphore, #tpu.memory_space<semaphore_mem>>
      %dma_start3A_77 = arith.constant 0 : i32
      %dma_start3A_78 = tpu.memref_slice %arg8[%run_scoped3A_62, %dma_start3A_77] : memref<40x128xi32, #tpu.memory_space<vmem>> -> memref<1x128xi32, #tpu.memory_space<vmem>>
      %dma_start3A_79 = tpu.memref_squeeze %dma_start3A_78 : memref<1x128xi32, #tpu.memory_space<vmem>> -> memref<128xi32, #tpu.memory_space<vmem>>
      %dma_start3A_80 = arith.constant 0 : i32
      %dma_start3A_81 = arith.constant 0 : i32
      %dma_start3A_82 = tpu.memref_slice %arg11[%dma_start3A_80, %dma_start3A_81] : memref<10240x128xf32, #tpu.memory_space<vmem_shared>> -> memref<10240x128xf32, #tpu.memory_space<vmem_shared>>
      tpu.enqueue_indirect_dma source(%arg9 : memref<128x128xf32, #tpu.memory_space<vmem>>) target(%dma_start3A_82 : memref<10240x128xf32, #tpu.memory_space<vmem_shared>>) offsets(%dma_start3A_79 : memref<128xi32, #tpu.memory_space<vmem>>) semaphore(%run_scoped3A_76 : memref<!tpu.dma_semaphore, #tpu.memory_space<semaphore_mem>>) {add = true}
      %dma_wait3A_83 = arith.constant 0 : i32
      %dma_wait3A_84 = tpu.memref_slice %arg8[%run_scoped3A_62, %dma_wait3A_83] : memref<40x128xi32, #tpu.memory_space<vmem>> -> memref<1x128xi32, #tpu.memory_space<vmem>>
      %dma_wait3A_85 = tpu.memref_squeeze %dma_wait3A_84 : memref<1x128xi32, #tpu.memory_space<vmem>> -> memref<128xi32, #tpu.memory_space<vmem>>
      %dma_wait3A_86 = arith.constant 0 : i32
      %dma_wait3A_87 = arith.constant 0 : i32
      %dma_wait3A_88 = tpu.memref_slice %arg11[%dma_wait3A_86, %dma_wait3A_87] : memref<10240x128xf32, #tpu.memory_space<vmem_shared>> -> memref<10240x128xf32, #tpu.memory_space<vmem_shared>>
      tpu.wait_indirect_dma semaphore(%run_scoped3A_76 : memref<!tpu.dma_semaphore, #tpu.memory_space<semaphore_mem>>) src(%arg9 : memref<128x128xf32, #tpu.memory_space<vmem>>) dst(%dma_wait3A_88 : memref<10240x128xf32, #tpu.memory_space<vmem_shared>>)
      tpu.yield
    }) : () -> ()
    %dma_wait3A_63 = arith.constant 39 : i32
    %dma_wait3A_64 = arith.constant 0 : i32
    %dma_wait3A_65 = tpu.memref_slice %arg7[%dma_wait3A_63, %dma_wait3A_64] : memref<40x128xi32, #tpu.memory_space<vmem>> -> memref<1x128xi32, #tpu.memory_space<vmem>>
    %dma_wait3A_66 = tpu.memref_squeeze %dma_wait3A_65 : memref<1x128xi32, #tpu.memory_space<vmem>> -> memref<128xi32, #tpu.memory_space<vmem>>
    %dma_wait3A_67 = arith.constant 0 : i32
    %dma_wait3A_68 = arith.constant 0 : i32
    %dma_wait3A_69 = tpu.memref_slice %arg2[%dma_wait3A_67, %dma_wait3A_68] : memref<10240x128xf32, #tpu.memory_space<hbm>> -> memref<10240x128xf32, #tpu.memory_space<hbm>>
    tpu.wait_indirect_dma semaphore(%arg13 : memref<!tpu.dma_semaphore, #tpu.memory_space<semaphore_mem>>) src(%dma_wait3A_69 : memref<10240x128xf32, #tpu.memory_space<hbm>>) dst(%arg10 : memref<128x128xf32, #tpu.memory_space<vmem>>)
    %run_scoped3A_70 = arith.constant 39 : i32
    "tpu.region"() ({
      %run_scoped3A_76 = tpu.sem_alloc : memref<!tpu.dma_semaphore, #tpu.memory_space<semaphore_mem>>
      %dma_start3A_77 = arith.constant 0 : i32
      %dma_start3A_78 = tpu.memref_slice %arg8[%run_scoped3A_70, %dma_start3A_77] : memref<40x128xi32, #tpu.memory_space<vmem>> -> memref<1x128xi32, #tpu.memory_space<vmem>>
      %dma_start3A_79 = tpu.memref_squeeze %dma_start3A_78 : memref<1x128xi32, #tpu.memory_space<vmem>> -> memref<128xi32, #tpu.memory_space<vmem>>
      %dma_start3A_80 = arith.constant 0 : i32
      %dma_start3A_81 = arith.constant 0 : i32
      %dma_start3A_82 = tpu.memref_slice %arg11[%dma_start3A_80, %dma_start3A_81] : memref<10240x128xf32, #tpu.memory_space<vmem_shared>> -> memref<10240x128xf32, #tpu.memory_space<vmem_shared>>
      tpu.enqueue_indirect_dma source(%arg10 : memref<128x128xf32, #tpu.memory_space<vmem>>) target(%dma_start3A_82 : memref<10240x128xf32, #tpu.memory_space<vmem_shared>>) offsets(%dma_start3A_79 : memref<128xi32, #tpu.memory_space<vmem>>) semaphore(%run_scoped3A_76 : memref<!tpu.dma_semaphore, #tpu.memory_space<semaphore_mem>>) {add = true}
      %dma_wait3A_83 = arith.constant 0 : i32
      %dma_wait3A_84 = tpu.memref_slice %arg8[%run_scoped3A_70, %dma_wait3A_83] : memref<40x128xi32, #tpu.memory_space<vmem>> -> memref<1x128xi32, #tpu.memory_space<vmem>>
      %dma_wait3A_85 = tpu.memref_squeeze %dma_wait3A_84 : memref<1x128xi32, #tpu.memory_space<vmem>> -> memref<128xi32, #tpu.memory_space<vmem>>
      %dma_wait3A_86 = arith.constant 0 : i32
      %dma_wait3A_87 = arith.constant 0 : i32
      %dma_wait3A_88 = tpu.memref_slice %arg11[%dma_wait3A_86, %dma_wait3A_87] : memref<10240x128xf32, #tpu.memory_space<vmem_shared>> -> memref<10240x128xf32, #tpu.memory_space<vmem_shared>>
      tpu.wait_indirect_dma semaphore(%run_scoped3A_76 : memref<!tpu.dma_semaphore, #tpu.memory_space<semaphore_mem>>) src(%arg10 : memref<128x128xf32, #tpu.memory_space<vmem>>) dst(%dma_wait3A_88 : memref<10240x128xf32, #tpu.memory_space<vmem_shared>>)
      tpu.yield
    }) : () -> ()
    %barrier3A_71 = arith.constant 0 : index
    tpu.barrier barrier_id(%barrier3A_71)
    %mul3A_72 = arith.constant 640 : i32
    %mul3A_73 = arith.muli %arg1, %mul3A_72 : i32
    %mul3A_74 = arith.constant 640 : i32
    %mul3A_75 = arith.muli %arg1, %mul3A_74 : i32
    "tpu.region"() ({
      %run_scoped3A_76 = tpu.sem_alloc : memref<!tpu.dma_semaphore, #tpu.memory_space<semaphore_mem>>
      %dma_start3A_77 = arith.constant 0 : i32
      %dma_start3A_78 = tpu.memref_slice %arg6[%arg0, %mul3A_75, %dma_start3A_77] : memref<2x10240x128xf32, #tpu.memory_space<hbm>> -> memref<1x640x128xf32, #tpu.memory_space<hbm>>
      %dma_start3A_79 = tpu.memref_squeeze %dma_start3A_78 : memref<1x640x128xf32, #tpu.memory_space<hbm>> -> memref<640x128xf32, #tpu.memory_space<hbm>>
      %dma_start3A_80 = arith.constant 0 : i32
      %dma_start3A_81 = tpu.memref_slice %arg11[%mul3A_73, %dma_start3A_80] : memref<10240x128xf32, #tpu.memory_space<vmem_shared>> -> memref<640x128xf32, #tpu.memory_space<vmem_shared>>
      tpu.enqueue_dma source(%dma_start3A_81 : memref<640x128xf32, #tpu.memory_space<vmem_shared>>) target(%dma_start3A_79 : memref<640x128xf32, #tpu.memory_space<hbm>>) target_semaphore(%run_scoped3A_76 : memref<!tpu.dma_semaphore, #tpu.memory_space<semaphore_mem>>)
      %dma_wait3A_82 = arith.constant 0 : i32
      %dma_wait3A_83 = tpu.memref_slice %arg6[%arg0, %mul3A_75, %dma_wait3A_82] : memref<2x10240x128xf32, #tpu.memory_space<hbm>> -> memref<1x640x128xf32, #tpu.memory_space<hbm>>
      %dma_wait3A_84 = tpu.memref_squeeze %dma_wait3A_83 : memref<1x640x128xf32, #tpu.memory_space<hbm>> -> memref<640x128xf32, #tpu.memory_space<hbm>>
      %dma_wait3A_85 = arith.constant 0 : i32
      %dma_wait3A_86 = tpu.memref_slice %arg11[%mul3A_73, %dma_wait3A_85] : memref<10240x128xf32, #tpu.memory_space<vmem_shared>> -> memref<640x128xf32, #tpu.memory_space<vmem_shared>>
      tpu.wait_dma2 semaphore(%run_scoped3A_76 : memref<!tpu.dma_semaphore, #tpu.memory_space<semaphore_mem>>) src(%dma_wait3A_86 : memref<640x128xf32, #tpu.memory_space<vmem_shared>>) dst(%dma_wait3A_84 : memref<640x128xf32, #tpu.memory_space<hbm>>)
      tpu.yield
    }) : () -> ()
    return
  }
}

module attributes {stable_mosaic.version = 14 : i64} {
  func.func @_tc_a_body(%arg0: i32, %arg1: memref<1024x128xf32, #tpu.memory_space<vmem>>, %arg2: memref<128x128xf32, #tpu.memory_space<vmem>>, %arg3: memref<2x1024x16xf32, #tpu.memory_space<vmem>>, %arg4: memref<1024x128xf32, #tpu.memory_space<vmem>>) attributes {dimension_semantics = [#tpu.dimension_semantics<arbitrary>], iteration_bounds = array<i64: 10>, scalar_prefetch = 0 : i64, scratch_operands = 0 : i64, tpu.core_type = #tpu.core_type<tc>, window_params = [{transform_indices = @transform_0, window_bounds = array<i64: 1024, 128>}, {pipeline_mode = #tpu.pipeline_mode<synchronous>, transform_indices = @transform_1, window_bounds = array<i64: 128, 128>}, {transform_indices = @transform_2, window_bounds = array<i64: 2, 1024, 16>}, {transform_indices = @transform_3, window_bounds = array<i64: 1024, 128>}]} {
    %get3A = arith.constant 0 : index
    %get3A_0 = arith.constant 0 : index
    %get3A_1 = vector.load %arg1[%get3A, %get3A_0] : memref<1024x128xf32, #tpu.memory_space<vmem>>, vector<1024x128xf32>
    %get3A_2 = arith.constant 0 : index
    %get3A_3 = arith.constant 0 : index
    %get3A_4 = vector.load %arg2[%get3A_2, %get3A_3] : memref<128x128xf32, #tpu.memory_space<vmem>>, vector<128x128xf32>
    %dot_general3A = arith.constant dense<0.000000e+00> : vector<1024x128xf32>
    %dot_general3A_5 = tpu.matmul %get3A_1, %get3A_4, %dot_general3A {dimension_numbers = #tpu.dot_dimension_numbers<[1], [0], [0], [1], [0, 0, 1, 1], [], []>, transpose_lhs_hint = false} : vector<1024x128xf32>, vector<128x128xf32>, vector<1024x128xf32> -> vector<1024x128xf32>
    %get3A_6 = arith.constant 0 : index
    %get3A_7 = arith.constant 0 : index
    %get3A_8 = arith.constant 0 : index
    %get3A_9 = vector.load %arg3[%get3A_6, %get3A_7, %get3A_8] : memref<2x1024x16xf32, #tpu.memory_space<vmem>>, vector<1x1024x1xf32>
    %get3A_10 = vector.shape_cast %get3A_9 : vector<1x1024x1xf32> to vector<1024x1xf32>
    %get3A_11 = arith.constant 1 : index
    %get3A_12 = arith.constant 0 : index
    %get3A_13 = arith.constant 0 : index
    %get3A_14 = vector.load %arg3[%get3A_11, %get3A_12, %get3A_13] : memref<2x1024x16xf32, #tpu.memory_space<vmem>>, vector<1x1024x1xf32>
    %get3A_15 = vector.shape_cast %get3A_14 : vector<1x1024x1xf32> to vector<1024x1xf32>
    %add3A = arith.addf %get3A_10, %get3A_15 : vector<1024x1xf32>
    %add3A_16 = arith.constant 1.000000e+00 : f32
    %add3A_17 = vector.broadcast %add3A_16 : f32 to vector<1024x1xf32>
    %add3A_18 = arith.addf %add3A, %add3A_17 : vector<1024x1xf32>
    %rsqrt3A = math.rsqrt %add3A_18 : vector<1024x1xf32>
    %mul3A = vector.broadcast %rsqrt3A : vector<1024x1xf32> to vector<1024x128xf32>
    %mul3A_19 = arith.mulf %dot_general3A_5, %mul3A : vector<1024x128xf32>
    %swap3A = arith.constant 0 : index
    %swap3A_20 = arith.constant 0 : index
    %swap3A_21 = vector.load %arg4[%swap3A, %swap3A_20] : memref<1024x128xf32, #tpu.memory_space<vmem>>, vector<1024x128xf32>
    tpu.vector_store %arg4[%swap3A, %swap3A_20], %mul3A_19 {strides = array<i32>} : memref<1024x128xf32, #tpu.memory_space<vmem>>, vector<1024x128xf32>,
    return
  }
  func.func @transform_0(%arg0: i32) -> (i32, i32) {
    %c0_i32 = arith.constant 0 : i32
    %c0_i32_0 = arith.constant 0 : i32
    return %arg0, %c0_i32 : i32, i32
  }
  func.func @transform_1(%arg0: i32) -> (i32, i32) {
    %c0_i32 = arith.constant 0 : i32
    %c0_i32_0 = arith.constant 0 : i32
    %c0_i32_1 = arith.constant 0 : i32
    return %c0_i32, %c0_i32_0 : i32, i32
  }
  func.func @transform_2(%arg0: i32) -> (i32, i32, i32) {
    %c0_i32 = arith.constant 0 : i32
    %c0_i32_0 = arith.constant 0 : i32
    %c0_i32_1 = arith.constant 0 : i32
    return %c0_i32, %arg0, %c0_i32_0 : i32, i32, i32
  }
  func.func @transform_3(%arg0: i32) -> (i32, i32) {
    %c0_i32 = arith.constant 0 : i32
    %c0_i32_0 = arith.constant 0 : i32
    return %arg0, %c0_i32 : i32, i32
  }
}

module attributes {stable_mosaic.version = 14 : i64} {
  func.func @_tc_b_body(%arg0: i32, %arg1: memref<2x1024x128xf32, #tpu.memory_space<vmem>>, %arg2: memref<1024x128xf32, #tpu.memory_space<vmem>>, %arg3: memref<1x128xf32, #tpu.memory_space<vmem>>, %arg4: memref<128x128xf32, #tpu.memory_space<vmem>>, %arg5: memref<2x1024x16xf32, #tpu.memory_space<vmem>>, %arg6: memref<1024x128xf32, #tpu.memory_space<vmem>>) attributes {dimension_semantics = [#tpu.dimension_semantics<arbitrary>], iteration_bounds = array<i64: 10>, scalar_prefetch = 0 : i64, scratch_operands = 0 : i64, tpu.core_type = #tpu.core_type<tc>, window_params = [{transform_indices = @transform_0, window_bounds = array<i64: 2, 1024, 128>}, {transform_indices = @transform_1, window_bounds = array<i64: 1024, 128>}, {pipeline_mode = #tpu.pipeline_mode<synchronous>, transform_indices = @transform_2, window_bounds = array<i64: 1, 128>}, {pipeline_mode = #tpu.pipeline_mode<synchronous>, transform_indices = @transform_3, window_bounds = array<i64: 128, 128>}, {transform_indices = @transform_4, window_bounds = array<i64: 2, 1024, 16>}, {transform_indices = @transform_5, window_bounds = array<i64: 1024, 128>}]} {
    %get3A = arith.constant 0 : index
    %get3A_0 = arith.constant 0 : index
    %get3A_1 = arith.constant 0 : index
    %get3A_2 = vector.load %arg5[%get3A, %get3A_0, %get3A_1] : memref<2x1024x16xf32, #tpu.memory_space<vmem>>, vector<1x1024x1xf32>
    %get3A_3 = vector.shape_cast %get3A_2 : vector<1x1024x1xf32> to vector<1024x1xf32>
    %get3A_4 = arith.constant 1 : index
    %get3A_5 = arith.constant 0 : index
    %get3A_6 = arith.constant 0 : index
    %get3A_7 = vector.load %arg5[%get3A_4, %get3A_5, %get3A_6] : memref<2x1024x16xf32, #tpu.memory_space<vmem>>, vector<1x1024x1xf32>
    %get3A_8 = vector.shape_cast %get3A_7 : vector<1x1024x1xf32> to vector<1024x1xf32>
    %add3A = arith.addf %get3A_3, %get3A_8 : vector<1024x1xf32>
    %add3A_9 = arith.constant 1.000000e+00 : f32
    %add3A_10 = vector.broadcast %add3A_9 : f32 to vector<1024x1xf32>
    %add3A_11 = arith.addf %add3A, %add3A_10 : vector<1024x1xf32>
    %rsqrt3A = math.rsqrt %add3A_11 : vector<1024x1xf32>
    %get3A_12 = arith.constant 0 : index
    %get3A_13 = arith.constant 0 : index
    %get3A_14 = arith.constant 0 : index
    %get3A_15 = vector.load %arg1[%get3A_12, %get3A_13, %get3A_14] : memref<2x1024x128xf32, #tpu.memory_space<vmem>>, vector<1x1024x128xf32>
    %get3A_16 = vector.shape_cast %get3A_15 : vector<1x1024x128xf32> to vector<1024x128xf32>
    %get3A_17 = arith.constant 1 : index
    %get3A_18 = arith.constant 0 : index
    %get3A_19 = arith.constant 0 : index
    %get3A_20 = vector.load %arg1[%get3A_17, %get3A_18, %get3A_19] : memref<2x1024x128xf32, #tpu.memory_space<vmem>>, vector<1x1024x128xf32>
    %get3A_21 = vector.shape_cast %get3A_20 : vector<1x1024x128xf32> to vector<1024x128xf32>
    %add3A_22 = arith.addf %get3A_16, %get3A_21 : vector<1024x128xf32>
    %get3A_23 = arith.constant 0 : index
    %get3A_24 = arith.constant 0 : index
    %get3A_25 = vector.load %arg2[%get3A_23, %get3A_24] : memref<1024x128xf32, #tpu.memory_space<vmem>>, vector<1024x128xf32>
    %add3A_26 = arith.addf %add3A_22, %get3A_25 : vector<1024x128xf32>
    %mul3A = vector.broadcast %rsqrt3A : vector<1024x1xf32> to vector<1024x128xf32>
    %mul3A_27 = arith.mulf %mul3A, %add3A_26 : vector<1024x128xf32>
    %get3A_28 = arith.constant 0 : index
    %get3A_29 = arith.constant 0 : index
    %get3A_30 = vector.load %arg3[%get3A_28, %get3A_29] : memref<1x128xf32, #tpu.memory_space<vmem>>, vector<1x128xf32>
    %add3A_31 = vector.broadcast %get3A_30 : vector<1x128xf32> to vector<1024x128xf32>
    %add3A_32 = arith.addf %mul3A_27, %add3A_31 : vector<1024x128xf32>
    %max3A = arith.constant 0.000000e+00 : f32
    %max3A_33 = vector.broadcast %max3A : f32 to vector<1024x128xf32>
    %max3A_34 = arith.maximumf %add3A_32, %max3A_33 : vector<1024x128xf32>
    %get3A_35 = arith.constant 0 : index
    %get3A_36 = arith.constant 0 : index
    %get3A_37 = vector.load %arg4[%get3A_35, %get3A_36] : memref<128x128xf32, #tpu.memory_space<vmem>>, vector<128x128xf32>
    %dot_general3A = arith.constant dense<0.000000e+00> : vector<1024x128xf32>
    %dot_general3A_38 = tpu.matmul %max3A_34, %get3A_37, %dot_general3A {dimension_numbers = #tpu.dot_dimension_numbers<[1], [0], [0], [1], [0, 0, 1, 1], [], []>, transpose_lhs_hint = false} : vector<1024x128xf32>, vector<128x128xf32>, vector<1024x128xf32> -> vector<1024x128xf32>
    %mul3A_39 = vector.broadcast %rsqrt3A : vector<1024x1xf32> to vector<1024x128xf32>
    %mul3A_40 = arith.mulf %mul3A_39, %dot_general3A_38 : vector<1024x128xf32>
    %swap3A = arith.constant 0 : index
    %swap3A_41 = arith.constant 0 : index
    %swap3A_42 = vector.load %arg6[%swap3A, %swap3A_41] : memref<1024x128xf32, #tpu.memory_space<vmem>>, vector<1024x128xf32>
    tpu.vector_store %arg6[%swap3A, %swap3A_41], %mul3A_40 {strides = array<i32>} : memref<1024x128xf32, #tpu.memory_space<vmem>>, vector<1024x128xf32>,
    return
  }
  func.func @transform_0(%arg0: i32) -> (i32, i32, i32) {
    %c0_i32 = arith.constant 0 : i32
    %c0_i32_0 = arith.constant 0 : i32
    %c0_i32_1 = arith.constant 0 : i32
    return %c0_i32, %arg0, %c0_i32_0 : i32, i32, i32
  }
  func.func @transform_1(%arg0: i32) -> (i32, i32) {
    %c0_i32 = arith.constant 0 : i32
    %c0_i32_0 = arith.constant 0 : i32
    return %arg0, %c0_i32 : i32, i32
  }
  func.func @transform_2(%arg0: i32) -> (i32, i32) {
    %c0_i32 = arith.constant 0 : i32
    %c0_i32_0 = arith.constant 0 : i32
    %c0_i32_1 = arith.constant 0 : i32
    return %c0_i32, %c0_i32_0 : i32, i32
  }
  func.func @transform_3(%arg0: i32) -> (i32, i32) {
    %c0_i32 = arith.constant 0 : i32
    %c0_i32_0 = arith.constant 0 : i32
    %c0_i32_1 = arith.constant 0 : i32
    return %c0_i32, %c0_i32_0 : i32, i32
  }
  func.func @transform_4(%arg0: i32) -> (i32, i32, i32) {
    %c0_i32 = arith.constant 0 : i32
    %c0_i32_0 = arith.constant 0 : i32
    %c0_i32_1 = arith.constant 0 : i32
    return %c0_i32, %arg0, %c0_i32_0 : i32, i32, i32
  }
  func.func @transform_5(%arg0: i32) -> (i32, i32) {
    %c0_i32 = arith.constant 0 : i32
    %c0_i32_0 = arith.constant 0 : i32
    return %arg0, %c0_i32 : i32, i32
  }
}

module attributes {stable_mosaic.version = 14 : i64} {
  func.func @_tc_c_body(%arg0: i32, %arg1: memref<2x1024x128xf32, #tpu.memory_space<vmem>>, %arg2: memref<1024x128xf32, #tpu.memory_space<vmem>>, %arg3: memref<1x128xf32, #tpu.memory_space<vmem>>, %arg4: memref<2x1024x16xf32, #tpu.memory_space<vmem>>, %arg5: memref<1024x128xf32, #tpu.memory_space<vmem>>) attributes {dimension_semantics = [#tpu.dimension_semantics<arbitrary>], iteration_bounds = array<i64: 10>, scalar_prefetch = 0 : i64, scratch_operands = 0 : i64, tpu.core_type = #tpu.core_type<tc>, window_params = [{transform_indices = @transform_0, window_bounds = array<i64: 2, 1024, 128>}, {transform_indices = @transform_1, window_bounds = array<i64: 1024, 128>}, {pipeline_mode = #tpu.pipeline_mode<synchronous>, transform_indices = @transform_2, window_bounds = array<i64: 1, 128>}, {transform_indices = @transform_3, window_bounds = array<i64: 2, 1024, 16>}, {transform_indices = @transform_4, window_bounds = array<i64: 1024, 128>}]} {
    %get3A = arith.constant 0 : index
    %get3A_0 = arith.constant 0 : index
    %get3A_1 = arith.constant 0 : index
    %get3A_2 = vector.load %arg4[%get3A, %get3A_0, %get3A_1] : memref<2x1024x16xf32, #tpu.memory_space<vmem>>, vector<1x1024x1xf32>
    %get3A_3 = vector.shape_cast %get3A_2 : vector<1x1024x1xf32> to vector<1024x1xf32>
    %get3A_4 = arith.constant 1 : index
    %get3A_5 = arith.constant 0 : index
    %get3A_6 = arith.constant 0 : index
    %get3A_7 = vector.load %arg4[%get3A_4, %get3A_5, %get3A_6] : memref<2x1024x16xf32, #tpu.memory_space<vmem>>, vector<1x1024x1xf32>
    %get3A_8 = vector.shape_cast %get3A_7 : vector<1x1024x1xf32> to vector<1024x1xf32>
    %add3A = arith.addf %get3A_3, %get3A_8 : vector<1024x1xf32>
    %add3A_9 = arith.constant 1.000000e+00 : f32
    %add3A_10 = vector.broadcast %add3A_9 : f32 to vector<1024x1xf32>
    %add3A_11 = arith.addf %add3A, %add3A_10 : vector<1024x1xf32>
    %rsqrt3A = math.rsqrt %add3A_11 : vector<1024x1xf32>
    %get3A_12 = arith.constant 0 : index
    %get3A_13 = arith.constant 0 : index
    %get3A_14 = arith.constant 0 : index
    %get3A_15 = vector.load %arg1[%get3A_12, %get3A_13, %get3A_14] : memref<2x1024x128xf32, #tpu.memory_space<vmem>>, vector<1x1024x128xf32>
    %get3A_16 = vector.shape_cast %get3A_15 : vector<1x1024x128xf32> to vector<1024x128xf32>
    %get3A_17 = arith.constant 1 : index
    %get3A_18 = arith.constant 0 : index
    %get3A_19 = arith.constant 0 : index
    %get3A_20 = vector.load %arg1[%get3A_17, %get3A_18, %get3A_19] : memref<2x1024x128xf32, #tpu.memory_space<vmem>>, vector<1x1024x128xf32>
    %get3A_21 = vector.shape_cast %get3A_20 : vector<1x1024x128xf32> to vector<1024x128xf32>
    %add3A_22 = arith.addf %get3A_16, %get3A_21 : vector<1024x128xf32>
    %get3A_23 = arith.constant 0 : index
    %get3A_24 = arith.constant 0 : index
    %get3A_25 = vector.load %arg2[%get3A_23, %get3A_24] : memref<1024x128xf32, #tpu.memory_space<vmem>>, vector<1024x128xf32>
    %add3A_26 = arith.addf %add3A_22, %get3A_25 : vector<1024x128xf32>
    %mul3A = vector.broadcast %rsqrt3A : vector<1024x1xf32> to vector<1024x128xf32>
    %mul3A_27 = arith.mulf %mul3A, %add3A_26 : vector<1024x128xf32>
    %get3A_28 = arith.constant 0 : index
    %get3A_29 = arith.constant 0 : index
    %get3A_30 = vector.load %arg3[%get3A_28, %get3A_29] : memref<1x128xf32, #tpu.memory_space<vmem>>, vector<1x128xf32>
    %add3A_31 = vector.broadcast %get3A_30 : vector<1x128xf32> to vector<1024x128xf32>
    %add3A_32 = arith.addf %mul3A_27, %add3A_31 : vector<1024x128xf32>
    %swap3A = arith.constant 0 : index
    %swap3A_33 = arith.constant 0 : index
    %swap3A_34 = vector.load %arg5[%swap3A, %swap3A_33] : memref<1024x128xf32, #tpu.memory_space<vmem>>, vector<1024x128xf32>
    tpu.vector_store %arg5[%swap3A, %swap3A_33], %add3A_32 {strides = array<i32>} : memref<1024x128xf32, #tpu.memory_space<vmem>>, vector<1024x128xf32>,
    return
  }
  func.func @transform_0(%arg0: i32) -> (i32, i32, i32) {
    %c0_i32 = arith.constant 0 : i32
    %c0_i32_0 = arith.constant 0 : i32
    %c0_i32_1 = arith.constant 0 : i32
    return %c0_i32, %arg0, %c0_i32_0 : i32, i32, i32
  }
  func.func @transform_1(%arg0: i32) -> (i32, i32) {
    %c0_i32 = arith.constant 0 : i32
    %c0_i32_0 = arith.constant 0 : i32
    return %arg0, %c0_i32 : i32, i32
  }
  func.func @transform_2(%arg0: i32) -> (i32, i32) {
    %c0_i32 = arith.constant 0 : i32
    %c0_i32_0 = arith.constant 0 : i32
    %c0_i32_1 = arith.constant 0 : i32
    return %c0_i32, %c0_i32_0 : i32, i32
  }
  func.func @transform_3(%arg0: i32) -> (i32, i32, i32) {
    %c0_i32 = arith.constant 0 : i32
    %c0_i32_0 = arith.constant 0 : i32
    %c0_i32_1 = arith.constant 0 : i32
    return %c0_i32, %arg0, %c0_i32_0 : i32, i32, i32
  }
  func.func @transform_4(%arg0: i32) -> (i32, i32) {
    %c0_i32 = arith.constant 0 : i32
    %c0_i32_0 = arith.constant 0 : i32
    return %arg0, %c0_i32 : i32, i32
  }
}

module attributes {stable_mosaic.version = 14 : i64} {
  func.func @_tc_dot_body(%arg0: i32, %arg1: memref<2048x128xf32, #tpu.memory_space<vmem>>, %arg2: memref<2048x128xf32, #tpu.memory_space<vmem>>, %arg3: memref<16x128xf32, #tpu.memory_space<vmem>>) attributes {dimension_semantics = [#tpu.dimension_semantics<arbitrary>], iteration_bounds = array<i64: 56>, scalar_prefetch = 0 : i64, scratch_operands = 0 : i64, tpu.core_type = #tpu.core_type<tc>, window_params = [{transform_indices = @transform_0, window_bounds = array<i64: 2048, 128>}, {transform_indices = @transform_1, window_bounds = array<i64: 2048, 128>}, {transform_indices = @transform_2, window_bounds = array<i64: 16, 128>}]} {
    %get3A = arith.constant 0 : index
    %get3A_0 = arith.constant 0 : index
    %get3A_1 = vector.load %arg1[%get3A, %get3A_0] : memref<2048x128xf32, #tpu.memory_space<vmem>>, vector<2048x128xf32>
    %get3A_2 = arith.constant 0 : index
    %get3A_3 = arith.constant 0 : index
    %get3A_4 = vector.load %arg2[%get3A_2, %get3A_3] : memref<2048x128xf32, #tpu.memory_space<vmem>>, vector<2048x128xf32>
    %mul3A = arith.mulf %get3A_1, %get3A_4 : vector<2048x128xf32>
    %reduce_sum3A = arith.constant dense<0.000000e+00> : vector<2048xf32>
    %reduce_sum3A_5 = vector.multi_reduction <add>, %mul3A, %reduce_sum3A [1] : vector<2048x128xf32> to vector<2048xf32>
    %neg3A = arith.constant 0.000000e+00 : f32
    %neg3A_6 = vector.broadcast %neg3A : f32 to vector<2048xf32>
    %neg3A_7 = arith.subf %neg3A_6, %reduce_sum3A_5 : vector<2048xf32>
    %exp3A = math.exp %neg3A_7 : vector<2048xf32>
    %add3A = arith.constant 1.000000e+00 : f32
    %add3A_8 = vector.broadcast %add3A : f32 to vector<2048xf32>
    %add3A_9 = arith.addf %add3A_8, %exp3A : vector<2048xf32>
    %div3A = arith.constant 1.000000e+00 : f32
    %div3A_10 = vector.broadcast %div3A : f32 to vector<2048xf32>
    %div3A_11 = arith.divf %div3A_10, %add3A_9 : vector<2048xf32>
    %reshape3A = vector.shape_cast %div3A_11 : vector<2048xf32> to vector<16x128xf32>
    %swap3A = arith.constant 0 : index
    %swap3A_12 = arith.constant 0 : index
    %swap3A_13 = vector.load %arg3[%swap3A, %swap3A_12] : memref<16x128xf32, #tpu.memory_space<vmem>>, vector<16x128xf32>
    tpu.vector_store %arg3[%swap3A, %swap3A_12], %reshape3A {strides = array<i32>} : memref<16x128xf32, #tpu.memory_space<vmem>>, vector<16x128xf32>,
    return
  }
  func.func @transform_0(%arg0: i32) -> (i32, i32) {
    %c0_i32 = arith.constant 0 : i32
    %c0_i32_0 = arith.constant 0 : i32
    return %arg0, %c0_i32 : i32, i32
  }
  func.func @transform_1(%arg0: i32) -> (i32, i32) {
    %c0_i32 = arith.constant 0 : i32
    %c0_i32_0 = arith.constant 0 : i32
    return %arg0, %c0_i32 : i32, i32
  }
  func.func @transform_2(%arg0: i32) -> (i32, i32) {
    %c0_i32 = arith.constant 0 : i32
    %c0_i32_0 = arith.constant 0 : i32
    return %arg0, %c0_i32 : i32, i32
  }
}

</mosaic_0001>

<sc_bundles>
// kernel: kernel.10.cloned.1.call-start
scs
__scs_entry_jumppad:
0x0: {  	(pc) =	sbr.rel $0x88, $3  }
0x1: {  	(tag) =	ssettag $0x0;
	lr =	simm.s32 $0x1  }
0x2: {  	[smem:$0x3F99] =	sst lr;
	_ =	strace $0xD0000000  }
0x3: {  	_ = 	snop  }
0x4: {  	_ = 	snop  }
0x5: {  	_ = 	snop  }
0x6: {  	_ = 	snop  }
0x7: {  	_ = 	snop  }
__scs_overlays_trampoline_lowered:
0x8: {  	[smem:$0x3FA8] =	sst s0  }
0x9: {  	[smem:$0x3FA9] =	sst s1  }
0xa: {  	[smem:$0x3FAA] =	sst s2  }
0xb: {  	[smem:$0x3FAB] =	sst s3  }
0xc: {  	[smem:$0x3FAC] =	sst s4  }
0xd: {  	[smem:$0x3FAD] =	sst s5  }
0xe: {  	[smem:$0x3FAE] =	sst s6  }
0xf: {  	[smem:$0x3FAF] =	sst s7  }
0x10: {  	[smem:$0x3FB0] =	sst s8  }
0x11: {  	[smem:$0x3FB1] =	sst s9;
	s0 =	simm.s32 @!p0 $0x0  }
0x12: {  	s1 =	sld [smem:$0x3F97];
	s0 =	simm.s32 @p0 $0x1  }
0x13: {  	[smem:$0x3FB2] =	sst s0;
	s0 =	simm.s32 @!p1 $0x0  }
0x14: {  	s2 =	sld [smem:$0x3F96];
	s0 =	simm.s32 @p1 $0x1  }
0x15: {  	[smem:$0x3FB3] =	sst s0;
	s0 =	simm.s32 @!p2 $0x0  }
0x16: {  	s3 =	sld [smem:$0x3FDB];
	s0 =	simm.s32 @p2 $0x1  }
0x17: {  	s4 =	simm.s32 $0x1BF5;
	[smem:$0x3FB5] =	sst s0  }
0x18: {  	s0 =	sld [smem:$0x3F98];
	_ =	swait.ge [sflag:s4], $0x0  }
0x19: {  	s7 =	sld [smem:$0x3F99]  }
0x1a: {  	s8 =	sadd.s32 $0xFFFFE003, lr  }
0x1b: {  	s9 =	sadd.s32 $0xFFFFFEF7, lr;
	s5 =	simm.s32 $0xFFFFFFFF;
	p2 =	slt.u32 s8, $0xFFFFF086  }
0x1c: {  	p1 =	slt.u32 s9, $0xF7A;
	s5 =	simm.s32 @!p2 $0x0  }
0x1d: {  	s5 =	simm.s32 @p1 $0x1;
	p0 =	seq.s32 s7, s2  }
0x1e: {  	s7 =	smul.u32 @!p0 $0xF7A, s2;
	p2 =	seq.s32 @!p0 s5, $0x0  }
0x1f: {  	s9 =	smul.u32 $0xF7A, s1;
	s8 =	simm.s32 @!p0 $0x1BF5;
	p2 =	por !p2, p0  }
0x20: {  	[sflag:s8] =	ssyncset.s32 @!p0 $0xFFFFF086;
	s6 =	sadd.s32 @!p0 s3, s7;
	s7 =	simm.s32 @!p0 $0x108  }
0x21: {  	s3 =	sadd.s32 s3, s9;
	s6 =	sadd.s32 @!p0 $0x88, s6;
	s7 =	simm.s32 @p2 $0x1082  }
0x22: {  	[simem:s7], [sflag:s8] =	dma.local @!p0 [hbm:s6], $0xF7A  }
0x23: {  	s9 =	sor.u32 $0xD0000000, s2;
	s6 =	simm.s32 $0x108;
	_ =	swait.ge @!p0 [sflag:s8], $0x0  }
0x24: {  	s3 =	sadd.s32 $0x88, s3;
	s6 =	simm.s32 @!p1 $0x1082;
	[sflag:s4] =	ssyncset.s32 $0xFFFFF086  }
0x25: {  	[simem:s6], [sflag:s4] =	dma.local [hbm:s3], $0xF7A  }
0x26: {  	[smem:$0x3F99] =	sst s1;
	(tag) =	ssettag s2;
	_ =	strace s9  }
0x27: {  	s1 =	sld [smem:$0x3FA9]  }
0x28: {  	s2 =	sld [smem:$0x3FAA]  }
0x29: {  	s4 =	sld [smem:$0x3FAC]  }
0x2a: {  	p0 =	seq.s32 s5, $0x0;
	s5 =	sld [smem:$0x3FAD]  }
0x2b: {  	s6 =	sld [smem:$0x3FAE]  }
0x2c: {  	s7 =	sld [smem:$0x3FAF]  }
0x2d: {  	s3 =	simm.s32 $0x108;
	s8 =	sld [smem:$0x3FB0]  }
0x2e: {  	s3 =	simm.s32 @!p0 $0x1082;
	s9 =	sld [smem:$0x3FB1]  }
0x2f: {  	lr =	sadd.s32 s0, s3;
	s0 =	sld [smem:$0x3FA8]  }
0x30: {  	s3 =	sld [smem:$0x3FAB]  }
0x31: {  	[smem:$0x3FB4] =	sst s10  }
0x32: {  	s10 =	sld [smem:$0x3FB2];
	_ =	sdelay $0x3  }
0x33: {  	p0 =	seq.s32 s10, $0x1;
	s10 =	sld [smem:$0x3FB4];
	_ =	sdelay $0x3  }
0x34: {  	[smem:$0x3FB4] =	sst s10  }
0x35: {  	s10 =	sld [smem:$0x3FB3];
	_ =	sdelay $0x3  }
0x36: {  	p1 =	seq.s32 s10, $0x1;
	s10 =	sld [smem:$0x3FB4];
	_ =	sdelay $0x3  }
0x37: {  	[smem:$0x3FB4] =	sst s10  }
0x38: {  	s10 =	sld [smem:$0x3FB5]  }
0x39: {  	_ = 	snop;
	(pc) =	sbr.ind lr, $3  }
0x3a: {  	_ = 	snop  }
0x3b: {  	_ = 	snop  }
0x3c: {  	p2 =	seq.s32 s10, $0x1;
	s10 =	sld [smem:$0x3FB4]  }
0x3d: {  	_ =	shalt  }
0x3e: {  	_ =	shalt  }
0x3f: {  	_ =	shalt  }
0x40: {  	_ =	shalt  }
0x41: {  	_ =	shalt  }
0x42: {  	_ =	shalt  }
0x43: {  	_ =	shalt  }
0x44: {  	_ =	shalt  }
0x45: {  	_ =	shalt  }
0x46: {  	_ =	shalt  }
0x47: {  	_ =	shalt  }
0x48: {  	_ =	shalt  }
0x49: {  	_ =	shalt  }
0x4a: {  	_ =	shalt  }
0x4b: {  	_ =	shalt  }
0x4c: {  	_ =	shalt  }
0x4d: {  	_ =	shalt  }
0x4e: {  	_ =	shalt  }
0x4f: {  	_ =	shalt  }
0x50: {  	_ =	shalt  }
0x51: {  	_ =	shalt  }
0x52: {  	_ =	shalt  }
0x53: {  	_ =	shalt  }
0x54: {  	_ =	shalt  }
0x55: {  	_ =	shalt  }
0x56: {  	_ =	shalt  }
0x57: {  	_ =	shalt  }
0x58: {  	_ =	shalt  }
0x59: {  	_ =	shalt  }
0x5a: {  	_ =	shalt  }
0x5b: {  	_ =	shalt  }
0x5c: {  	_ =	shalt  }
0x5d: {  	_ =	shalt  }
0x5e: {  	_ =	shalt  }
0x5f: {  	_ =	shalt  }
0x60: {  	_ =	shalt  }
0x61: {  	_ =	shalt  }
0x62: {  	_ =	shalt  }
0x63: {  	_ =	shalt  }
0x64: {  	_ =	shalt  }
0x65: {  	_ =	shalt  }
0x66: {  	_ =	shalt  }
0x67: {  	_ =	shalt  }
0x68: {  	_ =	shalt  }
0x69: {  	_ =	shalt  }
0x6a: {  	_ =	shalt  }
0x6b: {  	_ =	shalt  }
0x6c: {  	_ =	shalt  }
0x6d: {  	_ =	shalt  }
0x6e: {  	_ =	shalt  }
0x6f: {  	_ =	shalt  }
0x70: {  	_ =	shalt  }
0x71: {  	_ =	shalt  }
0x72: {  	_ =	shalt  }
0x73: {  	_ =	shalt  }
0x74: {  	_ =	shalt  }
0x75: {  	_ =	shalt  }
0x76: {  	_ =	shalt  }
0x77: {  	_ =	shalt  }
0x78: {  	_ =	shalt  }
0x79: {  	_ =	shalt  }
0x7a: {  	_ =	shalt  }
0x7b: {  	_ =	shalt  }
0x7c: {  	_ =	shalt  }
0x7d: {  	_ =	shalt  }
0x7e: {  	_ =	shalt  }
0x7f: {  	_ =	shalt  }
0x80: {  	_ =	shalt  }
0x81: {  	_ =	shalt  }
0x82: {  	_ =	shalt  }
0x83: {  	_ =	shalt  }
0x84: {  	_ =	shalt  }
0x85: {  	_ =	shalt  }
0x86: {  	_ =	shalt  }
0x87: {  	_ =	shalt  }
.Lfunc_end0:
.L_simem_size_0:
called_computation_lowered:
.L_overlay_start_0:
0x88: {  	s2 =	sld [smem:$0x3FD9]  }
0x89: {  	s3 =	sld [smem:$0x3FFE];
	_ =	sdelay $0x1  }
0x8a: {  	s1 =	srdreg.scid  }
0x8b: {  	s0 =	sand.u32 $0x1, s1  }
0x8c: {  	s14 =	sshll.u32 s0, $0xA;
	s2 =	sadd.s32 s3, s2  }
0x8d: {  	s2 =	sadd.s32 s2, s14  }
0x8e: {  	[smem:$0x3FC0] =	sst s2  }
0x8f: {  	_ = 	snop  }
0x90: {  	s2 =	sld [smem:$0x3FD0];
	_ =	sdelay $0x2  }
0x91: {  	s15 =	simm.s32 $0xA;
	s4 =	simm.s32 $0x10  }
0x92: {  	[smem:s4], [sflag:s15] =	dma.local [hbm:s2], $0x1  }
0x93: {  	_ =	swait.eq [sflag:s15], $0x1  }
0x94: {  	[sflag:s15] =	ssyncset.done $0x0  }
0x95: {  	[sflag:s15] =	ssyncadd.s32 $0xFFFFFFFF  }
0x96: {  	s16 =	sld [smem:$0x10];
	(tm) =	ssettm $0x1  }
0x97: {  	s17 =	sld [smem:$0x3FFB];
	_ =	sdelay $0x3  }
0x98: {  	_ =	strace s17  }
0x99: {  	s3 =	sld [smem:$0x3FFC];
	_ =	sdelay $0x3  }
0x9a: {  	_ =	strace s3  }
0x9b: {  	s3 =	sld [smem:$0x3FFD];
	_ =	sdelay $0x3  }
0x9c: {  	_ =	strace s3  }
0x9d: {  	_ =	strace $0x8FFFFFFF  }
0x9e: {  	s18 =	sld [smem:$0x3FDB];
	_ =	sdelay $0x1  }
0x9f: {  	s19 =	simm.s32 $_scs_section_size  }
0xa0: {  	s5 =	simm.s32 $_size__tile_overlayer_lowered;
	s6 =	simm.s32 $_tile_overlayer_lowered  }
0xa1: {  	s22 =	simm.s32 $0x1BFF;
	s21 =	sshll.u32 s6, $0x1;
	s3 =	sadd.s32 s19, s18  }
0xa2: {  	s7 =	simm.s32 $0x0;
	s20 =	sshll.u32 s5, $0x1;
	s5 =	sadd.s32 s21, s3  }
0xa3: {  	[timem:s7], [sflag:s22] =	dma.local [hbm:s5], s20  }
0xa4: {  	_ =	swait.ge [sflag:s22], s20  }
0xa5: {  	s4 =	ssub.s32 $0x0, s20;
	[sflag:s22] =	ssyncset.done $0x0  }
0xa6: {  	[sflag:s22] =	ssyncadd.s32 s4;
	_ =	sdelay $0x1  }
0xa7: {  	s23 =	simm.s32 $0x1B8B  }
0xa8: {  	_ =	swait.ge [sflag:s23], $0x1  }
0xa9: {  	[sflag:s23] =	ssyncset.done $0x0  }
0xaa: {  	s25 =	simm.s32 $0x1B8E;
	s24 =	sld [smem:$0x3FFE];
	[sflag:s23] =	ssyncadd.s32 $0xFFFFFFFF  }
0xab: {  	s26 =	simm.s32 $execute0_lowered;
	[smem:$0x3FD2] =	sst s25  }
0xac: {  	s5 =	sshll.u32 s26, $0x1;
	_ =	strace $0x80000046;
	[dreg:$0x1] =	wrdreg $0xFFFFFFFF  }
0xad: {  	s28 =	simm.s32 $_size_execute0_lowered;
	s3 =	sadd.s32 s3, s5;
	[dreg:$0x0] =	wrdreg $0x0  }
0xae: {  	s5 =	sshll.u32 s28, $0x1;
	[dreg:$0x2] =	wrdreg s3  }
0xaf: {  	[dreg:$0x3] =	wrdreg s5  }
0xb0: {  	[dreg:$0x4] =	wrdreg $0xC0  }
0xb1: {  	_ =	task [dreg:s7], $0x5FFFF  }
0xb2: {  	[dreg:$0x1] =	wrdreg $0xFFFFFFFF  }
0xb3: {  	[dreg:$0x0] =	wrdreg $0x60  }
0xb4: {  	[dreg:$0x2] =	wrdreg s24  }
0xb5: {  	[dreg:$0x3] =	wrdreg s16  }
0xb6: {  	[dreg:$0x4] =	wrdreg $0x68000  }
0xb7: {  	[dreg:$0x5] =	wrdreg $0x9  }
0xb8: {  	_ =	task.clear_ibuf [dreg:s7], $0x6FFFF;
	_ =	strace $0x90000046  }
0xb9: {  	s29 =	simm.s32 $0x9;
	_ =	strace $0x80000048  }
0xba: {  	_ =	swait.ge [sflag:s29], $0x1  }
0xbb: {  	[sflag:s29] =	ssyncadd.s32 $0xFFFFFFFF  }
0xbc: {  	_ =	strace $0x90000048  }
0xbd: {  	_ =	sfence  }
0xbe: {  	s30 =	sld [smem:$0x0];
	_ =	sdelay $0x2  }
0xbf: {  	s31 =	sshll.u32 s1, $0xD;
	s1 =	sshrl.u32 s1, $0x2  }
0xc0: {  	s3 =	sand.u32 $0x4000, s31;
	s1 =	sadd.s32 s1, s30  }
0xc1: {  	s0 =	sor.u32 s3, s0;
	s1 =	sshll.u32 s1, $0x11  }
0xc2: {  	s0 =	sor.u32 s1, s0  }
0xc3: {  	s0 =	sadd.s32 $0x8F2B, s0  }
0xc4: {  	[sflag:s0] =	ssyncadd.remote.s32 $0x1  }
0xc5: {  	_ =	sfence.sel $0xFFFF  }
0xc6: {  	[dreg:$0x0] =	wrdreg $0xFFFFFFFF;
	(pc) =	sbr.abs _section_cstart, $3  }
0xc7: {  	[dreg:$0x1] =	wrdreg $0xFFFFFFFF  }
0xc8: {  	_ =	task.clear_ibuf [dreg:s7], $0x2FFFF;
	_ =	strace $0x9FFFFFFF  }
0xc9: {  	(tm) =	ssettm $0x7FFFFFFF  }
tec
execute0_lowered:
.L_overlay_start_1:
0x0: {  	(tag) =	ssettag $0x1  }
0x1: {  	s5 =	rddreg [dreg:$0x0]  }
0x2: {  	s0 =	srdreg.scid;
	s2 =	rddreg [dreg:$0x1]  }
0x3: {  	s3 =	rddreg [dreg:$0x2];
	s6 =	sand.u32 $0x1, s0  }
0x4: {  	s0 =	stileid.u32;
	s7 =	smul.u32 $0x28000, s6  }
0x5: {  	s1 =	rddreg [dreg:$0x3];
	s8 =	smul.u32 $0x2800, s0  }
0x6: {  	s4 =	simm.s32 $0x0;
	s13 =	simm.s32 $0x80;
	s28 =	smul.u32 $0x14000, s0  }
0x7: {  	s14 =	simm.s32 $0x0;
	[smem:$0x7FF] =	sst s4;
	s9 =	smul.u32 $0x140000, s6  }
0x8: {  	_ =	strace $0x80000047;
	s6 =	ssub.s32 $0x2, s6;
	s29 =	smul.u32 $0x50000, s0  }
0x9: {  	s31 =	sshll.u32 s0, $0x6;
	s11 =	sshrl.u32 s6, $0x1;
	s7 =	sadd.s32 s8, s7  }
0xa: {  	s10 =	sshrl.u32 s28, $0x3;
	s8 =	sadd.s32 s28, s9;
	s11 =	ssub.s32 s6, s11  }
0xb: {  	s30 =	sshrl.u32 s29, $0x2;
	s9 =	simm.s32 $0x1;
	s7 =	sshrl.u32 s7, $0x3  }
0xc: {  	s10 =	sadd.s32 s10, s5;
	s8 =	sshrl.u32 s8, $0x3;
	s12 =	sadd.s32 s30, s3  }
0xd: {  	s7 =	sadd.s32 s7, s5;
	s8 =	sadd.s32 s8, s5;
	s6 =	sadd.s32 $0xBA00, s10  }
0xe: {  	s10 =	simm.s32 $0x2800;
	s12 =	sshrl.u32 s12, $0x3;
	s5 =	sadd.s32 $0x1A00, s7  }
0xf: {  	s7 =	sadd.s32 $0x33A00, s8;
	s8 =	smax.u32 s11, $0x1;
	s11 =	sor.u32 $0x1C01, s31  }
.LBB2_1:
0x10: {  	[tilespmem:s4], [sflag:$0x1] =	stream.linear.gather [hbm4b:s5+s4], $0x2800, $0x38;
	[tilespmem:$0x9000] =	vst v63  }
0x11: {  	_ =	swait.ge [sflag:s9], $0x2800  }
0x12: {  	[sflag:s9] =	ssyncset.done $0x0  }
0x13: {  	[sflag:s9] =	ssyncadd.s32 $0xFFFFD800  }
0x14: {  	[tilespmem:s10], [sflag:$0x1] =	stream.linear.gather [hbm4b:s2+s4], $0x4000, $0x38;
	[tilespmem:$0x9000] =	vst v63  }
0x15: {  	_ =	swait.ge [sflag:s9], $0x4000  }
0x16: {  	[sflag:s9] =	ssyncset.done $0x0  }
0x17: {  	[sflag:s9] =	ssyncadd.s32 $0xFFFFC000  }
0x18: {  	[spmem:s12], [sflag:s11] =	dma.local [hbm:s6], $0x2800  }
0x19: {  	_ =	swait.ge [sflag:s9], $0x2800  }
0x1a: {  	[sflag:s9] =	ssyncset.done $0x0  }
0x1b: {  	[sflag:s9] =	ssyncadd.s32 $0xFFFFD800  }
0x1c: {  	s15 =	simm.s32 $0x0;
	[bflag:$0x0] =	sbarrier.arrive $0xFFFF  }
0x1d: {  	[spmem:s3] =	stream.indirect.scatter.add.f32 [tilespmem:s10], [sflag:$0x1], $0x10, s15, s13, $0xb8;
	[tilespmem:$0x9000] =	vst v63  }
0x1e: {  	_ =	swait.ge [sflag:s9], $0x800  }
0x1f: {  	s15 =	simm.s32 $0x200;
	[sflag:s9] =	ssyncset.done $0x0  }
.LBB2_2:
0x20: {  	s16 =	sshra.s32 s15, $0x2;
	[sflag:s9] =	ssyncadd.s32 $0xFFFFF800;
	p0 =	sne.s32 s15, $0x9E00  }
0x21: {  	[spmem:s3] =	stream.indirect.scatter.add.f32 [tilespmem:s10], [sflag:$0x1], $0x10, s16, s13, $0xb8;
	[tilespmem:$0x9000] =	vst v63  }
.Ltmp0:
0x22: {  	_ = 	snop;
	(pc) =	sbr.rel @p0 .LBB2_2-.Ltmp0, $4  }
0x23: {  	_ = 	snop  }
0x24: {  	s15 =	sadd.s32 $0x200, s15  }
0x25: {  	_ =	swait.ge [sflag:s9], $0x800  }
0x26: {  	[sflag:s9] =	ssyncset.done $0x0  }
0x27: {  	s14 =	sadd.s32 $0x1, s14  }
0x28: {  	[sflag:s9] =	ssyncadd.s32 $0xFFFFF800;
	p0 =	sne.s32 s14, s8  }
.Ltmp1:
0x29: {  	[bflag:$0x0] =	sbarrier.arrive $0xFFFF;
	(pc) =	sbr.rel @p0 .LBB2_1-.Ltmp1, $4  }
0x2a: {  	[hbm:s7], [sflag:s11] =	dma.local [spmem:s12], $0x2800  }
0x2b: {  	_ =	swait.ge [sflag:s9], $0x2800  }
0x2c: {  	[sflag:s9] =	ssyncset.done $0x0  }
0x2d: {  	[sflag:s9] =	ssyncadd.s32 $0xFFFFD800  }
0x2e: {  	_ =	sfence.sel $0x180000  }
0x2f: {  	[bflag:$0x0] =	sbarrier.arrive $0xFFFF  }
0x30: {  	p0 =	sne.s32 s0, $0x0;
	_ =	strace $0x90000047  }
0x31: {  	s0 =	sadd.s32 @!p0 $0x100000, s1;
	[bflag:$0x2] =	sbarrier.arrive $0xFFFF  }
0x32: {  	[sflag:s0] =	ssyncadd.tile.s32 @!p0 $0x1;
	_ =	shalt  }
.Lfunc_end2:
_tile_overlayer_lowered:
.L_overlay_start_2:
0x33: {  	(tag) =	ssettag $0x2  }
0x34: {  	s0 =	rddreg [dreg:$0x0];
	s2 =	stileid.u32  }
0x35: {  	s1 =	rddreg [dreg:$0x1];
	p0 =	sne.s32 s2, $0x0  }
0x36: {  	s3 =	rddreg [dreg:$0x2];
	[bflag:$0x3] =	sbarrier.arrive $0xFFFF;
	s2 =	simm.s32 @!p0 $0x1C01  }
0x37: {  	[timem:s3], [sflag:s2] =	dma.local @!p0 [hbm:s0], s1  }
0x38: {  	s0 =	simm.s32 @!p0 $0x1  }
0x39: {  	_ =	swait.ge @!p0 [sflag:s0], s1  }
0x3a: {  	s1 =	ssub.s32 @!p0 $0x0, s1;
	[sflag:s0] =	ssyncset.done @!p0 $0x0  }
0x3b: {  	[sflag:s0] =	ssyncadd.s32 @!p0 s1  }
0x3c: {  	[bflag:$0x3] =	sbarrier.arrive $0xFFFF  }
0x3d: {  	_ =	shalt  }

// kernel: kernel.13.cloned.1.call-start
scs
__scs_entry_jumppad:
0x0: {  	(pc) =	sbr.rel $0x88, $3  }
0x1: {  	(tag) =	ssettag $0x0;
	lr =	simm.s32 $0x1  }
0x2: {  	[smem:$0x3F99] =	sst lr;
	_ =	strace $0xD0000000  }
0x3: {  	_ = 	snop  }
0x4: {  	_ = 	snop  }
0x5: {  	_ = 	snop  }
0x6: {  	_ = 	snop  }
0x7: {  	_ = 	snop  }
__scs_overlays_trampoline_lowered:
0x8: {  	[smem:$0x3FA8] =	sst s0  }
0x9: {  	[smem:$0x3FA9] =	sst s1  }
0xa: {  	[smem:$0x3FAA] =	sst s2  }
0xb: {  	[smem:$0x3FAB] =	sst s3  }
0xc: {  	[smem:$0x3FAC] =	sst s4  }
0xd: {  	[smem:$0x3FAD] =	sst s5  }
0xe: {  	[smem:$0x3FAE] =	sst s6  }
0xf: {  	[smem:$0x3FAF] =	sst s7  }
0x10: {  	[smem:$0x3FB0] =	sst s8  }
0x11: {  	[smem:$0x3FB1] =	sst s9;
	s0 =	simm.s32 @!p0 $0x0  }
0x12: {  	s1 =	sld [smem:$0x3F97];
	s0 =	simm.s32 @p0 $0x1  }
0x13: {  	[smem:$0x3FB2] =	sst s0;
	s0 =	simm.s32 @!p1 $0x0  }
0x14: {  	s2 =	sld [smem:$0x3F96];
	s0 =	simm.s32 @p1 $0x1  }
0x15: {  	[smem:$0x3FB3] =	sst s0;
	s0 =	simm.s32 @!p2 $0x0  }
0x16: {  	s3 =	sld [smem:$0x3FDB];
	s0 =	simm.s32 @p2 $0x1  }
0x17: {  	s4 =	simm.s32 $0x1BF5;
	[smem:$0x3FB5] =	sst s0  }
0x18: {  	s0 =	sld [smem:$0x3F98];
	_ =	swait.ge [sflag:s4], $0x0  }
0x19: {  	s7 =	sld [smem:$0x3F99]  }
0x1a: {  	s8 =	sadd.s32 $0xFFFFE003, lr  }
0x1b: {  	s9 =	sadd.s32 $0xFFFFFEF7, lr;
	s5 =	simm.s32 $0xFFFFFFFF;
	p2 =	slt.u32 s8, $0xFFFFF086  }
0x1c: {  	p1 =	slt.u32 s9, $0xF7A;
	s5 =	simm.s32 @!p2 $0x0  }
0x1d: {  	s5 =	simm.s32 @p1 $0x1;
	p0 =	seq.s32 s7, s2  }
0x1e: {  	s7 =	smul.u32 @!p0 $0xF7A, s2;
	p2 =	seq.s32 @!p0 s5, $0x0  }
0x1f: {  	s9 =	smul.u32 $0xF7A, s1;
	s8 =	simm.s32 @!p0 $0x1BF5;
	p2 =	por !p2, p0  }
0x20: {  	[sflag:s8] =	ssyncset.s32 @!p0 $0xFFFFF086;
	s6 =	sadd.s32 @!p0 s3, s7;
	s7 =	simm.s32 @!p0 $0x108  }
0x21: {  	s3 =	sadd.s32 s3, s9;
	s6 =	sadd.s32 @!p0 $0x88, s6;
	s7 =	simm.s32 @p2 $0x1082  }
0x22: {  	[simem:s7], [sflag:s8] =	dma.local @!p0 [hbm:s6], $0xF7A  }
0x23: {  	s9 =	sor.u32 $0xD0000000, s2;
	s6 =	simm.s32 $0x108;
	_ =	swait.ge @!p0 [sflag:s8], $0x0  }
0x24: {  	s3 =	sadd.s32 $0x88, s3;
	s6 =	simm.s32 @!p1 $0x1082;
	[sflag:s4] =	ssyncset.s32 $0xFFFFF086  }
0x25: {  	[simem:s6], [sflag:s4] =	dma.local [hbm:s3], $0xF7A  }
0x26: {  	[smem:$0x3F99] =	sst s1;
	(tag) =	ssettag s2;
	_ =	strace s9  }
0x27: {  	s1 =	sld [smem:$0x3FA9]  }
0x28: {  	s2 =	sld [smem:$0x3FAA]  }
0x29: {  	s4 =	sld [smem:$0x3FAC]  }
0x2a: {  	p0 =	seq.s32 s5, $0x0;
	s5 =	sld [smem:$0x3FAD]  }
0x2b: {  	s6 =	sld [smem:$0x3FAE]  }
0x2c: {  	s7 =	sld [smem:$0x3FAF]  }
0x2d: {  	s3 =	simm.s32 $0x108;
	s8 =	sld [smem:$0x3FB0]  }
0x2e: {  	s3 =	simm.s32 @!p0 $0x1082;
	s9 =	sld [smem:$0x3FB1]  }
0x2f: {  	lr =	sadd.s32 s0, s3;
	s0 =	sld [smem:$0x3FA8]  }
0x30: {  	s3 =	sld [smem:$0x3FAB]  }
0x31: {  	[smem:$0x3FB4] =	sst s10  }
0x32: {  	s10 =	sld [smem:$0x3FB2];
	_ =	sdelay $0x3  }
0x33: {  	p0 =	seq.s32 s10, $0x1;
	s10 =	sld [smem:$0x3FB4];
	_ =	sdelay $0x3  }
0x34: {  	[smem:$0x3FB4] =	sst s10  }
0x35: {  	s10 =	sld [smem:$0x3FB3];
	_ =	sdelay $0x3  }
0x36: {  	p1 =	seq.s32 s10, $0x1;
	s10 =	sld [smem:$0x3FB4];
	_ =	sdelay $0x3  }
0x37: {  	[smem:$0x3FB4] =	sst s10  }
0x38: {  	s10 =	sld [smem:$0x3FB5]  }
0x39: {  	_ = 	snop;
	(pc) =	sbr.ind lr, $3  }
0x3a: {  	_ = 	snop  }
0x3b: {  	_ = 	snop  }
0x3c: {  	p2 =	seq.s32 s10, $0x1;
	s10 =	sld [smem:$0x3FB4]  }
0x3d: {  	_ =	shalt  }
0x3e: {  	_ =	shalt  }
0x3f: {  	_ =	shalt  }
0x40: {  	_ =	shalt  }
0x41: {  	_ =	shalt  }
0x42: {  	_ =	shalt  }
0x43: {  	_ =	shalt  }
0x44: {  	_ =	shalt  }
0x45: {  	_ =	shalt  }
0x46: {  	_ =	shalt  }
0x47: {  	_ =	shalt  }
0x48: {  	_ =	shalt  }
0x49: {  	_ =	shalt  }
0x4a: {  	_ =	shalt  }
0x4b: {  	_ =	shalt  }
0x4c: {  	_ =	shalt  }
0x4d: {  	_ =	shalt  }
0x4e: {  	_ =	shalt  }
0x4f: {  	_ =	shalt  }
0x50: {  	_ =	shalt  }
0x51: {  	_ =	shalt  }
0x52: {  	_ =	shalt  }
0x53: {  	_ =	shalt  }
0x54: {  	_ =	shalt  }
0x55: {  	_ =	shalt  }
0x56: {  	_ =	shalt  }
0x57: {  	_ =	shalt  }
0x58: {  	_ =	shalt  }
0x59: {  	_ =	shalt  }
0x5a: {  	_ =	shalt  }
0x5b: {  	_ =	shalt  }
0x5c: {  	_ =	shalt  }
0x5d: {  	_ =	shalt  }
0x5e: {  	_ =	shalt  }
0x5f: {  	_ =	shalt  }
0x60: {  	_ =	shalt  }
0x61: {  	_ =	shalt  }
0x62: {  	_ =	shalt  }
0x63: {  	_ =	shalt  }
0x64: {  	_ =	shalt  }
0x65: {  	_ =	shalt  }
0x66: {  	_ =	shalt  }
0x67: {  	_ =	shalt  }
0x68: {  	_ =	shalt  }
0x69: {  	_ =	shalt  }
0x6a: {  	_ =	shalt  }
0x6b: {  	_ =	shalt  }
0x6c: {  	_ =	shalt  }
0x6d: {  	_ =	shalt  }
0x6e: {  	_ =	shalt  }
0x6f: {  	_ =	shalt  }
0x70: {  	_ =	shalt  }
0x71: {  	_ =	shalt  }
0x72: {  	_ =	shalt  }
0x73: {  	_ =	shalt  }
0x74: {  	_ =	shalt  }
0x75: {  	_ =	shalt  }
0x76: {  	_ =	shalt  }
0x77: {  	_ =	shalt  }
0x78: {  	_ =	shalt  }
0x79: {  	_ =	shalt  }
0x7a: {  	_ =	shalt  }
0x7b: {  	_ =	shalt  }
0x7c: {  	_ =	shalt  }
0x7d: {  	_ =	shalt  }
0x7e: {  	_ =	shalt  }
0x7f: {  	_ =	shalt  }
0x80: {  	_ =	shalt  }
0x81: {  	_ =	shalt  }
0x82: {  	_ =	shalt  }
0x83: {  	_ =	shalt  }
0x84: {  	_ =	shalt  }
0x85: {  	_ =	shalt  }
0x86: {  	_ =	shalt  }
0x87: {  	_ =	shalt  }
.Lfunc_end0:
.L_simem_size_0:
called_computation.1_lowered:
.L_overlay_start_0:
0x88: {  	s2 =	sld [smem:$0x3FD9]  }
0x89: {  	s3 =	sld [smem:$0x3FFE];
	_ =	sdelay $0x1  }
0x8a: {  	s1 =	srdreg.scid  }
0x8b: {  	s0 =	sand.u32 $0x1, s1  }
0x8c: {  	s16 =	sshll.u32 s0, $0xA;
	s2 =	sadd.s32 s3, s2  }
0x8d: {  	s2 =	sadd.s32 s2, s16  }
0x8e: {  	[smem:$0x3FC0] =	sst s2  }
0x8f: {  	_ = 	snop  }
0x90: {  	(tm) =	ssettm $0x1  }
0x91: {  	s17 =	sld [smem:$0x3FFB];
	_ =	sdelay $0x3  }
0x92: {  	_ =	strace s17  }
0x93: {  	s2 =	sld [smem:$0x3FFC];
	_ =	sdelay $0x3  }
0x94: {  	_ =	strace s2  }
0x95: {  	s2 =	sld [smem:$0x3FFD];
	_ =	sdelay $0x3  }
0x96: {  	_ =	strace s2  }
0x97: {  	_ =	strace $0x8FFFFFFF  }
0x98: {  	s18 =	sld [smem:$0x3FDB];
	_ =	sdelay $0x1  }
0x99: {  	s19 =	simm.s32 $_scs_section_size  }
0x9a: {  	s4 =	simm.s32 $_size__tile_overlayer_lowered;
	s5 =	simm.s32 $_tile_overlayer_lowered  }
0x9b: {  	s22 =	simm.s32 $0x1BFF;
	s21 =	sshll.u32 s5, $0x1;
	s2 =	sadd.s32 s19, s18  }
0x9c: {  	s6 =	simm.s32 $0x0;
	s20 =	sshll.u32 s4, $0x1;
	s4 =	sadd.s32 s21, s2  }
0x9d: {  	[timem:s6], [sflag:s22] =	dma.local [hbm:s4], s20  }
0x9e: {  	_ =	swait.ge [sflag:s22], s20  }
0x9f: {  	s3 =	ssub.s32 $0x0, s20;
	[sflag:s22] =	ssyncset.done $0x0  }
0xa0: {  	[sflag:s22] =	ssyncadd.s32 s3;
	_ =	sdelay $0x1  }
0xa1: {  	s23 =	simm.s32 $0x1B8B  }
0xa2: {  	_ =	swait.ge [sflag:s23], $0x1  }
0xa3: {  	[sflag:s23] =	ssyncset.done $0x0  }
0xa4: {  	s25 =	simm.s32 $0x1B8E;
	s24 =	sld [smem:$0x3FFE];
	[sflag:s23] =	ssyncadd.s32 $0xFFFFFFFF  }
0xa5: {  	s26 =	simm.s32 $execute0_lowered;
	[smem:$0x3FD2] =	sst s25  }
0xa6: {  	s4 =	sshll.u32 s26, $0x1;
	_ =	strace $0x80000049;
	[dreg:$0x1] =	wrdreg $0xFFFFFFFF  }
0xa7: {  	s28 =	simm.s32 $_size_execute0_lowered;
	s2 =	sadd.s32 s2, s4;
	[dreg:$0x0] =	wrdreg $0x0  }
0xa8: {  	s4 =	sshll.u32 s28, $0x1;
	[dreg:$0x2] =	wrdreg s2  }
0xa9: {  	[dreg:$0x3] =	wrdreg s4  }
0xaa: {  	[dreg:$0x4] =	wrdreg $0xC0  }
0xab: {  	_ =	task [dreg:s6], $0x5FFFF  }
0xac: {  	[dreg:$0x1] =	wrdreg $0xFFFFFFFF  }
0xad: {  	[dreg:$0x0] =	wrdreg $0x60  }
0xae: {  	[dreg:$0x2] =	wrdreg s24  }
0xaf: {  	[dreg:$0x3] =	wrdreg $0xA8000  }
0xb0: {  	[dreg:$0x4] =	wrdreg $0x9  }
0xb1: {  	_ =	task.clear_ibuf [dreg:s6], $0x5FFFF;
	_ =	strace $0x90000049  }
0xb2: {  	s29 =	simm.s32 $0x9;
	_ =	strace $0x8000004B  }
0xb3: {  	_ =	swait.ge [sflag:s29], $0x1  }
0xb4: {  	[sflag:s29] =	ssyncadd.s32 $0xFFFFFFFF  }
0xb5: {  	_ =	strace $0x9000004B  }
0xb6: {  	_ =	sfence  }
0xb7: {  	s30 =	sld [smem:$0x0];
	_ =	sdelay $0x2  }
0xb8: {  	s31 =	sshll.u32 s1, $0xD;
	s1 =	sshrl.u32 s1, $0x2  }
0xb9: {  	s3 =	sand.u32 $0x4000, s31;
	s1 =	sadd.s32 s1, s30  }
0xba: {  	s0 =	sor.u32 s3, s0;
	s1 =	sshll.u32 s1, $0x11  }
0xbb: {  	s0 =	sor.u32 s1, s0  }
0xbc: {  	s0 =	sadd.s32 $0x8F2B, s0  }
0xbd: {  	[sflag:s0] =	ssyncadd.remote.s32 $0x1  }
0xbe: {  	_ =	sfence.sel $0xFFFF  }
0xbf: {  	[dreg:$0x0] =	wrdreg $0xFFFFFFFF;
	(pc) =	sbr.abs _section_cstart, $3  }
0xc0: {  	[dreg:$0x1] =	wrdreg $0xFFFFFFFF  }
0xc1: {  	_ =	task.clear_ibuf [dreg:s6], $0x2FFFF;
	_ =	strace $0x9FFFFFFF  }
0xc2: {  	(tm) =	ssettm $0x7FFFFFFF  }
0xc3: {  	_ =	shalt  }
tec
execute0_lowered:
.L_overlay_start_1:
0x0: {  	(tag) =	ssettag $0x1  }
0x1: {  	s5 =	rddreg [dreg:$0x0]  }
0x2: {  	s2 =	rddreg [dreg:$0x1]  }
0x3: {  	s0 =	rddreg [dreg:$0x2];
	s3 =	simm.s32 $0x0;
	s1 =	stileid.u32  }
0x4: {  	s7 =	srdreg.scid;
	s17 =	simm.s32 $0x2800;
	s18 =	simm.s32 $0x6800  }
0x5: {  	s19 =	simm.s32 $0x1;
	s20 =	simm.s32 $0x2;
	s21 =	simm.s32 $0x2700  }
0x6: {  	s22 =	simm.s32 $0x2780;
	s23 =	simm.s32 $0x0;
	s6 =	smul.u32 $0x14000, s1  }
0x7: {  	[smem:$0x7FF] =	sst s3;
	s4 =	sadd.s32 $0xBA00, s5;
	s12 =	smul.u32 $0x50000, s1  }
0x8: {  	s7 =	sand.u32 $0x1, s7;
	s9 =	sadd.s32 $0x83A00, s5;
	s14 =	smul.u32 $0x2800, s1  }
0x9: {  	s11 =	sadd.s32 $0x1A00, s5;
	s30 =	sshll.u32 s1, $0x6;
	s10 =	smul.u32 $0x140000, s7  }
0xa: {  	_ =	strace $0x8000004A;
	s28 =	ssub.s32 $0x2, s7;
	s7 =	smul.u32 $0x28000, s7  }
0xb: {  	s8 =	sshrl.u32 s6, $0x3;
	s13 =	sshrl.u32 s28, $0x1;
	s29 =	sshrl.u32 s12, $0x2  }
0xc: {  	s8 =	sadd.s32 s8, s5;
	s6 =	sadd.s32 s6, s10;
	s13 =	ssub.s32 s28, s13  }
0xd: {  	s16 =	sadd.s32 s29, s2;
	s7 =	sadd.s32 s14, s7;
	s14 =	simm.s32 $0x3  }
0xe: {  	s6 =	sshrl.u32 s6, $0x3;
	s31 =	sshrl.u32 s7, $0x3;
	s12 =	smax.u32 s13, $0x1  }
0xf: {  	s13 =	sshrl.u32 s16, $0x3;
	s16 =	simm.s32 $0x80;
	s15 =	sadd.s32 s6, s5  }
0x10: {  	s5 =	sadd.s32 $0x8DA00, s8;
	s6 =	sor.u32 $0x1C03, s30;
	s10 =	sadd.s32 $0x280, s31  }
0x11: {  	s7 =	sadd.s32 s9, s31;
	s8 =	sadd.s32 s11, s31;
	s9 =	sadd.s32 s9, s10  }
0x12: {  	s10 =	sadd.s32 s11, s10;
	s11 =	sadd.s32 $0xB5A00, s15;
	s15 =	simm.s32 $0x1400  }
.LBB2_1:
0x13: {  	[spmem:s13], [sflag:s6] =	dma.local [hbm:s5], $0x2800  }
0x14: {  	_ =	swait.ge [sflag:s14], $0x2800  }
0x15: {  	[sflag:s14] =	ssyncset.done $0x0  }
0x16: {  	[sflag:s14] =	ssyncadd.s32 $0xFFFFD800  }
0x17: {  	[bflag:$0x0] =	sbarrier.arrive $0xFFFF  }
0x18: {  	[tilespmem:s3], [sflag:$0x3] =	stream.linear.gather [hbm4b:s7+s3], $0x1400, $0x38;
	[tilespmem:$0x1E800] =	vst v63  }
0x19: {  	_ =	swait.ge [sflag:s14], $0x1400  }
0x1a: {  	[sflag:s14] =	ssyncset.done $0x0  }
0x1b: {  	[sflag:s14] =	ssyncadd.s32 $0xFFFFEC00  }
0x1c: {  	[tilespmem:s15], [sflag:$0x3] =	stream.linear.gather [hbm4b:s8+s3], $0x1400, $0x38;
	[tilespmem:$0x1E800] =	vst v63  }
0x1d: {  	_ =	swait.ge [sflag:s14], $0x1400  }
0x1e: {  	[sflag:s14] =	ssyncset.done $0x0  }
0x1f: {  	[sflag:s14] =	ssyncadd.s32 $0xFFFFEC00  }
0x20: {  	[tilespmem:s17], [sflag:$0x1] =	stream.indirect.gather [hbm4b:s4+s16], $0x80, s3, s16, $0xb8;
	[tilespmem:$0x1E800] =	vst v63  }
0x21: {  	_ = 	snop  }
0x22: {  	[tilespmem:s18], [sflag:$0x2] =	stream.indirect.gather [hbm4b:s4+s16], $0x80, s16, s16, $0xb8;
	[tilespmem:$0x1E800] =	vst v63  }
0x23: {  	_ =	swait.ge [sflag:s19], $0x4000  }
0x24: {  	[sflag:s19] =	ssyncset.done $0x0  }
0x25: {  	s24 =	simm.s32 $0x1400;
	[sflag:s19] =	ssyncadd.s32 $0xFFFFC000  }
0x26: {  	[spmem:s2] =	stream.indirect.scatter.add.f32 [tilespmem:s17], [sflag:$0x3], $0x80, s24, s16, $0xb8;
	[tilespmem:$0x1E800] =	vst v63  }
0x27: {  	_ =	swait.ge [sflag:s14], $0x4000  }
0x28: {  	[sflag:s14] =	ssyncset.done $0x0  }
0x29: {  	s30 =	simm.s32 $0x100;
	[sflag:s14] =	ssyncadd.s32 $0xFFFFC000  }
0x2a: {  	[tilespmem:s17], [sflag:$0x1] =	stream.indirect.gather [hbm4b:s4+s16], $0x80, s30, s16, $0xb8;
	[tilespmem:$0x1E800] =	vst v63  }
0x2b: {  	_ =	swait.ge [sflag:s20], $0x4000  }
0x2c: {  	[sflag:s20] =	ssyncset.done $0x0  }
0x2d: {  	s31 =	simm.s32 $0x1480;
	[sflag:s20] =	ssyncadd.s32 $0xFFFFC000  }
0x2e: {  	[spmem:s2] =	stream.indirect.scatter.add.f32 [tilespmem:s18], [sflag:$0x3], $0x80, s31, s16, $0xb8;
	[tilespmem:$0x1E800] =	vst v63  }
0x2f: {  	_ =	swait.ge [sflag:s14], $0x4000  }
0x30: {  	[sflag:s14] =	ssyncset.done $0x0  }
0x31: {  	s25 =	simm.s32 $0x180;
	s24 =	simm.s32 $0x400;
	[sflag:s14] =	ssyncadd.s32 $0xFFFFC000  }
.LBB2_2:
0x32: {  	[tilespmem:s18], [sflag:$0x2] =	stream.indirect.gather [hbm4b:s4+s16], $0x80, s25, s16, $0xb8;
	[tilespmem:$0x1E800] =	vst v63  }
0x33: {  	s25 =	smov.u32 s24  }
0x34: {  	p0 =	sne.s32 s24, $0x4800;
	s24 =	sadd.s32 $0x400, s24;
	_ =	swait.ge [sflag:s19], $0x4000  }
0x35: {  	s25 =	sshra.s32 s25, $0x2;
	[sflag:s19] =	ssyncset.done $0x0  }
0x36: {  	s26 =	sadd.s32 $0x1400, s25;
	[sflag:s19] =	ssyncadd.s32 $0xFFFFC000  }
0x37: {  	[spmem:s2] =	stream.indirect.scatter.add.f32 [tilespmem:s17], [sflag:$0x3], $0x80, s26, s16, $0xb8;
	[tilespmem:$0x1E800] =	vst v63  }
0x38: {  	_ =	swait.ge [sflag:s14], $0x4000  }
0x39: {  	[sflag:s14] =	ssyncset.done $0x0  }
0x3a: {  	s26 =	sadd.s32 $0x100, s25;
	[sflag:s14] =	ssyncadd.s32 $0xFFFFC000  }
0x3b: {  	[tilespmem:s17], [sflag:$0x1] =	stream.indirect.gather [hbm4b:s4+s16], $0x80, s26, s16, $0xb8;
	[tilespmem:$0x1E800] =	vst v63  }
0x3c: {  	_ =	swait.ge [sflag:s20], $0x4000  }
0x3d: {  	[sflag:s20] =	ssyncset.done $0x0  }
.Ltmp0:
0x3e: {  	s26 =	sadd.s32 $0x1480, s25;
	[sflag:s20] =	ssyncadd.s32 $0xFFFFC000;
	(pc) =	sbr.rel @p0 .LBB2_2-.Ltmp0, $4  }
0x3f: {  	[spmem:s2] =	stream.indirect.scatter.add.f32 [tilespmem:s18], [sflag:$0x3], $0x80, s26, s16, $0xb8;
	[tilespmem:$0x1E800] =	vst v63  }
0x40: {  	_ =	swait.ge [sflag:s14], $0x4000  }
0x41: {  	[sflag:s14] =	ssyncset.done $0x0  }
0x42: {  	s25 =	sadd.s32 $0x180, s25;
	[sflag:s14] =	ssyncadd.s32 $0xFFFFC000  }
0x43: {  	[tilespmem:s18], [sflag:$0x2] =	stream.indirect.gather [hbm4b:s4+s16], $0x80, s25, s16, $0xb8;
	[tilespmem:$0x1E800] =	vst v63  }
0x44: {  	_ =	swait.ge [sflag:s19], $0x4000  }
0x45: {  	[sflag:s19] =	ssyncset.done $0x0  }
0x46: {  	[sflag:s19] =	ssyncadd.s32 $0xFFFFC000  }
0x47: {  	[spmem:s2] =	stream.indirect.scatter.add.f32 [tilespmem:s17], [sflag:$0x3], $0x80, s21, s16, $0xb8;
	[tilespmem:$0x1E800] =	vst v63  }
0x48: {  	_ =	swait.ge [sflag:s14], $0x4000  }
0x49: {  	[sflag:s14] =	ssyncset.done $0x0  }
0x4a: {  	[sflag:s14] =	ssyncadd.s32 $0xFFFFC000  }
0x4b: {  	_ =	swait.ge [sflag:s20], $0x4000  }
0x4c: {  	[sflag:s20] =	ssyncset.done $0x0  }
0x4d: {  	[sflag:s20] =	ssyncadd.s32 $0xFFFFC000  }
0x4e: {  	[spmem:s2] =	stream.indirect.scatter.add.f32 [tilespmem:s18], [sflag:$0x3], $0x80, s22, s16, $0xb8;
	[tilespmem:$0x1E800] =	vst v63  }
0x4f: {  	_ =	swait.ge [sflag:s14], $0x4000  }
0x50: {  	[sflag:s14] =	ssyncset.done $0x0  }
0x51: {  	s24 =	simm.s32 $0x0;
	[sflag:s14] =	ssyncadd.s32 $0xFFFFC000  }
0x52: {  	[tilespmem:s24], [sflag:$0x3] =	stream.linear.gather [hbm4b:s9+s24], $0x1400, $0x38;
	[tilespmem:$0x1E800] =	vst v63  }
0x53: {  	_ =	swait.ge [sflag:s14], $0x1400  }
0x54: {  	[sflag:s14] =	ssyncset.done $0x0  }
0x55: {  	[sflag:s14] =	ssyncadd.s32 $0xFFFFEC00  }
0x56: {  	[tilespmem:s15], [sflag:$0x3] =	stream.linear.gather [hbm4b:s10+s24], $0x1400, $0x38;
	[tilespmem:$0x1E800] =	vst v63  }
0x57: {  	_ =	swait.ge [sflag:s14], $0x1400  }
0x58: {  	[sflag:s14] =	ssyncset.done $0x0  }
0x59: {  	[sflag:s14] =	ssyncadd.s32 $0xFFFFEC00  }
0x5a: {  	[tilespmem:s17], [sflag:$0x1] =	stream.indirect.gather [hbm4b:s4+s16], $0x80, s24, s16, $0xb8;
	[tilespmem:$0x1E800] =	vst v63  }
0x5b: {  	_ = 	snop  }
0x5c: {  	[tilespmem:s18], [sflag:$0x2] =	stream.indirect.gather [hbm4b:s4+s16], $0x80, s16, s16, $0xb8;
	[tilespmem:$0x1E800] =	vst v63  }
0x5d: {  	_ =	swait.ge [sflag:s19], $0x4000  }
0x5e: {  	[sflag:s19] =	ssyncset.done $0x0  }
0x5f: {  	s29 =	simm.s32 $0x1400;
	[sflag:s19] =	ssyncadd.s32 $0xFFFFC000  }
0x60: {  	[spmem:s2] =	stream.indirect.scatter.add.f32 [tilespmem:s17], [sflag:$0x3], $0x80, s29, s16, $0xb8;
	[tilespmem:$0x1E800] =	vst v63  }
0x61: {  	_ =	swait.ge [sflag:s14], $0x4000  }
0x62: {  	[sflag:s14] =	ssyncset.done $0x0  }
0x63: {  	s30 =	simm.s32 $0x100;
	[sflag:s14] =	ssyncadd.s32 $0xFFFFC000  }
0x64: {  	[tilespmem:s17], [sflag:$0x1] =	stream.indirect.gather [hbm4b:s4+s16], $0x80, s30, s16, $0xb8;
	[tilespmem:$0x1E800] =	vst v63  }
0x65: {  	_ =	swait.ge [sflag:s20], $0x4000  }
0x66: {  	[sflag:s20] =	ssyncset.done $0x0  }
0x67: {  	s31 =	simm.s32 $0x1480;
	[sflag:s20] =	ssyncadd.s32 $0xFFFFC000  }
0x68: {  	[spmem:s2] =	stream.indirect.scatter.add.f32 [tilespmem:s18], [sflag:$0x3], $0x80, s31, s16, $0xb8;
	[tilespmem:$0x1E800] =	vst v63  }
0x69: {  	_ =	swait.ge [sflag:s14], $0x4000  }
0x6a: {  	[sflag:s14] =	ssyncset.done $0x0  }
0x6b: {  	s25 =	simm.s32 $0x180;
	s24 =	simm.s32 $0x400;
	[sflag:s14] =	ssyncadd.s32 $0xFFFFC000  }
.LBB2_4:
0x6c: {  	[tilespmem:s18], [sflag:$0x2] =	stream.indirect.gather [hbm4b:s4+s16], $0x80, s25, s16, $0xb8;
	[tilespmem:$0x1E800] =	vst v63  }
0x6d: {  	s25 =	smov.u32 s24  }
0x6e: {  	p0 =	sne.s32 s24, $0x4800;
	s24 =	sadd.s32 $0x400, s24;
	_ =	swait.ge [sflag:s19], $0x4000  }
0x6f: {  	s25 =	sshra.s32 s25, $0x2;
	[sflag:s19] =	ssyncset.done $0x0  }
0x70: {  	s26 =	sadd.s32 $0x1400, s25;
	[sflag:s19] =	ssyncadd.s32 $0xFFFFC000  }
0x71: {  	[spmem:s2] =	stream.indirect.scatter.add.f32 [tilespmem:s17], [sflag:$0x3], $0x80, s26, s16, $0xb8;
	[tilespmem:$0x1E800] =	vst v63  }
0x72: {  	_ =	swait.ge [sflag:s14], $0x4000  }
0x73: {  	[sflag:s14] =	ssyncset.done $0x0  }
0x74: {  	s26 =	sadd.s32 $0x100, s25;
	[sflag:s14] =	ssyncadd.s32 $0xFFFFC000  }
0x75: {  	[tilespmem:s17], [sflag:$0x1] =	stream.indirect.gather [hbm4b:s4+s16], $0x80, s26, s16, $0xb8;
	[tilespmem:$0x1E800] =	vst v63  }
0x76: {  	_ =	swait.ge [sflag:s20], $0x4000  }
0x77: {  	[sflag:s20] =	ssyncset.done $0x0  }
.Ltmp1:
0x78: {  	s26 =	sadd.s32 $0x1480, s25;
	[sflag:s20] =	ssyncadd.s32 $0xFFFFC000;
	(pc) =	sbr.rel @p0 .LBB2_4-.Ltmp1, $4  }
0x79: {  	[spmem:s2] =	stream.indirect.scatter.add.f32 [tilespmem:s18], [sflag:$0x3], $0x80, s26, s16, $0xb8;
	[tilespmem:$0x1E800] =	vst v63  }
0x7a: {  	_ =	swait.ge [sflag:s14], $0x4000  }
0x7b: {  	[sflag:s14] =	ssyncset.done $0x0  }
0x7c: {  	s25 =	sadd.s32 $0x180, s25;
	[sflag:s14] =	ssyncadd.s32 $0xFFFFC000  }
0x7d: {  	[tilespmem:s18], [sflag:$0x2] =	stream.indirect.gather [hbm4b:s4+s16], $0x80, s25, s16, $0xb8;
	[tilespmem:$0x1E800] =	vst v63  }
0x7e: {  	_ =	swait.ge [sflag:s19], $0x4000  }
0x7f: {  	[sflag:s19] =	ssyncset.done $0x0  }
0x80: {  	[sflag:s19] =	ssyncadd.s32 $0xFFFFC000  }
0x81: {  	[spmem:s2] =	stream.indirect.scatter.add.f32 [tilespmem:s17], [sflag:$0x3], $0x80, s21, s16, $0xb8;
	[tilespmem:$0x1E800] =	vst v63  }
0x82: {  	_ =	swait.ge [sflag:s14], $0x4000  }
0x83: {  	[sflag:s14] =	ssyncset.done $0x0  }
0x84: {  	[sflag:s14] =	ssyncadd.s32 $0xFFFFC000  }
0x85: {  	_ =	swait.ge [sflag:s20], $0x4000  }
0x86: {  	[sflag:s20] =	ssyncset.done $0x0  }
0x87: {  	[sflag:s20] =	ssyncadd.s32 $0xFFFFC000  }
0x88: {  	[spmem:s2] =	stream.indirect.scatter.add.f32 [tilespmem:s18], [sflag:$0x3], $0x80, s22, s16, $0xb8;
	[tilespmem:$0x1E800] =	vst v63  }
0x89: {  	_ =	swait.ge [sflag:s14], $0x4000  }
0x8a: {  	s23 =	sadd.s32 $0x1, s23;
	[sflag:s14] =	ssyncset.done $0x0  }
0x8b: {  	p0 =	sne.s32 s23, s12;
	[sflag:s14] =	ssyncadd.s32 $0xFFFFC000  }
.Ltmp2:
0x8c: {  	[bflag:$0x0] =	sbarrier.arrive $0xFFFF;
	(pc) =	sbr.rel @p0 .LBB2_1-.Ltmp2, $4  }
0x8d: {  	[hbm:s11], [sflag:s6] =	dma.local [spmem:s13], $0x2800  }
0x8e: {  	_ =	swait.ge [sflag:s14], $0x2800  }
0x8f: {  	[sflag:s14] =	ssyncset.done $0x0  }
0x90: {  	[sflag:s14] =	ssyncadd.s32 $0xFFFFD800  }
0x91: {  	_ =	sfence.sel $0x180000  }
0x92: {  	[bflag:$0x0] =	sbarrier.arrive $0xFFFF  }
0x93: {  	p0 =	sne.s32 s1, $0x0;
	_ =	strace $0x9000004A  }
0x94: {  	s0 =	sadd.s32 @!p0 $0x100000, s0;
	[bflag:$0x2] =	sbarrier.arrive $0xFFFF  }
0x95: {  	[sflag:s0] =	ssyncadd.tile.s32 @!p0 $0x1;
	_ =	shalt  }
.Lfunc_end2:
_tile_overlayer_lowered:
.L_overlay_start_2:
0x96: {  	(tag) =	ssettag $0x2  }
0x97: {  	s0 =	rddreg [dreg:$0x0];
	s2 =	stileid.u32  }
0x98: {  	s1 =	rddreg [dreg:$0x1];
	p0 =	sne.s32 s2, $0x0  }
0x99: {  	s3 =	rddreg [dreg:$0x2];
	[bflag:$0x3] =	sbarrier.arrive $0xFFFF;
	s2 =	simm.s32 @!p0 $0x1C03  }
0x9a: {  	[timem:s3], [sflag:s2] =	dma.local @!p0 [hbm:s0], s1  }
0x9b: {  	s0 =	simm.s32 @!p0 $0x3  }
0x9c: {  	_ =	swait.ge @!p0 [sflag:s0], s1  }
0x9d: {  	s1 =	ssub.s32 @!p0 $0x0, s1;
	[sflag:s0] =	ssyncset.done @!p0 $0x0  }
0x9e: {  	[sflag:s0] =	ssyncadd.s32 @!p0 s1  }
0x9f: {  	[bflag:$0x3] =	sbarrier.arrive $0xFFFF  }
0xa0: {  	_ =	shalt  }

// kernel: kernel.16.cloned.1.call-start
scs
__scs_entry_jumppad:
0x0: {  	(pc) =	sbr.rel $0x88, $3  }
0x1: {  	(tag) =	ssettag $0x0;
	lr =	simm.s32 $0x1  }
0x2: {  	[smem:$0x3F99] =	sst lr;
	_ =	strace $0xD0000000  }
0x3: {  	_ = 	snop  }
0x4: {  	_ = 	snop  }
0x5: {  	_ = 	snop  }
0x6: {  	_ = 	snop  }
0x7: {  	_ = 	snop  }
__scs_overlays_trampoline_lowered:
0x8: {  	[smem:$0x3FA8] =	sst s0  }
0x9: {  	[smem:$0x3FA9] =	sst s1  }
0xa: {  	[smem:$0x3FAA] =	sst s2  }
0xb: {  	[smem:$0x3FAB] =	sst s3  }
0xc: {  	[smem:$0x3FAC] =	sst s4  }
0xd: {  	[smem:$0x3FAD] =	sst s5  }
0xe: {  	[smem:$0x3FAE] =	sst s6  }
0xf: {  	[smem:$0x3FAF] =	sst s7  }
0x10: {  	[smem:$0x3FB0] =	sst s8  }
0x11: {  	[smem:$0x3FB1] =	sst s9;
	s0 =	simm.s32 @!p0 $0x0  }
0x12: {  	s1 =	sld [smem:$0x3F97];
	s0 =	simm.s32 @p0 $0x1  }
0x13: {  	[smem:$0x3FB2] =	sst s0;
	s0 =	simm.s32 @!p1 $0x0  }
0x14: {  	s2 =	sld [smem:$0x3F96];
	s0 =	simm.s32 @p1 $0x1  }
0x15: {  	[smem:$0x3FB3] =	sst s0;
	s0 =	simm.s32 @!p2 $0x0  }
0x16: {  	s3 =	sld [smem:$0x3FDB];
	s0 =	simm.s32 @p2 $0x1  }
0x17: {  	s4 =	simm.s32 $0x1BF5;
	[smem:$0x3FB5] =	sst s0  }
0x18: {  	s0 =	sld [smem:$0x3F98];
	_ =	swait.ge [sflag:s4], $0x0  }
0x19: {  	s7 =	sld [smem:$0x3F99]  }
0x1a: {  	s8 =	sadd.s32 $0xFFFFE003, lr  }
0x1b: {  	s9 =	sadd.s32 $0xFFFFFEF7, lr;
	s5 =	simm.s32 $0xFFFFFFFF;
	p2 =	slt.u32 s8, $0xFFFFF086  }
0x1c: {  	p1 =	slt.u32 s9, $0xF7A;
	s5 =	simm.s32 @!p2 $0x0  }
0x1d: {  	s5 =	simm.s32 @p1 $0x1;
	p0 =	seq.s32 s7, s2  }
0x1e: {  	s7 =	smul.u32 @!p0 $0xF7A, s2;
	p2 =	seq.s32 @!p0 s5, $0x0  }
0x1f: {  	s9 =	smul.u32 $0xF7A, s1;
	s8 =	simm.s32 @!p0 $0x1BF5;
	p2 =	por !p2, p0  }
0x20: {  	[sflag:s8] =	ssyncset.s32 @!p0 $0xFFFFF086;
	s6 =	sadd.s32 @!p0 s3, s7;
	s7 =	simm.s32 @!p0 $0x108  }
0x21: {  	s3 =	sadd.s32 s3, s9;
	s6 =	sadd.s32 @!p0 $0x88, s6;
	s7 =	simm.s32 @p2 $0x1082  }
0x22: {  	[simem:s7], [sflag:s8] =	dma.local @!p0 [hbm:s6], $0xF7A  }
0x23: {  	s9 =	sor.u32 $0xD0000000, s2;
	s6 =	simm.s32 $0x108;
	_ =	swait.ge @!p0 [sflag:s8], $0x0  }
0x24: {  	s3 =	sadd.s32 $0x88, s3;
	s6 =	simm.s32 @!p1 $0x1082;
	[sflag:s4] =	ssyncset.s32 $0xFFFFF086  }
0x25: {  	[simem:s6], [sflag:s4] =	dma.local [hbm:s3], $0xF7A  }
0x26: {  	[smem:$0x3F99] =	sst s1;
	(tag) =	ssettag s2;
	_ =	strace s9  }
0x27: {  	s1 =	sld [smem:$0x3FA9]  }
0x28: {  	s2 =	sld [smem:$0x3FAA]  }
0x29: {  	s4 =	sld [smem:$0x3FAC]  }
0x2a: {  	p0 =	seq.s32 s5, $0x0;
	s5 =	sld [smem:$0x3FAD]  }
0x2b: {  	s6 =	sld [smem:$0x3FAE]  }
0x2c: {  	s7 =	sld [smem:$0x3FAF]  }
0x2d: {  	s3 =	simm.s32 $0x108;
	s8 =	sld [smem:$0x3FB0]  }
0x2e: {  	s3 =	simm.s32 @!p0 $0x1082;
	s9 =	sld [smem:$0x3FB1]  }
0x2f: {  	lr =	sadd.s32 s0, s3;
	s0 =	sld [smem:$0x3FA8]  }
0x30: {  	s3 =	sld [smem:$0x3FAB]  }
0x31: {  	[smem:$0x3FB4] =	sst s10  }
0x32: {  	s10 =	sld [smem:$0x3FB2];
	_ =	sdelay $0x3  }
0x33: {  	p0 =	seq.s32 s10, $0x1;
	s10 =	sld [smem:$0x3FB4];
	_ =	sdelay $0x3  }
0x34: {  	[smem:$0x3FB4] =	sst s10  }
0x35: {  	s10 =	sld [smem:$0x3FB3];
	_ =	sdelay $0x3  }
0x36: {  	p1 =	seq.s32 s10, $0x1;
	s10 =	sld [smem:$0x3FB4];
	_ =	sdelay $0x3  }
0x37: {  	[smem:$0x3FB4] =	sst s10  }
0x38: {  	s10 =	sld [smem:$0x3FB5]  }
0x39: {  	_ = 	snop;
	(pc) =	sbr.ind lr, $3  }
0x3a: {  	_ = 	snop  }
0x3b: {  	_ = 	snop  }
0x3c: {  	p2 =	seq.s32 s10, $0x1;
	s10 =	sld [smem:$0x3FB4]  }
0x3d: {  	_ =	shalt  }
0x3e: {  	_ =	shalt  }
0x3f: {  	_ =	shalt  }
0x40: {  	_ =	shalt  }
0x41: {  	_ =	shalt  }
0x42: {  	_ =	shalt  }
0x43: {  	_ =	shalt  }
0x44: {  	_ =	shalt  }
0x45: {  	_ =	shalt  }
0x46: {  	_ =	shalt  }
0x47: {  	_ =	shalt  }
0x48: {  	_ =	shalt  }
0x49: {  	_ =	shalt  }
0x4a: {  	_ =	shalt  }
0x4b: {  	_ =	shalt  }
0x4c: {  	_ =	shalt  }
0x4d: {  	_ =	shalt  }
0x4e: {  	_ =	shalt  }
0x4f: {  	_ =	shalt  }
0x50: {  	_ =	shalt  }
0x51: {  	_ =	shalt  }
0x52: {  	_ =	shalt  }
0x53: {  	_ =	shalt  }
0x54: {  	_ =	shalt  }
0x55: {  	_ =	shalt  }
0x56: {  	_ =	shalt  }
0x57: {  	_ =	shalt  }
0x58: {  	_ =	shalt  }
0x59: {  	_ =	shalt  }
0x5a: {  	_ =	shalt  }
0x5b: {  	_ =	shalt  }
0x5c: {  	_ =	shalt  }
0x5d: {  	_ =	shalt  }
0x5e: {  	_ =	shalt  }
0x5f: {  	_ =	shalt  }
0x60: {  	_ =	shalt  }
0x61: {  	_ =	shalt  }
0x62: {  	_ =	shalt  }
0x63: {  	_ =	shalt  }
0x64: {  	_ =	shalt  }
0x65: {  	_ =	shalt  }
0x66: {  	_ =	shalt  }
0x67: {  	_ =	shalt  }
0x68: {  	_ =	shalt  }
0x69: {  	_ =	shalt  }
0x6a: {  	_ =	shalt  }
0x6b: {  	_ =	shalt  }
0x6c: {  	_ =	shalt  }
0x6d: {  	_ =	shalt  }
0x6e: {  	_ =	shalt  }
0x6f: {  	_ =	shalt  }
0x70: {  	_ =	shalt  }
0x71: {  	_ =	shalt  }
0x72: {  	_ =	shalt  }
0x73: {  	_ =	shalt  }
0x74: {  	_ =	shalt  }
0x75: {  	_ =	shalt  }
0x76: {  	_ =	shalt  }
0x77: {  	_ =	shalt  }
0x78: {  	_ =	shalt  }
0x79: {  	_ =	shalt  }
0x7a: {  	_ =	shalt  }
0x7b: {  	_ =	shalt  }
0x7c: {  	_ =	shalt  }
0x7d: {  	_ =	shalt  }
0x7e: {  	_ =	shalt  }
0x7f: {  	_ =	shalt  }
0x80: {  	_ =	shalt  }
0x81: {  	_ =	shalt  }
0x82: {  	_ =	shalt  }
0x83: {  	_ =	shalt  }
0x84: {  	_ =	shalt  }
0x85: {  	_ =	shalt  }
0x86: {  	_ =	shalt  }
0x87: {  	_ =	shalt  }
.Lfunc_end0:
.L_simem_size_0:
called_computation.2_lowered:
.L_overlay_start_0:
0x88: {  	s2 =	sld [smem:$0x3FD9]  }
0x89: {  	s3 =	sld [smem:$0x3FFE];
	_ =	sdelay $0x1  }
0x8a: {  	s1 =	srdreg.scid  }
0x8b: {  	s0 =	sand.u32 $0x1, s1  }
0x8c: {  	s16 =	sshll.u32 s0, $0xA;
	s2 =	sadd.s32 s3, s2  }
0x8d: {  	s2 =	sadd.s32 s2, s16  }
0x8e: {  	[smem:$0x3FC0] =	sst s2  }
0x8f: {  	_ = 	snop  }
0x90: {  	(tm) =	ssettm $0x1  }
0x91: {  	s17 =	sld [smem:$0x3FFB];
	_ =	sdelay $0x3  }
0x92: {  	_ =	strace s17  }
0x93: {  	s2 =	sld [smem:$0x3FFC];
	_ =	sdelay $0x3  }
0x94: {  	_ =	strace s2  }
0x95: {  	s2 =	sld [smem:$0x3FFD];
	_ =	sdelay $0x3  }
0x96: {  	_ =	strace s2  }
0x97: {  	_ =	strace $0x8FFFFFFF  }
0x98: {  	s18 =	sld [smem:$0x3FDB];
	_ =	sdelay $0x1  }
0x99: {  	s19 =	simm.s32 $_scs_section_size  }
0x9a: {  	s4 =	simm.s32 $_size__tile_overlayer_lowered;
	s5 =	simm.s32 $_tile_overlayer_lowered  }
0x9b: {  	s22 =	simm.s32 $0x1BFF;
	s21 =	sshll.u32 s5, $0x1;
	s2 =	sadd.s32 s19, s18  }
0x9c: {  	s6 =	simm.s32 $0x0;
	s20 =	sshll.u32 s4, $0x1;
	s4 =	sadd.s32 s21, s2  }
0x9d: {  	[timem:s6], [sflag:s22] =	dma.local [hbm:s4], s20  }
0x9e: {  	_ =	swait.ge [sflag:s22], s20  }
0x9f: {  	s3 =	ssub.s32 $0x0, s20;
	[sflag:s22] =	ssyncset.done $0x0  }
0xa0: {  	[sflag:s22] =	ssyncadd.s32 s3;
	_ =	sdelay $0x1  }
0xa1: {  	s23 =	simm.s32 $0x1B8B  }
0xa2: {  	_ =	swait.ge [sflag:s23], $0x1  }
0xa3: {  	[sflag:s23] =	ssyncset.done $0x0  }
0xa4: {  	s25 =	simm.s32 $0x1B8E;
	s24 =	sld [smem:$0x3FFE];
	[sflag:s23] =	ssyncadd.s32 $0xFFFFFFFF  }
0xa5: {  	s26 =	simm.s32 $execute0_lowered;
	[smem:$0x3FD2] =	sst s25  }
0xa6: {  	s4 =	sshll.u32 s26, $0x1;
	_ =	strace $0x8000004C;
	[dreg:$0x1] =	wrdreg $0xFFFFFFFF  }
0xa7: {  	s28 =	simm.s32 $_size_execute0_lowered;
	s2 =	sadd.s32 s2, s4;
	[dreg:$0x0] =	wrdreg $0x0  }
0xa8: {  	s4 =	sshll.u32 s28, $0x1;
	[dreg:$0x2] =	wrdreg s2  }
0xa9: {  	[dreg:$0x3] =	wrdreg s4  }
0xaa: {  	[dreg:$0x4] =	wrdreg $0xC0  }
0xab: {  	_ =	task [dreg:s6], $0x5FFFF  }
0xac: {  	[dreg:$0x1] =	wrdreg $0xFFFFFFFF  }
0xad: {  	[dreg:$0x0] =	wrdreg $0x60  }
0xae: {  	[dreg:$0x2] =	wrdreg s24  }
0xaf: {  	[dreg:$0x3] =	wrdreg $0xA8000  }
0xb0: {  	[dreg:$0x4] =	wrdreg $0x9  }
0xb1: {  	_ =	task.clear_ibuf [dreg:s6], $0x5FFFF;
	_ =	strace $0x9000004C  }
0xb2: {  	s29 =	simm.s32 $0x9;
	_ =	strace $0x8000004E  }
0xb3: {  	_ =	swait.ge [sflag:s29], $0x1  }
0xb4: {  	[sflag:s29] =	ssyncadd.s32 $0xFFFFFFFF  }
0xb5: {  	_ =	strace $0x9000004E  }
0xb6: {  	_ =	sfence  }
0xb7: {  	s30 =	sld [smem:$0x0];
	_ =	sdelay $0x2  }
0xb8: {  	s31 =	sshll.u32 s1, $0xD;
	s1 =	sshrl.u32 s1, $0x2  }
0xb9: {  	s3 =	sand.u32 $0x4000, s31;
	s1 =	sadd.s32 s1, s30  }
0xba: {  	s0 =	sor.u32 s3, s0;
	s1 =	sshll.u32 s1, $0x11  }
0xbb: {  	s0 =	sor.u32 s1, s0  }
0xbc: {  	s0 =	sadd.s32 $0x8F2B, s0  }
0xbd: {  	[sflag:s0] =	ssyncadd.remote.s32 $0x1  }
0xbe: {  	_ =	sfence.sel $0xFFFF  }
0xbf: {  	[dreg:$0x0] =	wrdreg $0xFFFFFFFF;
	(pc) =	sbr.abs _section_cstart, $3  }
0xc0: {  	[dreg:$0x1] =	wrdreg $0xFFFFFFFF  }
0xc1: {  	_ =	task.clear_ibuf [dreg:s6], $0x2FFFF;
	_ =	strace $0x9FFFFFFF  }
0xc2: {  	(tm) =	ssettm $0x7FFFFFFF  }
0xc3: {  	_ =	shalt  }
tec
execute0_lowered:
.L_overlay_start_1:
0x0: {  	(tag) =	ssettag $0x1  }
0x1: {  	s5 =	rddreg [dreg:$0x0]  }
0x2: {  	s2 =	rddreg [dreg:$0x1]  }
0x3: {  	s0 =	rddreg [dreg:$0x2];
	s3 =	simm.s32 $0x0;
	s1 =	stileid.u32  }
0x4: {  	s7 =	srdreg.scid;
	s17 =	simm.s32 $0x2800;
	s18 =	simm.s32 $0x6800  }
0x5: {  	s19 =	simm.s32 $0x1;
	s20 =	simm.s32 $0x2;
	s21 =	simm.s32 $0x2700  }
0x6: {  	s22 =	simm.s32 $0x2780;
	s23 =	simm.s32 $0x0;
	s6 =	smul.u32 $0x14000, s1  }
0x7: {  	[smem:$0x7FF] =	sst s3;
	s4 =	sadd.s32 $0xBA00, s5;
	s12 =	smul.u32 $0x50000, s1  }
0x8: {  	s7 =	sand.u32 $0x1, s7;
	s9 =	sadd.s32 $0x83A00, s5;
	s14 =	smul.u32 $0x2800, s1  }
0x9: {  	s11 =	sadd.s32 $0x1A00, s5;
	s30 =	sshll.u32 s1, $0x6;
	s10 =	smul.u32 $0x140000, s7  }
0xa: {  	_ =	strace $0x8000004D;
	s28 =	ssub.s32 $0x2, s7;
	s7 =	smul.u32 $0x28000, s7  }
0xb: {  	s8 =	sshrl.u32 s6, $0x3;
	s13 =	sshrl.u32 s28, $0x1;
	s29 =	sshrl.u32 s12, $0x2  }
0xc: {  	s8 =	sadd.s32 s8, s5;
	s6 =	sadd.s32 s6, s10;
	s13 =	ssub.s32 s28, s13  }
0xd: {  	s16 =	sadd.s32 s29, s2;
	s7 =	sadd.s32 s14, s7;
	s14 =	simm.s32 $0x3  }
0xe: {  	s6 =	sshrl.u32 s6, $0x3;
	s31 =	sshrl.u32 s7, $0x3;
	s12 =	smax.u32 s13, $0x1  }
0xf: {  	s13 =	sshrl.u32 s16, $0x3;
	s16 =	simm.s32 $0x80;
	s15 =	sadd.s32 s6, s5  }
0x10: {  	s5 =	sadd.s32 $0x8DA00, s8;
	s6 =	sor.u32 $0x1C03, s30;
	s10 =	sadd.s32 $0x280, s31  }
0x11: {  	s7 =	sadd.s32 s9, s31;
	s8 =	sadd.s32 s11, s31;
	s9 =	sadd.s32 s9, s10  }
0x12: {  	s10 =	sadd.s32 s11, s10;
	s11 =	sadd.s32 $0xB5A00, s15;
	s15 =	simm.s32 $0x1400  }
.LBB2_1:
0x13: {  	[spmem:s13], [sflag:s6] =	dma.local [hbm:s5], $0x2800  }
0x14: {  	_ =	swait.ge [sflag:s14], $0x2800  }
0x15: {  	[sflag:s14] =	ssyncset.done $0x0  }
0x16: {  	[sflag:s14] =	ssyncadd.s32 $0xFFFFD800  }
0x17: {  	[bflag:$0x0] =	sbarrier.arrive $0xFFFF  }
0x18: {  	[tilespmem:s3], [sflag:$0x3] =	stream.linear.gather [hbm4b:s7+s3], $0x1400, $0x38;
	[tilespmem:$0x1E800] =	vst v63  }
0x19: {  	_ =	swait.ge [sflag:s14], $0x1400  }
0x1a: {  	[sflag:s14] =	ssyncset.done $0x0  }
0x1b: {  	[sflag:s14] =	ssyncadd.s32 $0xFFFFEC00  }
0x1c: {  	[tilespmem:s15], [sflag:$0x3] =	stream.linear.gather [hbm4b:s8+s3], $0x1400, $0x38;
	[tilespmem:$0x1E800] =	vst v63  }
0x1d: {  	_ =	swait.ge [sflag:s14], $0x1400  }
0x1e: {  	[sflag:s14] =	ssyncset.done $0x0  }
0x1f: {  	[sflag:s14] =	ssyncadd.s32 $0xFFFFEC00  }
0x20: {  	[tilespmem:s17], [sflag:$0x1] =	stream.indirect.gather [hbm4b:s4+s16], $0x80, s3, s16, $0xb8;
	[tilespmem:$0x1E800] =	vst v63  }
0x21: {  	_ = 	snop  }
0x22: {  	[tilespmem:s18], [sflag:$0x2] =	stream.indirect.gather [hbm4b:s4+s16], $0x80, s16, s16, $0xb8;
	[tilespmem:$0x1E800] =	vst v63  }
0x23: {  	_ =	swait.ge [sflag:s19], $0x4000  }
0x24: {  	[sflag:s19] =	ssyncset.done $0x0  }
0x25: {  	s24 =	simm.s32 $0x1400;
	[sflag:s19] =	ssyncadd.s32 $0xFFFFC000  }
0x26: {  	[spmem:s2] =	stream.indirect.scatter.add.f32 [tilespmem:s17], [sflag:$0x3], $0x80, s24, s16, $0xb8;
	[tilespmem:$0x1E800] =	vst v63  }
0x27: {  	_ =	swait.ge [sflag:s14], $0x4000  }
0x28: {  	[sflag:s14] =	ssyncset.done $0x0  }
0x29: {  	s30 =	simm.s32 $0x100;
	[sflag:s14] =	ssyncadd.s32 $0xFFFFC000  }
0x2a: {  	[tilespmem:s17], [sflag:$0x1] =	stream.indirect.gather [hbm4b:s4+s16], $0x80, s30, s16, $0xb8;
	[tilespmem:$0x1E800] =	vst v63  }
0x2b: {  	_ =	swait.ge [sflag:s20], $0x4000  }
0x2c: {  	[sflag:s20] =	ssyncset.done $0x0  }
0x2d: {  	s31 =	simm.s32 $0x1480;
	[sflag:s20] =	ssyncadd.s32 $0xFFFFC000  }
0x2e: {  	[spmem:s2] =	stream.indirect.scatter.add.f32 [tilespmem:s18], [sflag:$0x3], $0x80, s31, s16, $0xb8;
	[tilespmem:$0x1E800] =	vst v63  }
0x2f: {  	_ =	swait.ge [sflag:s14], $0x4000  }
0x30: {  	[sflag:s14] =	ssyncset.done $0x0  }
0x31: {  	s25 =	simm.s32 $0x180;
	s24 =	simm.s32 $0x400;
	[sflag:s14] =	ssyncadd.s32 $0xFFFFC000  }
.LBB2_2:
0x32: {  	[tilespmem:s18], [sflag:$0x2] =	stream.indirect.gather [hbm4b:s4+s16], $0x80, s25, s16, $0xb8;
	[tilespmem:$0x1E800] =	vst v63  }
0x33: {  	s25 =	smov.u32 s24  }
0x34: {  	p0 =	sne.s32 s24, $0x4800;
	s24 =	sadd.s32 $0x400, s24;
	_ =	swait.ge [sflag:s19], $0x4000  }
0x35: {  	s25 =	sshra.s32 s25, $0x2;
	[sflag:s19] =	ssyncset.done $0x0  }
0x36: {  	s26 =	sadd.s32 $0x1400, s25;
	[sflag:s19] =	ssyncadd.s32 $0xFFFFC000  }
0x37: {  	[spmem:s2] =	stream.indirect.scatter.add.f32 [tilespmem:s17], [sflag:$0x3], $0x80, s26, s16, $0xb8;
	[tilespmem:$0x1E800] =	vst v63  }
0x38: {  	_ =	swait.ge [sflag:s14], $0x4000  }
0x39: {  	[sflag:s14] =	ssyncset.done $0x0  }
0x3a: {  	s26 =	sadd.s32 $0x100, s25;
	[sflag:s14] =	ssyncadd.s32 $0xFFFFC000  }
0x3b: {  	[tilespmem:s17], [sflag:$0x1] =	stream.indirect.gather [hbm4b:s4+s16], $0x80, s26, s16, $0xb8;
	[tilespmem:$0x1E800] =	vst v63  }
0x3c: {  	_ =	swait.ge [sflag:s20], $0x4000  }
0x3d: {  	[sflag:s20] =	ssyncset.done $0x0  }
.Ltmp0:
0x3e: {  	s26 =	sadd.s32 $0x1480, s25;
	[sflag:s20] =	ssyncadd.s32 $0xFFFFC000;
	(pc) =	sbr.rel @p0 .LBB2_2-.Ltmp0, $4  }
0x3f: {  	[spmem:s2] =	stream.indirect.scatter.add.f32 [tilespmem:s18], [sflag:$0x3], $0x80, s26, s16, $0xb8;
	[tilespmem:$0x1E800] =	vst v63  }
0x40: {  	_ =	swait.ge [sflag:s14], $0x4000  }
0x41: {  	[sflag:s14] =	ssyncset.done $0x0  }
0x42: {  	s25 =	sadd.s32 $0x180, s25;
	[sflag:s14] =	ssyncadd.s32 $0xFFFFC000  }
0x43: {  	[tilespmem:s18], [sflag:$0x2] =	stream.indirect.gather [hbm4b:s4+s16], $0x80, s25, s16, $0xb8;
	[tilespmem:$0x1E800] =	vst v63  }
0x44: {  	_ =	swait.ge [sflag:s19], $0x4000  }
0x45: {  	[sflag:s19] =	ssyncset.done $0x0  }
0x46: {  	[sflag:s19] =	ssyncadd.s32 $0xFFFFC000  }
0x47: {  	[spmem:s2] =	stream.indirect.scatter.add.f32 [tilespmem:s17], [sflag:$0x3], $0x80, s21, s16, $0xb8;
	[tilespmem:$0x1E800] =	vst v63  }
0x48: {  	_ =	swait.ge [sflag:s14], $0x4000  }
0x49: {  	[sflag:s14] =	ssyncset.done $0x0  }
0x4a: {  	[sflag:s14] =	ssyncadd.s32 $0xFFFFC000  }
0x4b: {  	_ =	swait.ge [sflag:s20], $0x4000  }
0x4c: {  	[sflag:s20] =	ssyncset.done $0x0  }
0x4d: {  	[sflag:s20] =	ssyncadd.s32 $0xFFFFC000  }
0x4e: {  	[spmem:s2] =	stream.indirect.scatter.add.f32 [tilespmem:s18], [sflag:$0x3], $0x80, s22, s16, $0xb8;
	[tilespmem:$0x1E800] =	vst v63  }
0x4f: {  	_ =	swait.ge [sflag:s14], $0x4000  }
0x50: {  	[sflag:s14] =	ssyncset.done $0x0  }
0x51: {  	s24 =	simm.s32 $0x0;
	[sflag:s14] =	ssyncadd.s32 $0xFFFFC000  }
0x52: {  	[tilespmem:s24], [sflag:$0x3] =	stream.linear.gather [hbm4b:s9+s24], $0x1400, $0x38;
	[tilespmem:$0x1E800] =	vst v63  }
0x53: {  	_ =	swait.ge [sflag:s14], $0x1400  }
0x54: {  	[sflag:s14] =	ssyncset.done $0x0  }
0x55: {  	[sflag:s14] =	ssyncadd.s32 $0xFFFFEC00  }
0x56: {  	[tilespmem:s15], [sflag:$0x3] =	stream.linear.gather [hbm4b:s10+s24], $0x1400, $0x38;
	[tilespmem:$0x1E800] =	vst v63  }
0x57: {  	_ =	swait.ge [sflag:s14], $0x1400  }
0x58: {  	[sflag:s14] =	ssyncset.done $0x0  }
0x59: {  	[sflag:s14] =	ssyncadd.s32 $0xFFFFEC00  }
0x5a: {  	[tilespmem:s17], [sflag:$0x1] =	stream.indirect.gather [hbm4b:s4+s16], $0x80, s24, s16, $0xb8;
	[tilespmem:$0x1E800] =	vst v63  }
0x5b: {  	_ = 	snop  }
0x5c: {  	[tilespmem:s18], [sflag:$0x2] =	stream.indirect.gather [hbm4b:s4+s16], $0x80, s16, s16, $0xb8;
	[tilespmem:$0x1E800] =	vst v63  }
0x5d: {  	_ =	swait.ge [sflag:s19], $0x4000  }
0x5e: {  	[sflag:s19] =	ssyncset.done $0x0  }
0x5f: {  	s29 =	simm.s32 $0x1400;
	[sflag:s19] =	ssyncadd.s32 $0xFFFFC000  }
0x60: {  	[spmem:s2] =	stream.indirect.scatter.add.f32 [tilespmem:s17], [sflag:$0x3], $0x80, s29, s16, $0xb8;
	[tilespmem:$0x1E800] =	vst v63  }
0x61: {  	_ =	swait.ge [sflag:s14], $0x4000  }
0x62: {  	[sflag:s14] =	ssyncset.done $0x0  }
0x63: {  	s30 =	simm.s32 $0x100;
	[sflag:s14] =	ssyncadd.s32 $0xFFFFC000  }
0x64: {  	[tilespmem:s17], [sflag:$0x1] =	stream.indirect.gather [hbm4b:s4+s16], $0x80, s30, s16, $0xb8;
	[tilespmem:$0x1E800] =	vst v63  }
0x65: {  	_ =	swait.ge [sflag:s20], $0x4000  }
0x66: {  	[sflag:s20] =	ssyncset.done $0x0  }
0x67: {  	s31 =	simm.s32 $0x1480;
	[sflag:s20] =	ssyncadd.s32 $0xFFFFC000  }
0x68: {  	[spmem:s2] =	stream.indirect.scatter.add.f32 [tilespmem:s18], [sflag:$0x3], $0x80, s31, s16, $0xb8;
	[tilespmem:$0x1E800] =	vst v63  }
0x69: {  	_ =	swait.ge [sflag:s14], $0x4000  }
0x6a: {  	[sflag:s14] =	ssyncset.done $0x0  }
0x6b: {  	s25 =	simm.s32 $0x180;
	s24 =	simm.s32 $0x400;
	[sflag:s14] =	ssyncadd.s32 $0xFFFFC000  }
.LBB2_4:
0x6c: {  	[tilespmem:s18], [sflag:$0x2] =	stream.indirect.gather [hbm4b:s4+s16], $0x80, s25, s16, $0xb8;
	[tilespmem:$0x1E800] =	vst v63  }
0x6d: {  	s25 =	smov.u32 s24  }
0x6e: {  	p0 =	sne.s32 s24, $0x4800;
	s24 =	sadd.s32 $0x400, s24;
	_ =	swait.ge [sflag:s19], $0x4000  }
0x6f: {  	s25 =	sshra.s32 s25, $0x2;
	[sflag:s19] =	ssyncset.done $0x0  }
0x70: {  	s26 =	sadd.s32 $0x1400, s25;
	[sflag:s19] =	ssyncadd.s32 $0xFFFFC000  }
0x71: {  	[spmem:s2] =	stream.indirect.scatter.add.f32 [tilespmem:s17], [sflag:$0x3], $0x80, s26, s16, $0xb8;
	[tilespmem:$0x1E800] =	vst v63  }
0x72: {  	_ =	swait.ge [sflag:s14], $0x4000  }
0x73: {  	[sflag:s14] =	ssyncset.done $0x0  }
0x74: {  	s26 =	sadd.s32 $0x100, s25;
	[sflag:s14] =	ssyncadd.s32 $0xFFFFC000  }
0x75: {  	[tilespmem:s17], [sflag:$0x1] =	stream.indirect.gather [hbm4b:s4+s16], $0x80, s26, s16, $0xb8;
	[tilespmem:$0x1E800] =	vst v63  }
0x76: {  	_ =	swait.ge [sflag:s20], $0x4000  }
0x77: {  	[sflag:s20] =	ssyncset.done $0x0  }
.Ltmp1:
0x78: {  	s26 =	sadd.s32 $0x1480, s25;
	[sflag:s20] =	ssyncadd.s32 $0xFFFFC000;
	(pc) =	sbr.rel @p0 .LBB2_4-.Ltmp1, $4  }
0x79: {  	[spmem:s2] =	stream.indirect.scatter.add.f32 [tilespmem:s18], [sflag:$0x3], $0x80, s26, s16, $0xb8;
	[tilespmem:$0x1E800] =	vst v63  }
0x7a: {  	_ =	swait.ge [sflag:s14], $0x4000  }
0x7b: {  	[sflag:s14] =	ssyncset.done $0x0  }
0x7c: {  	s25 =	sadd.s32 $0x180, s25;
	[sflag:s14] =	ssyncadd.s32 $0xFFFFC000  }
0x7d: {  	[tilespmem:s18], [sflag:$0x2] =	stream.indirect.gather [hbm4b:s4+s16], $0x80, s25, s16, $0xb8;
	[tilespmem:$0x1E800] =	vst v63  }
0x7e: {  	_ =	swait.ge [sflag:s19], $0x4000  }
0x7f: {  	[sflag:s19] =	ssyncset.done $0x0  }
0x80: {  	[sflag:s19] =	ssyncadd.s32 $0xFFFFC000  }
0x81: {  	[spmem:s2] =	stream.indirect.scatter.add.f32 [tilespmem:s17], [sflag:$0x3], $0x80, s21, s16, $0xb8;
	[tilespmem:$0x1E800] =	vst v63  }
0x82: {  	_ =	swait.ge [sflag:s14], $0x4000  }
0x83: {  	[sflag:s14] =	ssyncset.done $0x0  }
0x84: {  	[sflag:s14] =	ssyncadd.s32 $0xFFFFC000  }
0x85: {  	_ =	swait.ge [sflag:s20], $0x4000  }
0x86: {  	[sflag:s20] =	ssyncset.done $0x0  }
0x87: {  	[sflag:s20] =	ssyncadd.s32 $0xFFFFC000  }
0x88: {  	[spmem:s2] =	stream.indirect.scatter.add.f32 [tilespmem:s18], [sflag:$0x3], $0x80, s22, s16, $0xb8;
	[tilespmem:$0x1E800] =	vst v63  }
0x89: {  	_ =	swait.ge [sflag:s14], $0x4000  }
0x8a: {  	s23 =	sadd.s32 $0x1, s23;
	[sflag:s14] =	ssyncset.done $0x0  }
0x8b: {  	p0 =	sne.s32 s23, s12;
	[sflag:s14] =	ssyncadd.s32 $0xFFFFC000  }
.Ltmp2:
0x8c: {  	[bflag:$0x0] =	sbarrier.arrive $0xFFFF;
	(pc) =	sbr.rel @p0 .LBB2_1-.Ltmp2, $4  }
0x8d: {  	[hbm:s11], [sflag:s6] =	dma.local [spmem:s13], $0x2800  }
0x8e: {  	_ =	swait.ge [sflag:s14], $0x2800  }
0x8f: {  	[sflag:s14] =	ssyncset.done $0x0  }
0x90: {  	[sflag:s14] =	ssyncadd.s32 $0xFFFFD800  }
0x91: {  	_ =	sfence.sel $0x180000  }
0x92: {  	[bflag:$0x0] =	sbarrier.arrive $0xFFFF  }
0x93: {  	p0 =	sne.s32 s1, $0x0;
	_ =	strace $0x9000004D  }
0x94: {  	s0 =	sadd.s32 @!p0 $0x100000, s0;
	[bflag:$0x2] =	sbarrier.arrive $0xFFFF  }
0x95: {  	[sflag:s0] =	ssyncadd.tile.s32 @!p0 $0x1;
	_ =	shalt  }
.Lfunc_end2:
_tile_overlayer_lowered:
.L_overlay_start_2:
0x96: {  	(tag) =	ssettag $0x2  }
0x97: {  	s0 =	rddreg [dreg:$0x0];
	s2 =	stileid.u32  }
0x98: {  	s1 =	rddreg [dreg:$0x1];
	p0 =	sne.s32 s2, $0x0  }
0x99: {  	s3 =	rddreg [dreg:$0x2];
	[bflag:$0x3] =	sbarrier.arrive $0xFFFF;
	s2 =	simm.s32 @!p0 $0x1C03  }
0x9a: {  	[timem:s3], [sflag:s2] =	dma.local @!p0 [hbm:s0], s1  }
0x9b: {  	s0 =	simm.s32 @!p0 $0x3  }
0x9c: {  	_ =	swait.ge @!p0 [sflag:s0], s1  }
0x9d: {  	s1 =	ssub.s32 @!p0 $0x0, s1;
	[sflag:s0] =	ssyncset.done @!p0 $0x0  }
0x9e: {  	[sflag:s0] =	ssyncadd.s32 @!p0 s1  }
0x9f: {  	[bflag:$0x3] =	sbarrier.arrive $0xFFFF  }
0xa0: {  	_ =	shalt  }

// kernel: kernel.19.cloned.1.call-start
scs
__scs_entry_jumppad:
0x0: {  	(pc) =	sbr.rel $0x88, $3  }
0x1: {  	(tag) =	ssettag $0x0;
	lr =	simm.s32 $0x1  }
0x2: {  	[smem:$0x3F99] =	sst lr;
	_ =	strace $0xD0000000  }
0x3: {  	_ = 	snop  }
0x4: {  	_ = 	snop  }
0x5: {  	_ = 	snop  }
0x6: {  	_ = 	snop  }
0x7: {  	_ = 	snop  }
__scs_overlays_trampoline_lowered:
0x8: {  	[smem:$0x3FA8] =	sst s0  }
0x9: {  	[smem:$0x3FA9] =	sst s1  }
0xa: {  	[smem:$0x3FAA] =	sst s2  }
0xb: {  	[smem:$0x3FAB] =	sst s3  }
0xc: {  	[smem:$0x3FAC] =	sst s4  }
0xd: {  	[smem:$0x3FAD] =	sst s5  }
0xe: {  	[smem:$0x3FAE] =	sst s6  }
0xf: {  	[smem:$0x3FAF] =	sst s7  }
0x10: {  	[smem:$0x3FB0] =	sst s8  }
0x11: {  	[smem:$0x3FB1] =	sst s9;
	s0 =	simm.s32 @!p0 $0x0  }
0x12: {  	s1 =	sld [smem:$0x3F97];
	s0 =	simm.s32 @p0 $0x1  }
0x13: {  	[smem:$0x3FB2] =	sst s0;
	s0 =	simm.s32 @!p1 $0x0  }
0x14: {  	s2 =	sld [smem:$0x3F96];
	s0 =	simm.s32 @p1 $0x1  }
0x15: {  	[smem:$0x3FB3] =	sst s0;
	s0 =	simm.s32 @!p2 $0x0  }
0x16: {  	s3 =	sld [smem:$0x3FDB];
	s0 =	simm.s32 @p2 $0x1  }
0x17: {  	s4 =	simm.s32 $0x1BF5;
	[smem:$0x3FB5] =	sst s0  }
0x18: {  	s0 =	sld [smem:$0x3F98];
	_ =	swait.ge [sflag:s4], $0x0  }
0x19: {  	s7 =	sld [smem:$0x3F99]  }
0x1a: {  	s8 =	sadd.s32 $0xFFFFE003, lr  }
0x1b: {  	s9 =	sadd.s32 $0xFFFFFEF7, lr;
	s5 =	simm.s32 $0xFFFFFFFF;
	p2 =	slt.u32 s8, $0xFFFFF086  }
0x1c: {  	p1 =	slt.u32 s9, $0xF7A;
	s5 =	simm.s32 @!p2 $0x0  }
0x1d: {  	s5 =	simm.s32 @p1 $0x1;
	p0 =	seq.s32 s7, s2  }
0x1e: {  	s7 =	smul.u32 @!p0 $0xF7A, s2;
	p2 =	seq.s32 @!p0 s5, $0x0  }
0x1f: {  	s9 =	smul.u32 $0xF7A, s1;
	s8 =	simm.s32 @!p0 $0x1BF5;
	p2 =	por !p2, p0  }
0x20: {  	[sflag:s8] =	ssyncset.s32 @!p0 $0xFFFFF086;
	s6 =	sadd.s32 @!p0 s3, s7;
	s7 =	simm.s32 @!p0 $0x108  }
0x21: {  	s3 =	sadd.s32 s3, s9;
	s6 =	sadd.s32 @!p0 $0x88, s6;
	s7 =	simm.s32 @p2 $0x1082  }
0x22: {  	[simem:s7], [sflag:s8] =	dma.local @!p0 [hbm:s6], $0xF7A  }
0x23: {  	s9 =	sor.u32 $0xD0000000, s2;
	s6 =	simm.s32 $0x108;
	_ =	swait.ge @!p0 [sflag:s8], $0x0  }
0x24: {  	s3 =	sadd.s32 $0x88, s3;
	s6 =	simm.s32 @!p1 $0x1082;
	[sflag:s4] =	ssyncset.s32 $0xFFFFF086  }
0x25: {  	[simem:s6], [sflag:s4] =	dma.local [hbm:s3], $0xF7A  }
0x26: {  	[smem:$0x3F99] =	sst s1;
	(tag) =	ssettag s2;
	_ =	strace s9  }
0x27: {  	s1 =	sld [smem:$0x3FA9]  }
0x28: {  	s2 =	sld [smem:$0x3FAA]  }
0x29: {  	s4 =	sld [smem:$0x3FAC]  }
0x2a: {  	p0 =	seq.s32 s5, $0x0;
	s5 =	sld [smem:$0x3FAD]  }
0x2b: {  	s6 =	sld [smem:$0x3FAE]  }
0x2c: {  	s7 =	sld [smem:$0x3FAF]  }
0x2d: {  	s3 =	simm.s32 $0x108;
	s8 =	sld [smem:$0x3FB0]  }
0x2e: {  	s3 =	simm.s32 @!p0 $0x1082;
	s9 =	sld [smem:$0x3FB1]  }
0x2f: {  	lr =	sadd.s32 s0, s3;
	s0 =	sld [smem:$0x3FA8]  }
0x30: {  	s3 =	sld [smem:$0x3FAB]  }
0x31: {  	[smem:$0x3FB4] =	sst s10  }
0x32: {  	s10 =	sld [smem:$0x3FB2];
	_ =	sdelay $0x3  }
0x33: {  	p0 =	seq.s32 s10, $0x1;
	s10 =	sld [smem:$0x3FB4];
	_ =	sdelay $0x3  }
0x34: {  	[smem:$0x3FB4] =	sst s10  }
0x35: {  	s10 =	sld [smem:$0x3FB3];
	_ =	sdelay $0x3  }
0x36: {  	p1 =	seq.s32 s10, $0x1;
	s10 =	sld [smem:$0x3FB4];
	_ =	sdelay $0x3  }
0x37: {  	[smem:$0x3FB4] =	sst s10  }
0x38: {  	s10 =	sld [smem:$0x3FB5]  }
0x39: {  	_ = 	snop;
	(pc) =	sbr.ind lr, $3  }
0x3a: {  	_ = 	snop  }
0x3b: {  	_ = 	snop  }
0x3c: {  	p2 =	seq.s32 s10, $0x1;
	s10 =	sld [smem:$0x3FB4]  }
0x3d: {  	_ =	shalt  }
0x3e: {  	_ =	shalt  }
0x3f: {  	_ =	shalt  }
0x40: {  	_ =	shalt  }
0x41: {  	_ =	shalt  }
0x42: {  	_ =	shalt  }
0x43: {  	_ =	shalt  }
0x44: {  	_ =	shalt  }
0x45: {  	_ =	shalt  }
0x46: {  	_ =	shalt  }
0x47: {  	_ =	shalt  }
0x48: {  	_ =	shalt  }
0x49: {  	_ =	shalt  }
0x4a: {  	_ =	shalt  }
0x4b: {  	_ =	shalt  }
0x4c: {  	_ =	shalt  }
0x4d: {  	_ =	shalt  }
0x4e: {  	_ =	shalt  }
0x4f: {  	_ =	shalt  }
0x50: {  	_ =	shalt  }
0x51: {  	_ =	shalt  }
0x52: {  	_ =	shalt  }
0x53: {  	_ =	shalt  }
0x54: {  	_ =	shalt  }
0x55: {  	_ =	shalt  }
0x56: {  	_ =	shalt  }
0x57: {  	_ =	shalt  }
0x58: {  	_ =	shalt  }
0x59: {  	_ =	shalt  }
0x5a: {  	_ =	shalt  }
0x5b: {  	_ =	shalt  }
0x5c: {  	_ =	shalt  }
0x5d: {  	_ =	shalt  }
0x5e: {  	_ =	shalt  }
0x5f: {  	_ =	shalt  }
0x60: {  	_ =	shalt  }
0x61: {  	_ =	shalt  }
0x62: {  	_ =	shalt  }
0x63: {  	_ =	shalt  }
0x64: {  	_ =	shalt  }
0x65: {  	_ =	shalt  }
0x66: {  	_ =	shalt  }
0x67: {  	_ =	shalt  }
0x68: {  	_ =	shalt  }
0x69: {  	_ =	shalt  }
0x6a: {  	_ =	shalt  }
0x6b: {  	_ =	shalt  }
0x6c: {  	_ =	shalt  }
0x6d: {  	_ =	shalt  }
0x6e: {  	_ =	shalt  }
0x6f: {  	_ =	shalt  }
0x70: {  	_ =	shalt  }
0x71: {  	_ =	shalt  }
0x72: {  	_ =	shalt  }
0x73: {  	_ =	shalt  }
0x74: {  	_ =	shalt  }
0x75: {  	_ =	shalt  }
0x76: {  	_ =	shalt  }
0x77: {  	_ =	shalt  }
0x78: {  	_ =	shalt  }
0x79: {  	_ =	shalt  }
0x7a: {  	_ =	shalt  }
0x7b: {  	_ =	shalt  }
0x7c: {  	_ =	shalt  }
0x7d: {  	_ =	shalt  }
0x7e: {  	_ =	shalt  }
0x7f: {  	_ =	shalt  }
0x80: {  	_ =	shalt  }
0x81: {  	_ =	shalt  }
0x82: {  	_ =	shalt  }
0x83: {  	_ =	shalt  }
0x84: {  	_ =	shalt  }
0x85: {  	_ =	shalt  }
0x86: {  	_ =	shalt  }
0x87: {  	_ =	shalt  }
.Lfunc_end0:
.L_simem_size_0:
called_computation.3_lowered:
.L_overlay_start_0:
0x88: {  	s2 =	sld [smem:$0x3FD9]  }
0x89: {  	s3 =	sld [smem:$0x3FFE];
	_ =	sdelay $0x1  }
0x8a: {  	s1 =	srdreg.scid  }
0x8b: {  	s0 =	sand.u32 $0x1, s1  }
0x8c: {  	s16 =	sshll.u32 s0, $0xA;
	s2 =	sadd.s32 s3, s2  }
0x8d: {  	s2 =	sadd.s32 s2, s16  }
0x8e: {  	[smem:$0x3FC0] =	sst s2  }
0x8f: {  	_ = 	snop  }
0x90: {  	(tm) =	ssettm $0x1  }
0x91: {  	s17 =	sld [smem:$0x3FFB];
	_ =	sdelay $0x3  }
0x92: {  	_ =	strace s17  }
0x93: {  	s2 =	sld [smem:$0x3FFC];
	_ =	sdelay $0x3  }
0x94: {  	_ =	strace s2  }
0x95: {  	s2 =	sld [smem:$0x3FFD];
	_ =	sdelay $0x3  }
0x96: {  	_ =	strace s2  }
0x97: {  	_ =	strace $0x8FFFFFFF  }
0x98: {  	s18 =	sld [smem:$0x3FDB];
	_ =	sdelay $0x1  }
0x99: {  	s19 =	simm.s32 $_scs_section_size  }
0x9a: {  	s4 =	simm.s32 $_size__tile_overlayer_lowered;
	s5 =	simm.s32 $_tile_overlayer_lowered  }
0x9b: {  	s22 =	simm.s32 $0x1BFF;
	s21 =	sshll.u32 s5, $0x1;
	s2 =	sadd.s32 s19, s18  }
0x9c: {  	s6 =	simm.s32 $0x0;
	s20 =	sshll.u32 s4, $0x1;
	s4 =	sadd.s32 s21, s2  }
0x9d: {  	[timem:s6], [sflag:s22] =	dma.local [hbm:s4], s20  }
0x9e: {  	_ =	swait.ge [sflag:s22], s20  }
0x9f: {  	s3 =	ssub.s32 $0x0, s20;
	[sflag:s22] =	ssyncset.done $0x0  }
0xa0: {  	[sflag:s22] =	ssyncadd.s32 s3;
	_ =	sdelay $0x1  }
0xa1: {  	s23 =	simm.s32 $0x1B8B  }
0xa2: {  	_ =	swait.ge [sflag:s23], $0x1  }
0xa3: {  	[sflag:s23] =	ssyncset.done $0x0  }
0xa4: {  	s25 =	simm.s32 $0x1B8E;
	s24 =	sld [smem:$0x3FFE];
	[sflag:s23] =	ssyncadd.s32 $0xFFFFFFFF  }
0xa5: {  	s26 =	simm.s32 $execute0_lowered;
	[smem:$0x3FD2] =	sst s25  }
0xa6: {  	s4 =	sshll.u32 s26, $0x1;
	_ =	strace $0x8000004F;
	[dreg:$0x1] =	wrdreg $0xFFFFFFFF  }
0xa7: {  	s28 =	simm.s32 $_size_execute0_lowered;
	s2 =	sadd.s32 s2, s4;
	[dreg:$0x0] =	wrdreg $0x0  }
0xa8: {  	s4 =	sshll.u32 s28, $0x1;
	[dreg:$0x2] =	wrdreg s2  }
0xa9: {  	[dreg:$0x3] =	wrdreg s4  }
0xaa: {  	[dreg:$0x4] =	wrdreg $0xC0  }
0xab: {  	_ =	task [dreg:s6], $0x5FFFF  }
0xac: {  	[dreg:$0x1] =	wrdreg $0xFFFFFFFF  }
0xad: {  	[dreg:$0x0] =	wrdreg $0x60  }
0xae: {  	[dreg:$0x2] =	wrdreg s24  }
0xaf: {  	[dreg:$0x3] =	wrdreg $0x9  }
0xb0: {  	_ =	task.clear_ibuf [dreg:s6], $0x4FFFF;
	_ =	strace $0x9000004F  }
0xb1: {  	s29 =	simm.s32 $0x9;
	_ =	strace $0x80000051  }
0xb2: {  	_ =	swait.ge [sflag:s29], $0x1  }
0xb3: {  	[sflag:s29] =	ssyncadd.s32 $0xFFFFFFFF  }
0xb4: {  	_ =	strace $0x90000051  }
0xb5: {  	_ =	sfence  }
0xb6: {  	s30 =	sld [smem:$0x0];
	_ =	sdelay $0x2  }
0xb7: {  	s31 =	sshll.u32 s1, $0xD;
	s1 =	sshrl.u32 s1, $0x2  }
0xb8: {  	s3 =	sand.u32 $0x4000, s31;
	s1 =	sadd.s32 s1, s30  }
0xb9: {  	s0 =	sor.u32 s3, s0;
	s1 =	sshll.u32 s1, $0x11  }
0xba: {  	s0 =	sor.u32 s1, s0  }
0xbb: {  	s0 =	sadd.s32 $0x8F2B, s0  }
0xbc: {  	[sflag:s0] =	ssyncadd.remote.s32 $0x1  }
0xbd: {  	_ =	sfence.sel $0xFFFF  }
0xbe: {  	[dreg:$0x0] =	wrdreg $0xFFFFFFFF;
	(pc) =	sbr.abs _section_cstart, $3  }
0xbf: {  	[dreg:$0x1] =	wrdreg $0xFFFFFFFF  }
0xc0: {  	_ =	task.clear_ibuf [dreg:s6], $0x2FFFF;
	_ =	strace $0x9FFFFFFF  }
0xc1: {  	(tm) =	ssettm $0x7FFFFFFF  }
tec
execute0_lowered:
.L_overlay_start_1:
0x0: {  	(tag) =	ssettag $0x1  }
0x1: {  	s0 =	srdreg.scid  }
0x2: {  	s4 =	rddreg [dreg:$0x0];
	s1 =	stileid.u32;
	s2 =	simm.s32 $0x0  }
0x3: {  	s11 =	simm.s32 $0x80;
	s12 =	simm.s32 $0x1C00;
	s13 =	simm.s32 $0x5C00  }
0x4: {  	s14 =	simm.s32 $0x1;
	s15 =	simm.s32 $0x2;
	s6 =	smul.u32 $0x1C00, s1  }
0x5: {  	s5 =	sand.u32 $0x1, s0;
	s0 =	rddreg [dreg:$0x1];
	s8 =	smul.u32 $0x70000, s1  }
0x6: {  	s16 =	simm.s32 $0x0;
	[smem:$0x7FF] =	sst s2;
	s3 =	smul.u32 $0x1C000, s5  }
0x7: {  	s10 =	sadd.s32 $0x10CA00, s4;
	s7 =	smul.u32 $0x700000, s5;
	s5 =	ssub.s32 $0x2, s5  }
0x8: {  	_ =	strace $0x80000050;
	s9 =	sshrl.u32 s5, $0x1;
	s6 =	sadd.s32 s6, s3  }
0x9: {  	s3 =	sadd.s32 $0x1A00, s4;
	s7 =	sadd.s32 s8, s7;
	s29 =	ssub.s32 s5, s9  }
0xa: {  	s6 =	sshrl.u32 s6, $0x3;
	s30 =	sshrl.u32 s7, $0x3;
	s31 =	sadd.s32 $0xE00000, s7  }
0xb: {  	s8 =	smax.u32 s29, $0x1;
	s6 =	sadd.s32 s6, s4;
	s5 =	sadd.s32 s30, s10  }
0xc: {  	s9 =	sshrl.u32 s31, $0x3;
	s4 =	sadd.s32 $0x105A00, s6;
	s6 =	sadd.s32 $0xD800, s5  }
0xd: {  	s7 =	sadd.s32 $0x1CD800, s5;
	s9 =	sadd.s32 s9, s10;
	s10 =	simm.s32 $0x3  }
.LBB2_1:
0xe: {  	[tilespmem:s2], [sflag:$0x3] =	stream.linear.gather [hbm4b:s4+s2], $0x1C00, $0x38;
	[tilespmem:$0x9C00] =	vst v63  }
0xf: {  	_ =	swait.ge [sflag:s10], $0x1C00  }
0x10: {  	[sflag:s10] =	ssyncset.done $0x0  }
0x11: {  	[sflag:s10] =	ssyncadd.s32 $0xFFFFE400  }
0x12: {  	[tilespmem:s12], [sflag:$0x1] =	stream.indirect.gather [hbm4b:s3+s11], $0x80, s2, s11, $0xb8;
	[tilespmem:$0x9C00] =	vst v63  }
0x13: {  	_ = 	snop  }
0x14: {  	[tilespmem:s13], [sflag:$0x2] =	stream.indirect.gather [hbm4b:s3+s11], $0x80, s11, s11, $0xb8;
	[tilespmem:$0x9C00] =	vst v63  }
0x15: {  	_ =	swait.ge [sflag:s14], $0x4000  }
0x16: {  	[sflag:s14] =	ssyncset.done $0x0  }
0x17: {  	s17 =	sadd.s32 $0x0, s5;
	[sflag:s14] =	ssyncadd.s32 $0xFFFFC000  }
0x18: {  	[hbm4b:s17+s2] =	stream.linear.scatter [tilespmem:s12], [sflag:$0x3], $0x4000, $0x38;
	[tilespmem:$0x9C00] =	vst v63  }
0x19: {  	_ =	swait.ge [sflag:s10], $0x4000  }
0x1a: {  	[sflag:s10] =	ssyncset.done $0x0  }
0x1b: {  	s30 =	simm.s32 $0x100;
	[sflag:s10] =	ssyncadd.s32 $0xFFFFC000  }
0x1c: {  	[tilespmem:s12], [sflag:$0x1] =	stream.indirect.gather [hbm4b:s3+s11], $0x80, s30, s11, $0xb8;
	[tilespmem:$0x9C00] =	vst v63  }
0x1d: {  	_ =	swait.ge [sflag:s15], $0x4000  }
0x1e: {  	[sflag:s15] =	ssyncset.done $0x0  }
0x1f: {  	s31 =	sadd.s32 $0x0, s9;
	[sflag:s15] =	ssyncadd.s32 $0xFFFFC000  }
0x20: {  	[hbm4b:s31+s2] =	stream.linear.scatter [tilespmem:s13], [sflag:$0x3], $0x4000, $0x38;
	[tilespmem:$0x9C00] =	vst v63  }
0x21: {  	_ =	swait.ge [sflag:s10], $0x4000  }
0x22: {  	s18 =	simm.s32 $0x800;
	[sflag:s10] =	ssyncset.done $0x0  }
0x23: {  	s19 =	simm.s32 $0x280;
	s17 =	simm.s32 $0x180;
	[sflag:s10] =	ssyncadd.s32 $0xFFFFC000  }
.LBB2_2:
0x24: {  	[tilespmem:s13], [sflag:$0x2] =	stream.indirect.gather [hbm4b:s3+s11], $0x80, s17, s11, $0xb8;
	[tilespmem:$0x9C00] =	vst v63  }
0x25: {  	s20 =	smov.u32 s18;
	s17 =	smov.u32 s19  }
0x26: {  	p0 =	sne.s32 s18, $0xD000;
	s18 =	sadd.s32 $0x800, s18;
	_ =	swait.ge [sflag:s14], $0x4000  }
0x27: {  	[sflag:s14] =	ssyncset.done $0x0  }
0x28: {  	s21 =	sadd.s32 s20, s5;
	[sflag:s14] =	ssyncadd.s32 $0xFFFFC000  }
0x29: {  	[hbm4b:s21+s2] =	stream.linear.scatter [tilespmem:s12], [sflag:$0x3], $0x4000, $0x38;
	[tilespmem:$0x9C00] =	vst v63  }
0x2a: {  	_ =	swait.ge [sflag:s10], $0x4000  }
0x2b: {  	[sflag:s10] =	ssyncset.done $0x0  }
0x2c: {  	s21 =	sadd.s32 $0xFFFFFF80, s19;
	[sflag:s10] =	ssyncadd.s32 $0xFFFFC000  }
0x2d: {  	[tilespmem:s12], [sflag:$0x1] =	stream.indirect.gather [hbm4b:s3+s11], $0x80, s21, s11, $0xb8;
	[tilespmem:$0x9C00] =	vst v63  }
0x2e: {  	_ =	swait.ge [sflag:s15], $0x4000  }
0x2f: {  	[sflag:s15] =	ssyncset.done $0x0  }
.Ltmp0:
0x30: {  	s20 =	sadd.s32 s20, s9;
	[sflag:s15] =	ssyncadd.s32 $0xFFFFC000;
	(pc) =	sbr.rel @p0 .LBB2_2-.Ltmp0, $4  }
0x31: {  	[hbm4b:s20+s2] =	stream.linear.scatter [tilespmem:s13], [sflag:$0x3], $0x4000, $0x38;
	[tilespmem:$0x9C00] =	vst v63  }
0x32: {  	_ =	swait.ge [sflag:s10], $0x4000  }
0x33: {  	[sflag:s10] =	ssyncset.done $0x0  }
0x34: {  	s19 =	sadd.s32 $0x100, s19;
	[sflag:s10] =	ssyncadd.s32 $0xFFFFC000  }
0x35: {  	[tilespmem:s13], [sflag:$0x2] =	stream.indirect.gather [hbm4b:s3+s11], $0x80, s17, s11, $0xb8;
	[tilespmem:$0x9C00] =	vst v63  }
0x36: {  	_ =	swait.ge [sflag:s14], $0x4000  }
0x37: {  	[sflag:s14] =	ssyncset.done $0x0  }
0x38: {  	[sflag:s14] =	ssyncadd.s32 $0xFFFFC000  }
0x39: {  	[hbm4b:s6+s2] =	stream.linear.scatter [tilespmem:s12], [sflag:$0x3], $0x4000, $0x38;
	[tilespmem:$0x9C00] =	vst v63  }
0x3a: {  	_ =	swait.ge [sflag:s10], $0x4000  }
0x3b: {  	[sflag:s10] =	ssyncset.done $0x0  }
0x3c: {  	[sflag:s10] =	ssyncadd.s32 $0xFFFFC000  }
0x3d: {  	s16 =	sadd.s32 $0x1, s16;
	_ =	swait.ge [sflag:s15], $0x4000  }
0x3e: {  	p0 =	sne.s32 s16, s8;
	[sflag:s15] =	ssyncset.done $0x0  }
.Ltmp1:
0x3f: {  	[sflag:s15] =	ssyncadd.s32 $0xFFFFC000;
	(pc) =	sbr.rel @p0 .LBB2_1-.Ltmp1, $4  }
0x40: {  	[hbm4b:s7+s2] =	stream.linear.scatter [tilespmem:s13], [sflag:$0x3], $0x4000, $0x38;
	[tilespmem:$0x9C00] =	vst v63  }
0x41: {  	_ =	swait.ge [sflag:s10], $0x4000  }
0x42: {  	[sflag:s10] =	ssyncset.done $0x0  }
0x43: {  	[sflag:s10] =	ssyncadd.s32 $0xFFFFC000  }
0x44: {  	_ =	sfence.sel $0x180000  }
0x45: {  	[bflag:$0x0] =	sbarrier.arrive $0xFFFF  }
0x46: {  	p0 =	sne.s32 s1, $0x0;
	_ =	strace $0x90000050  }
0x47: {  	s0 =	sadd.s32 @!p0 $0x100000, s0;
	[bflag:$0x2] =	sbarrier.arrive $0xFFFF  }
0x48: {  	[sflag:s0] =	ssyncadd.tile.s32 @!p0 $0x1;
	_ =	shalt  }
.Lfunc_end2:
_tile_overlayer_lowered:
.L_overlay_start_2:
0x49: {  	(tag) =	ssettag $0x2  }
0x4a: {  	s0 =	rddreg [dreg:$0x0];
	s2 =	stileid.u32  }
0x4b: {  	s1 =	rddreg [dreg:$0x1];
	p0 =	sne.s32 s2, $0x0  }
0x4c: {  	s3 =	rddreg [dreg:$0x2];
	[bflag:$0x3] =	sbarrier.arrive $0xFFFF;
	s2 =	simm.s32 @!p0 $0x1C03  }
0x4d: {  	[timem:s3], [sflag:s2] =	dma.local @!p0 [hbm:s0], s1  }
0x4e: {  	s0 =	simm.s32 @!p0 $0x3  }
0x4f: {  	_ =	swait.ge @!p0 [sflag:s0], s1  }
0x50: {  	s1 =	ssub.s32 @!p0 $0x0, s1;
	[sflag:s0] =	ssyncset.done @!p0 $0x0  }
0x51: {  	[sflag:s0] =	ssyncadd.s32 @!p0 s1  }
0x52: {  	[bflag:$0x3] =	sbarrier.arrive $0xFFFF  }
0x53: {  	_ =	shalt  }

</sc_bundles>
